<compile_context>
chip_gen: v7x
topology: tpu7x:2x2x1
jax: 0.10.2.dev20260603
libtpu: 0.0.44.dev20260713+nightly
codegen_flags: <defaults>
</compile_context>

<pallas_src>
import functools

import jax
import jax.numpy as jnp
from jax import lax
from jax.experimental import pallas as pl
from jax.experimental.pallas import tpu as pltpu
from jax.experimental.pallas import tpu_sc as plsc

F32 = jnp.float32


def _silu(x):
    return x * (1.0 / (1.0 + jnp.exp(-x)))




def _node_pre(h, wa, wb, bn=2000):
    n, d = h.shape

    def body(h_r, wa_r, wb_r, a_r, b_r):
        hblk = h_r[...]
        a_r[...] = jnp.dot(hblk, wa_r[...], preferred_element_type=F32)
        b_r[...] = jnp.dot(hblk, wb_r[...], preferred_element_type=F32)

    return pl.pallas_call(
        body,
        grid=(n // bn,),
        in_specs=[
            pl.BlockSpec((bn, d), lambda i: (i, 0)),
            pl.BlockSpec((d, d), lambda i: (0, 0)),
            pl.BlockSpec((d, d), lambda i: (0, 0)),
        ],
        out_specs=[
            pl.BlockSpec((bn, d), lambda i: (i, 0)),
            pl.BlockSpec((bn, d), lambda i: (i, 0)),
        ],
        out_shape=[
            jax.ShapeDtypeStruct((n, d), F32),
            jax.ShapeDtypeStruct((n, d), F32),
        ],
    )(h, wa, wb)




def _gather_stage(a, b, cx, cy, cz, row, col):
    n, d = a.shape
    e = row.shape[0]
    info = plsc.get_sparse_core_info()
    nc, ns = info.num_cores, info.num_subcores
    nw = nc * ns
    ew = e // nw
    c = 80
    nch = ew // c
    mesh = plsc.VectorSubcoreMesh(core_axis_name="c", subcore_axis_name="s")

    @functools.partial(
        pl.kernel,
        mesh=mesh,
        compiler_params=pltpu.CompilerParams(needs_layout_passes=False),
        out_type=[
            jax.ShapeDtypeStruct((e, d), F32),
            jax.ShapeDtypeStruct((e, 16), F32),
        ],
        scratch_types=[
            pltpu.VMEM((c,), jnp.int32),
            pltpu.VMEM((c,), jnp.int32),
            pltpu.VMEM((n,), F32),
            pltpu.VMEM((n,), F32),
            pltpu.VMEM((n,), F32),
            pltpu.VMEM((c, d), F32),
            pltpu.VMEM((c, d), F32),
            pltpu.VMEM((c, 16), F32),
            pltpu.SemaphoreType.DMA,
            pltpu.SemaphoreType.DMA,
        ],
    )
    def k(a_h, b_h, cx_h, cy_h, cz_h, row_h, col_h, g0_h, cd_h,
          idx_r, idx_c, cxv, cyv, czv, abuf, bbuf, cdbuf, sa, sb):
        wid = lax.axis_index("s") * nc + lax.axis_index("c")
        wbase = wid * ew
        pltpu.sync_copy(cx_h, cxv)
        pltpu.sync_copy(cy_h, cyv)
        pltpu.sync_copy(cz_h, czv)

        def zb(i, cy_):
            cdbuf[i, :] = jnp.zeros((16,), F32)
            return cy_

        lax.fori_loop(0, c, zb, 0)
        lane = lax.broadcasted_iota(jnp.int32, (16,), 0)
        czero = jnp.zeros((16,), jnp.int32)

        def chunk(ch, carry):
            base = wbase + ch * c
            pltpu.sync_copy(row_h.at[pl.ds(base, c)], idx_r)
            pltpu.sync_copy(col_h.at[pl.ds(base, c)], idx_c)
            ca = pltpu.async_copy(a_h.at[idx_r], abuf, sa)
            cb = pltpu.async_copy(b_h.at[idx_c], bbuf, sb)

            for g in range(c // 16):
                sl = pl.ds(g * 16, 16)
                ir = idx_r[sl]
                ic = idx_c[sl]
                rows = g * 16 + lane
                dx = plsc.load_gather(cxv, [ir]) - plsc.load_gather(cxv, [ic])
                plsc.store_scatter(cdbuf, [rows, czero], dx)
                dy = plsc.load_gather(cyv, [ir]) - plsc.load_gather(cyv, [ic])
                plsc.store_scatter(cdbuf, [rows, czero + 1], dy)
                dz = plsc.load_gather(czv, [ir]) - plsc.load_gather(czv, [ic])
                plsc.store_scatter(cdbuf, [rows, czero + 2], dz)

            ca.wait()
            cb.wait()

            def rbody(i, cy_):
                for j in range(d // 16):
                    sl2 = pl.ds(j * 16, 16)
                    abuf[i, sl2] = abuf[i, sl2] + bbuf[i, sl2]
                return cy_

            lax.fori_loop(0, c, rbody, 0)
            pltpu.sync_copy(abuf, g0_h.at[pl.ds(base, c)])
            pltpu.sync_copy(cdbuf, cd_h.at[pl.ds(base, c)])
            return carry

        lax.fori_loop(0, nch, chunk, 0)

    return k(a, b, cx, cy, cz, row, col)




def _edge_stage(g0, cdp, ea, wr, we, eb1, ew2, eb2, cw1, cb1, cw2t, be=2000):
    e, d = g0.shape
    de = ea.shape[1]

    def body(g_r, cd_r, ea_r, wr_r, we_r, eb1_r, ew2_r, eb2_r, cw1_r, cb1_r,
             cw2_r, ef_r, t_r):
        cd = cd_r[...]
        radial = jnp.sum(cd * cd, axis=1, keepdims=True)
        pre1 = (g_r[...] + radial * wr_r[...]
                + jnp.dot(ea_r[...], we_r[...], preferred_element_type=F32)
                + eb1_r[...])
        m = _silu(pre1)
        ef = _silu(jnp.dot(m, ew2_r[...], preferred_element_type=F32)
                   + eb2_r[...])
        cm = _silu(jnp.dot(ef, cw1_r[...], preferred_element_type=F32)
                   + cb1_r[...])
        s = jnp.sum(cm * cw2_r[...], axis=1, keepdims=True)
        lane = lax.broadcasted_iota(jnp.int32, (be, 16), 1)
        t_r[...] = cd * s + jnp.where(lane == 3, 1.0, 0.0).astype(F32)
        ef_r[...] = ef

    zero2 = lambda i: (0, 0)
    return pl.pallas_call(
        body,
        grid=(e // be,),
        in_specs=[
            pl.BlockSpec((be, d), lambda i: (i, 0)),
            pl.BlockSpec((be, 16), lambda i: (i, 0)),
            pl.BlockSpec((be, de), lambda i: (i, 0)),
            pl.BlockSpec((1, d), zero2),
            pl.BlockSpec((de, d), zero2),
            pl.BlockSpec((1, d), zero2),
            pl.BlockSpec((d, d), zero2),
            pl.BlockSpec((1, d), zero2),
            pl.BlockSpec((d, d), zero2),
            pl.BlockSpec((1, d), zero2),
            pl.BlockSpec((1, d), zero2),
        ],
        out_specs=[
            pl.BlockSpec((be, d), lambda i: (i, 0)),
            pl.BlockSpec((be, 16), lambda i: (i, 0)),
        ],
        out_shape=[
            jax.ShapeDtypeStruct((e, d), F32),
            jax.ShapeDtypeStruct((e, 16), F32),
        ],
    )(g0, cdp, ea, wr, we, eb1, ew2, eb2, cw1, cb1, cw2t)




def _scatter_stage(ef, t16, row, n):
    e, d = ef.shape
    info = plsc.get_sparse_core_info()
    nc, ns = info.num_cores, info.num_subcores
    nw = nc * ns
    ewk = e // nw
    c = 80
    nch = ewk // c
    segr = 5056
    sega = 5120
    nseg = 2
    nzc = sega // 8 // ns
    mesh = plsc.VectorSubcoreMesh(core_axis_name="c", subcore_axis_name="s")

    @functools.partial(
        pl.kernel,
        mesh=mesh,
        compiler_params=pltpu.CompilerParams(needs_layout_passes=False),
        out_type=[
            jax.ShapeDtypeStruct((nc, nseg * sega, d), F32),
            jax.ShapeDtypeStruct((nc, nseg * sega, d), F32),
        ],
        scratch_types=[
            pltpu.VMEM((c,), jnp.int32),
            pltpu.VMEM((c,), jnp.int32),
            pltpu.VMEM((c, d), F32),
            pltpu.VMEM((c, 16), F32),
            pltpu.VMEM((c, d), F32),
            pltpu.VMEM((8, d), F32),
            pltpu.VMEM_SHARED((sega, d), F32),
        ],
    )
    def k(ef_h, t_h, row_h, hp_h, tp_h,
          idx_v, idx2_v, efbuf, tbuf16, tbuf, zbuf, hacc):
        cid = lax.axis_index("c")
        sid = lax.axis_index("s")
        wid = sid * nc + cid
        wbase = wid * ewk

        for i in range(8):
            for j in range(d // 16):
                zbuf[i, pl.ds(j * 16, 16)] = jnp.zeros((16,), F32)

        def zt(i, cy):
            for j in range(d // 16):
                tbuf[i, pl.ds(j * 16, 16)] = jnp.zeros((16,), F32)
            return cy

        lax.fori_loop(0, c, zt, 0)

        def index_map(segbase):
            for g in range(c // 16):
                sl = pl.ds(g * 16, 16)
                iv = idx_v[sl] - segbase
                ok = (iv >= 0) & (iv < segr)
                idx2_v[sl] = jnp.where(ok, iv, segr)

        def zero_acc():
            def zs(i, cy):
                pltpu.sync_copy(zbuf, hacc.at[pl.ds((sid + i * ns) * 8, 8)])
                return cy
            lax.fori_loop(0, nzc, zs, 0)

        def writeback(dst, soff):
            def wb(i, cy):
                off = (sid + i * ns) * 8
                pltpu.sync_copy(hacc.at[pl.ds(off, 8)],
                                dst.at[cid, pl.ds(soff + off, 8)])
                return cy
            lax.fori_loop(0, nzc, wb, 0)

        for sg in range(nseg):
            zero_acc()
            plsc.subcore_barrier()
            pltpu.sync_copy(row_h.at[pl.ds(wbase, c)], idx_v)
            index_map(sg * segr)

            def chunk_a(ch, carry):
                base = wbase + ch * c
                pltpu.sync_copy(ef_h.at[pl.ds(base, c)], efbuf)
                pltpu.sync_copy(efbuf, hacc.at[idx2_v], add=True)
                pltpu.sync_copy(row_h.at[pl.ds(base + c, c)], idx_v)
                index_map(sg * segr)
                return carry

            lax.fori_loop(0, nch - 1, chunk_a, 0)
            base = wbase + (nch - 1) * c
            pltpu.sync_copy(ef_h.at[pl.ds(base, c)], efbuf)
            pltpu.sync_copy(efbuf, hacc.at[idx2_v], add=True)
            plsc.subcore_barrier()
            writeback(hp_h, sg * sega)
            plsc.subcore_barrier()

        for sg in range(nseg):
            zero_acc()
            plsc.subcore_barrier()
            pltpu.sync_copy(row_h.at[pl.ds(wbase, c)], idx_v)
            index_map(sg * segr)

            def chunk_b(ch, carry):
                base = wbase + ch * c
                pltpu.sync_copy(t_h.at[pl.ds(base, c)], tbuf16)

                def cp(i, cy):
                    tbuf[i, pl.ds(0, 16)] = tbuf16[i, :]
                    return cy

                lax.fori_loop(0, c, cp, 0)
                pltpu.sync_copy(tbuf, hacc.at[idx2_v], add=True)
                pltpu.sync_copy(row_h.at[pl.ds(base + c, c)], idx_v)
                index_map(sg * segr)
                return carry

            lax.fori_loop(0, nch - 1, chunk_b, 0)
            base = wbase + (nch - 1) * c
            pltpu.sync_copy(t_h.at[pl.ds(base, c)], tbuf16)

            def cp2(i, cy):
                tbuf[i, pl.ds(0, 16)] = tbuf16[i, :]
                return cy

            lax.fori_loop(0, c, cp2, 0)
            pltpu.sync_copy(tbuf, hacc.at[idx2_v], add=True)
            plsc.subcore_barrier()
            writeback(tp_h, sg * sega)
            plsc.subcore_barrier()

    hp, tp = k(ef, t16, row)
    hpart = jnp.concatenate([hp[:, :segr], hp[:, sega:sega + n - segr]],
                            axis=1)
    tpart = jnp.concatenate([tp[:, :segr, :16], tp[:, sega:sega + n - segr, :16]],
                            axis=1)
    return hpart, tpart




def _node_stage(h, hp0, hp1, tp0, tp1, coordp, nw1a, nw1b, nb1, nw2, nb2,
                bn=2000):
    n, d = h.shape

    def body(h_r, hp0_r, hp1_r, tp0_r, tp1_r, cp_r, w1a_r, w1b_r, b1_r,
             w2_r, b2_r, ho_r, co_r):
        hblk = h_r[...]
        agg = hp0_r[...] + hp1_r[...]
        t = tp0_r[...] + tp1_r[...]
        pre = (jnp.dot(hblk, w1a_r[...], preferred_element_type=F32)
               + jnp.dot(agg, w1b_r[...], preferred_element_type=F32)
               + b1_r[...])
        hid = _silu(pre)
        ho_r[...] = hblk + jnp.dot(hid, w2_r[...],
                                   preferred_element_type=F32) + b2_r[...]
        lane = lax.broadcasted_iota(jnp.int32, (bn, 16), 1)
        cnt = jnp.sum(jnp.where(lane == 3, t, 0.0), axis=1, keepdims=True)
        co_r[...] = cp_r[...] + t / jnp.maximum(cnt, 1.0)

    zero2 = lambda i: (0, 0)
    return pl.pallas_call(
        body,
        grid=(n // bn,),
        in_specs=[
            pl.BlockSpec((bn, d), lambda i: (i, 0)),
            pl.BlockSpec((bn, d), lambda i: (i, 0)),
            pl.BlockSpec((bn, d), lambda i: (i, 0)),
            pl.BlockSpec((bn, 16), lambda i: (i, 0)),
            pl.BlockSpec((bn, 16), lambda i: (i, 0)),
            pl.BlockSpec((bn, 16), lambda i: (i, 0)),
            pl.BlockSpec((d, d), zero2),
            pl.BlockSpec((d, d), zero2),
            pl.BlockSpec((1, d), zero2),
            pl.BlockSpec((d, d), zero2),
            pl.BlockSpec((1, d), zero2),
        ],
        out_specs=[
            pl.BlockSpec((bn, d), lambda i: (i, 0)),
            pl.BlockSpec((bn, 16), lambda i: (i, 0)),
        ],
        out_shape=[
            jax.ShapeDtypeStruct((n, d), F32),
            jax.ShapeDtypeStruct((n, 16), F32),
        ],
    )(h, hp0, hp1, tp0, tp1, coordp, nw1a, nw1b, nb1, nw2, nb2)




def kernel(h, edge_index, coord, edge_attr, ew1, eb1, ew2, eb2, nw1, nb1,
           nw2, nb2, cw1, cb1, cw2):
    n, d = h.shape
    row = edge_index[0]
    col = edge_index[1]
    coordp = jnp.pad(coord, ((0, 0), (0, 16 - coord.shape[1])))
    wa = ew1[:d]
    wb = ew1[d:2 * d]
    wr = ew1[2 * d:2 * d + 1]
    we = ew1[2 * d + 1:]
    a, b = _node_pre(h, wa, wb)
    g0, cdp = _gather_stage(a, b, coord[:, 0], coord[:, 1], coord[:, 2],
                            row, col)
    ef, t16 = _edge_stage(g0, cdp, edge_attr, wr, we, eb1.reshape(1, -1),
                          ew2, eb2.reshape(1, -1), cw1, cb1.reshape(1, -1),
                          cw2.reshape(1, -1))
    hpart, tpart = _scatter_stage(ef, t16, row, n)
    hout, cpout = _node_stage(h, hpart[0], hpart[1], tpart[0], tpart[1],
                              coordp, nw1[:d], nw1[d:], nb1.reshape(1, -1),
                              nw2, nb2.reshape(1, -1))
    return hout, cpout[:, :3], edge_attr

# --- scband reference (transcript-rebuilt; emitter-appended) ---
"""Pipeline reference for scband-egnnscore-26809185861851 (READ-ONLY COPY).

The authoritative reference and input builder live on the scoring server;
editing this copy changes nothing except your own understanding.
"""

import jax, jax.numpy as jnp
import numpy as np

N = 10000
E = 320000
D = 128
DE = 16
H = 128

def _init(key, shape, scale):
    return jax.random.normal(key, shape, dtype=jnp.float32) * scale

def setup_inputs(seed: int = 0):
    key = jax.random.key(seed)
    ks = jax.random.split(key, 12)
    inp = {}
    inp['h'] = jax.random.normal(ks[0], (N, D), dtype=jnp.float32)
    inp['edge_index'] = jax.random.randint(ks[1], (2, E), 0, N, dtype=jnp.int32)
    inp['coord'] = jax.random.normal(ks[2], (N, 3), dtype=jnp.float32)
    inp['edge_attr'] = jax.random.normal(ks[3], (E, DE), dtype=jnp.float32)
    in_edge = 2 * D + 1 + DE
    inp['ew1'] = _init(ks[4], (in_edge, H), (2.0 / (in_edge + H)) ** 0.5)
    inp['eb1'] = jnp.zeros((H,), jnp.float32)
    inp['ew2'] = _init(ks[5], (H, H), (2.0 / (H + H)) ** 0.5)
    inp['eb2'] = jnp.zeros((H,), jnp.float32)
    inp['nw1'] = _init(ks[6], (H + D, H), (2.0 / (H + D + H)) ** 0.5)
    inp['nb1'] = jnp.zeros((H,), jnp.float32)
    inp['nw2'] = _init(ks[7], (H, D), (2.0 / (H + D)) ** 0.5)
    inp['nb2'] = jnp.zeros((D,), jnp.float32)
    inp['cw1'] = _init(ks[8], (H, H), (2.0 / (H + H)) ** 0.5)
    inp['cb1'] = jnp.zeros((H,), jnp.float32)
    inp['cw2'] = _init(ks[9], (H, 1), 0.001 * (6.0 / (H + 1)) ** 0.5)
    return inp

def reference(h, edge_index, coord, edge_attr, ew1, eb1, ew2, eb2, nw1, nb1, nw2, nb2, cw1, cb1, cw2):
    row = edge_index[0]
    col = edge_index[1]
    # coord2radial
    coord_diff = coord[row] - coord[col]
    radial = jnp.sum(coord_diff ** 2, axis=1, keepdims=True)
    # edge_model: edge_mlp(cat[h[row], h[col], radial, edge_attr])
    e_in = jnp.concatenate([h[row], h[col], radial, edge_attr], axis=1)
    m = jax.nn.silu(jnp.dot(e_in, ew1) + eb1)
    edge_feat = jax.nn.silu(jnp.dot(m, ew2) + eb2)
    # coord_model: trans = coord_diff * coord_mlp(edge_feat); unsorted_segment_mean over row
    cmid = jax.nn.silu(jnp.dot(edge_feat, cw1) + cb1)
    trans = coord_diff * jnp.dot(cmid, cw2)
    agg_sum = jax.ops.segment_sum(trans, row, num_segments=N)
    cnt = jax.ops.segment_sum(jnp.ones_like(trans), row, num_segments=N)
    coord_out = coord + agg_sum / jnp.clip(cnt, 1.0, None)
    # node_model: unsorted_segment_sum of edge_feat over row, then node_mlp, residual
    node_agg = jax.ops.segment_sum(edge_feat, row, num_segments=N)
    n_in = jnp.concatenate([h, node_agg], axis=1)
    h_out = h + (jnp.dot(jax.nn.silu(jnp.dot(n_in, nw1) + nb1), nw2) + nb2)
    return (h_out, coord_out, edge_attr)

if __name__ == "__main__":
    import jax
    _d = setup_inputs()
    print(jax.jit(kernel)(*tuple(_d.values())))

</pallas_src>

<mosaic_0001>
#map = affine_map<(d0, d1) -> (0, 0)>
#map1 = affine_map<(d0, d1) -> (0)>
#map2 = affine_map<(d0, d1) -> (0, 0, 0)>
module attributes {stable_mosaic.version = 14 : i64} {
  func.func @k(%arg0: i32, %arg1: i32, %arg2: memref<320000x128xf32, #tpu.memory_space<hbm>>, %arg3: memref<320000x16xf32, #tpu.memory_space<hbm>>, %arg4: memref<320000xi32, #tpu.memory_space<hbm>>, %arg5: memref<2x10240x128xf32, #tpu.memory_space<hbm>>, %arg6: memref<2x10240x128xf32, #tpu.memory_space<hbm>>, %arg7: memref<80xi32, #tpu.memory_space<vmem>>, %arg8: memref<80xi32, #tpu.memory_space<vmem>>, %arg9: memref<80x128xf32, #tpu.memory_space<vmem>>, %arg10: memref<80x16xf32, #tpu.memory_space<vmem>>, %arg11: memref<80x128xf32, #tpu.memory_space<vmem>>, %arg12: memref<8x128xf32, #tpu.memory_space<vmem>>, %arg13: memref<5120x128xf32, #tpu.memory_space<vmem_shared>>) attributes {dimension_semantics = [#tpu.dimension_semantics<core_parallel>, #tpu.dimension_semantics<subcore_parallel>], iteration_bounds = array<i64: 2, 16>, scalar_prefetch = 0 : i64, scratch_operands = 7 : i64, tpu.core_type = #tpu.core_type<sc_vector_subcore>, window_params = [{transform_indices = #map}, {transform_indices = #map}, {transform_indices = #map1}, {transform_indices = #map2}, {transform_indices = #map2}]} {
    %mul3A = arith.constant 2 : i32
    %mul3A_0 = arith.muli %arg1, %mul3A : i32
    %add3A = arith.addi %mul3A_0, %arg0 : i32
    %mul3A_1 = arith.constant 10000 : i32
    %mul3A_2 = arith.muli %add3A, %mul3A_1 : i32
    %broadcast_in_dim3A = arith.constant 0.000000e+00 : f32
    %broadcast_in_dim3A_3 = vector.broadcast %broadcast_in_dim3A : f32 to vector<16xf32>
    %swap3A = arith.constant 0 : i32
    %swap3A_4 = arith.index_cast %swap3A : i32 to index
    %swap3A_5 = arith.constant 0 : index
    %swap3A_6 = tpu.vector_load %arg12[%swap3A_4, %swap3A_5] {strides = array<i32>} : memref<8x128xf32, #tpu.memory_space<vmem>>, vector<16xf32>,
    tpu.vector_store %arg12[%swap3A_4, %swap3A_5], %broadcast_in_dim3A_3 {strides = array<i32>} : memref<8x128xf32, #tpu.memory_space<vmem>>, vector<16xf32>,
    %broadcast_in_dim3A_7 = arith.constant 0.000000e+00 : f32
    %broadcast_in_dim3A_8 = vector.broadcast %broadcast_in_dim3A_7 : f32 to vector<16xf32>
    %swap3A_9 = arith.constant 0 : i32
    %swap3A_10 = arith.index_cast %swap3A_9 : i32 to index
    %swap3A_11 = arith.constant 16 : index
    %swap3A_12 = tpu.vector_load %arg12[%swap3A_10, %swap3A_11] {strides = array<i32>} : memref<8x128xf32, #tpu.memory_space<vmem>>, vector<16xf32>,
    tpu.vector_store %arg12[%swap3A_10, %swap3A_11], %broadcast_in_dim3A_8 {strides = array<i32>} : memref<8x128xf32, #tpu.memory_space<vmem>>, vector<16xf32>,
    %broadcast_in_dim3A_13 = arith.constant 0.000000e+00 : f32
    %broadcast_in_dim3A_14 = vector.broadcast %broadcast_in_dim3A_13 : f32 to vector<16xf32>
    %swap3A_15 = arith.constant 0 : i32
    %swap3A_16 = arith.index_cast %swap3A_15 : i32 to index
    %swap3A_17 = arith.constant 32 : index
    %swap3A_18 = tpu.vector_load %arg12[%swap3A_16, %swap3A_17] {strides = array<i32>} : memref<8x128xf32, #tpu.memory_space<vmem>>, vector<16xf32>,
    tpu.vector_store %arg12[%swap3A_16, %swap3A_17], %broadcast_in_dim3A_14 {strides = array<i32>} : memref<8x128xf32, #tpu.memory_space<vmem>>, vector<16xf32>,
    %broadcast_in_dim3A_19 = arith.constant 0.000000e+00 : f32
    %broadcast_in_dim3A_20 = vector.broadcast %broadcast_in_dim3A_19 : f32 to vector<16xf32>
    %swap3A_21 = arith.constant 0 : i32
    %swap3A_22 = arith.index_cast %swap3A_21 : i32 to index
    %swap3A_23 = arith.constant 48 : index
    %swap3A_24 = tpu.vector_load %arg12[%swap3A_22, %swap3A_23] {strides = array<i32>} : memref<8x128xf32, #tpu.memory_space<vmem>>, vector<16xf32>,
    tpu.vector_store %arg12[%swap3A_22, %swap3A_23], %broadcast_in_dim3A_20 {strides = array<i32>} : memref<8x128xf32, #tpu.memory_space<vmem>>, vector<16xf32>,
    %broadcast_in_dim3A_25 = arith.constant 0.000000e+00 : f32
    %broadcast_in_dim3A_26 = vector.broadcast %broadcast_in_dim3A_25 : f32 to vector<16xf32>
    %swap3A_27 = arith.constant 0 : i32
    %swap3A_28 = arith.index_cast %swap3A_27 : i32 to index
    %swap3A_29 = arith.constant 64 : index
    %swap3A_30 = tpu.vector_load %arg12[%swap3A_28, %swap3A_29] {strides = array<i32>} : memref<8x128xf32, #tpu.memory_space<vmem>>, vector<16xf32>,
    tpu.vector_store %arg12[%swap3A_28, %swap3A_29], %broadcast_in_dim3A_26 {strides = array<i32>} : memref<8x128xf32, #tpu.memory_space<vmem>>, vector<16xf32>,
    %broadcast_in_dim3A_31 = arith.constant 0.000000e+00 : f32
    %broadcast_in_dim3A_32 = vector.broadcast %broadcast_in_dim3A_31 : f32 to vector<16xf32>
    %swap3A_33 = arith.constant 0 : i32
    %swap3A_34 = arith.index_cast %swap3A_33 : i32 to index
    %swap3A_35 = arith.constant 80 : index
    %swap3A_36 = tpu.vector_load %arg12[%swap3A_34, %swap3A_35] {strides = array<i32>} : memref<8x128xf32, #tpu.memory_space<vmem>>, vector<16xf32>,
    tpu.vector_store %arg12[%swap3A_34, %swap3A_35], %broadcast_in_dim3A_32 {strides = array<i32>} : memref<8x128xf32, #tpu.memory_space<vmem>>, vector<16xf32>,
    %broadcast_in_dim3A_37 = arith.constant 0.000000e+00 : f32
    %broadcast_in_dim3A_38 = vector.broadcast %broadcast_in_dim3A_37 : f32 to vector<16xf32>
    %swap3A_39 = arith.constant 0 : i32
    %swap3A_40 = arith.index_cast %swap3A_39 : i32 to index
    %swap3A_41 = arith.constant 96 : index
    %swap3A_42 = tpu.vector_load %arg12[%swap3A_40, %swap3A_41] {strides = array<i32>} : memref<8x128xf32, #tpu.memory_space<vmem>>, vector<16xf32>,
    tpu.vector_store %arg12[%swap3A_40, %swap3A_41], %broadcast_in_dim3A_38 {strides = array<i32>} : memref<8x128xf32, #tpu.memory_space<vmem>>, vector<16xf32>,
    %broadcast_in_dim3A_43 = arith.constant 0.000000e+00 : f32
    %broadcast_in_dim3A_44 = vector.broadcast %broadcast_in_dim3A_43 : f32 to vector<16xf32>
    %swap3A_45 = arith.constant 0 : i32
    %swap3A_46 = arith.index_cast %swap3A_45 : i32 to index
    %swap3A_47 = arith.constant 112 : index
    %swap3A_48 = tpu.vector_load %arg12[%swap3A_46, %swap3A_47] {strides = array<i32>} : memref<8x128xf32, #tpu.memory_space<vmem>>, vector<16xf32>,
    tpu.vector_store %arg12[%swap3A_46, %swap3A_47], %broadcast_in_dim3A_44 {strides = array<i32>} : memref<8x128xf32, #tpu.memory_space<vmem>>, vector<16xf32>,
    %broadcast_in_dim3A_49 = arith.constant 0.000000e+00 : f32
    %broadcast_in_dim3A_50 = vector.broadcast %broadcast_in_dim3A_49 : f32 to vector<16xf32>
    %swap3A_51 = arith.constant 1 : i32
    %swap3A_52 = arith.index_cast %swap3A_51 : i32 to index
    %swap3A_53 = arith.constant 0 : index
    %swap3A_54 = tpu.vector_load %arg12[%swap3A_52, %swap3A_53] {strides = array<i32>} : memref<8x128xf32, #tpu.memory_space<vmem>>, vector<16xf32>,
    tpu.vector_store %arg12[%swap3A_52, %swap3A_53], %broadcast_in_dim3A_50 {strides = array<i32>} : memref<8x128xf32, #tpu.memory_space<vmem>>, vector<16xf32>,
    %broadcast_in_dim3A_55 = arith.constant 0.000000e+00 : f32
    %broadcast_in_dim3A_56 = vector.broadcast %broadcast_in_dim3A_55 : f32 to vector<16xf32>
    %swap3A_57 = arith.constant 1 : i32
    %swap3A_58 = arith.index_cast %swap3A_57 : i32 to index
    %swap3A_59 = arith.constant 16 : index
    %swap3A_60 = tpu.vector_load %arg12[%swap3A_58, %swap3A_59] {strides = array<i32>} : memref<8x128xf32, #tpu.memory_space<vmem>>, vector<16xf32>,
    tpu.vector_store %arg12[%swap3A_58, %swap3A_59], %broadcast_in_dim3A_56 {strides = array<i32>} : memref<8x128xf32, #tpu.memory_space<vmem>>, vector<16xf32>,
    %broadcast_in_dim3A_61 = arith.constant 0.000000e+00 : f32
    %broadcast_in_dim3A_62 = vector.broadcast %broadcast_in_dim3A_61 : f32 to vector<16xf32>
    %swap3A_63 = arith.constant 1 : i32
    %swap3A_64 = arith.index_cast %swap3A_63 : i32 to index
    %swap3A_65 = arith.constant 32 : index
    %swap3A_66 = tpu.vector_load %arg12[%swap3A_64, %swap3A_65] {strides = array<i32>} : memref<8x128xf32, #tpu.memory_space<vmem>>, vector<16xf32>,
    tpu.vector_store %arg12[%swap3A_64, %swap3A_65], %broadcast_in_dim3A_62 {strides = array<i32>} : memref<8x128xf32, #tpu.memory_space<vmem>>, vector<16xf32>,
    %broadcast_in_dim3A_67 = arith.constant 0.000000e+00 : f32
    %broadcast_in_dim3A_68 = vector.broadcast %broadcast_in_dim3A_67 : f32 to vector<16xf32>
    %swap3A_69 = arith.constant 1 : i32
    %swap3A_70 = arith.index_cast %swap3A_69 : i32 to index
    %swap3A_71 = arith.constant 48 : index
    %swap3A_72 = tpu.vector_load %arg12[%swap3A_70, %swap3A_71] {strides = array<i32>} : memref<8x128xf32, #tpu.memory_space<vmem>>, vector<16xf32>,
    tpu.vector_store %arg12[%swap3A_70, %swap3A_71], %broadcast_in_dim3A_68 {strides = array<i32>} : memref<8x128xf32, #tpu.memory_space<vmem>>, vector<16xf32>,
    %broadcast_in_dim3A_73 = arith.constant 0.000000e+00 : f32
    %broadcast_in_dim3A_74 = vector.broadcast %broadcast_in_dim3A_73 : f32 to vector<16xf32>
    %swap3A_75 = arith.constant 1 : i32
    %swap3A_76 = arith.index_cast %swap3A_75 : i32 to index
    %swap3A_77 = arith.constant 64 : index
    %swap3A_78 = tpu.vector_load %arg12[%swap3A_76, %swap3A_77] {strides = array<i32>} : memref<8x128xf32, #tpu.memory_space<vmem>>, vector<16xf32>,
    tpu.vector_store %arg12[%swap3A_76, %swap3A_77], %broadcast_in_dim3A_74 {strides = array<i32>} : memref<8x128xf32, #tpu.memory_space<vmem>>, vector<16xf32>,
    %broadcast_in_dim3A_79 = arith.constant 0.000000e+00 : f32
    %broadcast_in_dim3A_80 = vector.broadcast %broadcast_in_dim3A_79 : f32 to vector<16xf32>
    %swap3A_81 = arith.constant 1 : i32
    %swap3A_82 = arith.index_cast %swap3A_81 : i32 to index
    %swap3A_83 = arith.constant 80 : index
    %swap3A_84 = tpu.vector_load %arg12[%swap3A_82, %swap3A_83] {strides = array<i32>} : memref<8x128xf32, #tpu.memory_space<vmem>>, vector<16xf32>,
    tpu.vector_store %arg12[%swap3A_82, %swap3A_83], %broadcast_in_dim3A_80 {strides = array<i32>} : memref<8x128xf32, #tpu.memory_space<vmem>>, vector<16xf32>,
    %broadcast_in_dim3A_85 = arith.constant 0.000000e+00 : f32
    %broadcast_in_dim3A_86 = vector.broadcast %broadcast_in_dim3A_85 : f32 to vector<16xf32>
    %swap3A_87 = arith.constant 1 : i32
    %swap3A_88 = arith.index_cast %swap3A_87 : i32 to index
    %swap3A_89 = arith.constant 96 : index
    %swap3A_90 = tpu.vector_load %arg12[%swap3A_88, %swap3A_89] {strides = array<i32>} : memref<8x128xf32, #tpu.memory_space<vmem>>, vector<16xf32>,
    tpu.vector_store %arg12[%swap3A_88, %swap3A_89], %broadcast_in_dim3A_86 {strides = array<i32>} : memref<8x128xf32, #tpu.memory_space<vmem>>, vector<16xf32>,
    %broadcast_in_dim3A_91 = arith.constant 0.000000e+00 : f32
    %broadcast_in_dim3A_92 = vector.broadcast %broadcast_in_dim3A_91 : f32 to vector<16xf32>
    %swap3A_93 = arith.constant 1 : i32
    %swap3A_94 = arith.index_cast %swap3A_93 : i32 to index
    %swap3A_95 = arith.constant 112 : index
    %swap3A_96 = tpu.vector_load %arg12[%swap3A_94, %swap3A_95] {strides = array<i32>} : memref<8x128xf32, #tpu.memory_space<vmem>>, vector<16xf32>,
    tpu.vector_store %arg12[%swap3A_94, %swap3A_95], %broadcast_in_dim3A_92 {strides = array<i32>} : memref<8x128xf32, #tpu.memory_space<vmem>>, vector<16xf32>,
    %broadcast_in_dim3A_97 = arith.constant 0.000000e+00 : f32
    %broadcast_in_dim3A_98 = vector.broadcast %broadcast_in_dim3A_97 : f32 to vector<16xf32>
    %swap3A_99 = arith.constant 2 : i32
    %swap3A_100 = arith.index_cast %swap3A_99 : i32 to index
    %swap3A_101 = arith.constant 0 : index
    %swap3A_102 = tpu.vector_load %arg12[%swap3A_100, %swap3A_101] {strides = array<i32>} : memref<8x128xf32, #tpu.memory_space<vmem>>, vector<16xf32>,
    tpu.vector_store %arg12[%swap3A_100, %swap3A_101], %broadcast_in_dim3A_98 {strides = array<i32>} : memref<8x128xf32, #tpu.memory_space<vmem>>, vector<16xf32>,
    %broadcast_in_dim3A_103 = arith.constant 0.000000e+00 : f32
    %broadcast_in_dim3A_104 = vector.broadcast %broadcast_in_dim3A_103 : f32 to vector<16xf32>
    %swap3A_105 = arith.constant 2 : i32
    %swap3A_106 = arith.index_cast %swap3A_105 : i32 to index
    %swap3A_107 = arith.constant 16 : index
    %swap3A_108 = tpu.vector_load %arg12[%swap3A_106, %swap3A_107] {strides = array<i32>} : memref<8x128xf32, #tpu.memory_space<vmem>>, vector<16xf32>,
    tpu.vector_store %arg12[%swap3A_106, %swap3A_107], %broadcast_in_dim3A_104 {strides = array<i32>} : memref<8x128xf32, #tpu.memory_space<vmem>>, vector<16xf32>,
    %broadcast_in_dim3A_109 = arith.constant 0.000000e+00 : f32
    %broadcast_in_dim3A_110 = vector.broadcast %broadcast_in_dim3A_109 : f32 to vector<16xf32>
    %swap3A_111 = arith.constant 2 : i32
    %swap3A_112 = arith.index_cast %swap3A_111 : i32 to index
    %swap3A_113 = arith.constant 32 : index
    %swap3A_114 = tpu.vector_load %arg12[%swap3A_112, %swap3A_113] {strides = array<i32>} : memref<8x128xf32, #tpu.memory_space<vmem>>, vector<16xf32>,
    tpu.vector_store %arg12[%swap3A_112, %swap3A_113], %broadcast_in_dim3A_110 {strides = array<i32>} : memref<8x128xf32, #tpu.memory_space<vmem>>, vector<16xf32>,
    %broadcast_in_dim3A_115 = arith.constant 0.000000e+00 : f32
    %broadcast_in_dim3A_116 = vector.broadcast %broadcast_in_dim3A_115 : f32 to vector<16xf32>
    %swap3A_117 = arith.constant 2 : i32
    %swap3A_118 = arith.index_cast %swap3A_117 : i32 to index
    %swap3A_119 = arith.constant 48 : index
    %swap3A_120 = tpu.vector_load %arg12[%swap3A_118, %swap3A_119] {strides = array<i32>} : memref<8x128xf32, #tpu.memory_space<vmem>>, vector<16xf32>,
    tpu.vector_store %arg12[%swap3A_118, %swap3A_119], %broadcast_in_dim3A_116 {strides = array<i32>} : memref<8x128xf32, #tpu.memory_space<vmem>>, vector<16xf32>,
    %broadcast_in_dim3A_121 = arith.constant 0.000000e+00 : f32
    %broadcast_in_dim3A_122 = vector.broadcast %broadcast_in_dim3A_121 : f32 to vector<16xf32>
    %swap3A_123 = arith.constant 2 : i32
    %swap3A_124 = arith.index_cast %swap3A_123 : i32 to index
    %swap3A_125 = arith.constant 64 : index
    %swap3A_126 = tpu.vector_load %arg12[%swap3A_124, %swap3A_125] {strides = array<i32>} : memref<8x128xf32, #tpu.memory_space<vmem>>, vector<16xf32>,
    tpu.vector_store %arg12[%swap3A_124, %swap3A_125], %broadcast_in_dim3A_122 {strides = array<i32>} : memref<8x128xf32, #tpu.memory_space<vmem>>, vector<16xf32>,
    %broadcast_in_dim3A_127 = arith.constant 0.000000e+00 : f32
    %broadcast_in_dim3A_128 = vector.broadcast %broadcast_in_dim3A_127 : f32 to vector<16xf32>
    %swap3A_129 = arith.constant 2 : i32
    %swap3A_130 = arith.index_cast %swap3A_129 : i32 to index
    %swap3A_131 = arith.constant 80 : index
    %swap3A_132 = tpu.vector_load %arg12[%swap3A_130, %swap3A_131] {strides = array<i32>} : memref<8x128xf32, #tpu.memory_space<vmem>>, vector<16xf32>,
    tpu.vector_store %arg12[%swap3A_130, %swap3A_131], %broadcast_in_dim3A_128 {strides = array<i32>} : memref<8x128xf32, #tpu.memory_space<vmem>>, vector<16xf32>,
    %broadcast_in_dim3A_133 = arith.constant 0.000000e+00 : f32
    %broadcast_in_dim3A_134 = vector.broadcast %broadcast_in_dim3A_133 : f32 to vector<16xf32>
    %swap3A_135 = arith.constant 2 : i32
    %swap3A_136 = arith.index_cast %swap3A_135 : i32 to index
    %swap3A_137 = arith.constant 96 : index
    %swap3A_138 = tpu.vector_load %arg12[%swap3A_136, %swap3A_137] {strides = array<i32>} : memref<8x128xf32, #tpu.memory_space<vmem>>, vector<16xf32>,
    tpu.vector_store %arg12[%swap3A_136, %swap3A_137], %broadcast_in_dim3A_134 {strides = array<i32>} : memref<8x128xf32, #tpu.memory_space<vmem>>, vector<16xf32>,
    %broadcast_in_dim3A_139 = arith.constant 0.000000e+00 : f32
    %broadcast_in_dim3A_140 = vector.broadcast %broadcast_in_dim3A_139 : f32 to vector<16xf32>
    %swap3A_141 = arith.constant 2 : i32
    %swap3A_142 = arith.index_cast %swap3A_141 : i32 to index
    %swap3A_143 = arith.constant 112 : index
    %swap3A_144 = tpu.vector_load %arg12[%swap3A_142, %swap3A_143] {strides = array<i32>} : memref<8x128xf32, #tpu.memory_space<vmem>>, vector<16xf32>,
    tpu.vector_store %arg12[%swap3A_142, %swap3A_143], %broadcast_in_dim3A_140 {strides = array<i32>} : memref<8x128xf32, #tpu.memory_space<vmem>>, vector<16xf32>,
    %broadcast_in_dim3A_145 = arith.constant 0.000000e+00 : f32
    %broadcast_in_dim3A_146 = vector.broadcast %broadcast_in_dim3A_145 : f32 to vector<16xf32>
    %swap3A_147 = arith.constant 3 : i32
    %swap3A_148 = arith.index_cast %swap3A_147 : i32 to index
    %swap3A_149 = arith.constant 0 : index
    %swap3A_150 = tpu.vector_load %arg12[%swap3A_148, %swap3A_149] {strides = array<i32>} : memref<8x128xf32, #tpu.memory_space<vmem>>, vector<16xf32>,
    tpu.vector_store %arg12[%swap3A_148, %swap3A_149], %broadcast_in_dim3A_146 {strides = array<i32>} : memref<8x128xf32, #tpu.memory_space<vmem>>, vector<16xf32>,
    %broadcast_in_dim3A_151 = arith.constant 0.000000e+00 : f32
    %broadcast_in_dim3A_152 = vector.broadcast %broadcast_in_dim3A_151 : f32 to vector<16xf32>
    %swap3A_153 = arith.constant 3 : i32
    %swap3A_154 = arith.index_cast %swap3A_153 : i32 to index
    %swap3A_155 = arith.constant 16 : index
    %swap3A_156 = tpu.vector_load %arg12[%swap3A_154, %swap3A_155] {strides = array<i32>} : memref<8x128xf32, #tpu.memory_space<vmem>>, vector<16xf32>,
    tpu.vector_store %arg12[%swap3A_154, %swap3A_155], %broadcast_in_dim3A_152 {strides = array<i32>} : memref<8x128xf32, #tpu.memory_space<vmem>>, vector<16xf32>,
    %broadcast_in_dim3A_157 = arith.constant 0.000000e+00 : f32
    %broadcast_in_dim3A_158 = vector.broadcast %broadcast_in_dim3A_157 : f32 to vector<16xf32>
    %swap3A_159 = arith.constant 3 : i32
    %swap3A_160 = arith.index_cast %swap3A_159 : i32 to index
    %swap3A_161 = arith.constant 32 : index
    %swap3A_162 = tpu.vector_load %arg12[%swap3A_160, %swap3A_161] {strides = array<i32>} : memref<8x128xf32, #tpu.memory_space<vmem>>, vector<16xf32>,
    tpu.vector_store %arg12[%swap3A_160, %swap3A_161], %broadcast_in_dim3A_158 {strides = array<i32>} : memref<8x128xf32, #tpu.memory_space<vmem>>, vector<16xf32>,
    %broadcast_in_dim3A_163 = arith.constant 0.000000e+00 : f32
    %broadcast_in_dim3A_164 = vector.broadcast %broadcast_in_dim3A_163 : f32 to vector<16xf32>
    %swap3A_165 = arith.constant 3 : i32
    %swap3A_166 = arith.index_cast %swap3A_165 : i32 to index
    %swap3A_167 = arith.constant 48 : index
    %swap3A_168 = tpu.vector_load %arg12[%swap3A_166, %swap3A_167] {strides = array<i32>} : memref<8x128xf32, #tpu.memory_space<vmem>>, vector<16xf32>,
    tpu.vector_store %arg12[%swap3A_166, %swap3A_167], %broadcast_in_dim3A_164 {strides = array<i32>} : memref<8x128xf32, #tpu.memory_space<vmem>>, vector<16xf32>,
    %broadcast_in_dim3A_169 = arith.constant 0.000000e+00 : f32
    %broadcast_in_dim3A_170 = vector.broadcast %broadcast_in_dim3A_169 : f32 to vector<16xf32>
    %swap3A_171 = arith.constant 3 : i32
    %swap3A_172 = arith.index_cast %swap3A_171 : i32 to index
    %swap3A_173 = arith.constant 64 : index
    %swap3A_174 = tpu.vector_load %arg12[%swap3A_172, %swap3A_173] {strides = array<i32>} : memref<8x128xf32, #tpu.memory_space<vmem>>, vector<16xf32>,
    tpu.vector_store %arg12[%swap3A_172, %swap3A_173], %broadcast_in_dim3A_170 {strides = array<i32>} : memref<8x128xf32, #tpu.memory_space<vmem>>, vector<16xf32>,
    %broadcast_in_dim3A_175 = arith.constant 0.000000e+00 : f32
    %broadcast_in_dim3A_176 = vector.broadcast %broadcast_in_dim3A_175 : f32 to vector<16xf32>
    %swap3A_177 = arith.constant 3 : i32
    %swap3A_178 = arith.index_cast %swap3A_177 : i32 to index
    %swap3A_179 = arith.constant 80 : index
    %swap3A_180 = tpu.vector_load %arg12[%swap3A_178, %swap3A_179] {strides = array<i32>} : memref<8x128xf32, #tpu.memory_space<vmem>>, vector<16xf32>,
    tpu.vector_store %arg12[%swap3A_178, %swap3A_179], %broadcast_in_dim3A_176 {strides = array<i32>} : memref<8x128xf32, #tpu.memory_space<vmem>>, vector<16xf32>,
    %broadcast_in_dim3A_181 = arith.constant 0.000000e+00 : f32
    %broadcast_in_dim3A_182 = vector.broadcast %broadcast_in_dim3A_181 : f32 to vector<16xf32>
    %swap3A_183 = arith.constant 3 : i32
    %swap3A_184 = arith.index_cast %swap3A_183 : i32 to index
    %swap3A_185 = arith.constant 96 : index
    %swap3A_186 = tpu.vector_load %arg12[%swap3A_184, %swap3A_185] {strides = array<i32>} : memref<8x128xf32, #tpu.memory_space<vmem>>, vector<16xf32>,
    tpu.vector_store %arg12[%swap3A_184, %swap3A_185], %broadcast_in_dim3A_182 {strides = array<i32>} : memref<8x128xf32, #tpu.memory_space<vmem>>, vector<16xf32>,
    %broadcast_in_dim3A_187 = arith.constant 0.000000e+00 : f32
    %broadcast_in_dim3A_188 = vector.broadcast %broadcast_in_dim3A_187 : f32 to vector<16xf32>
    %swap3A_189 = arith.constant 3 : i32
    %swap3A_190 = arith.index_cast %swap3A_189 : i32 to index
    %swap3A_191 = arith.constant 112 : index
    %swap3A_192 = tpu.vector_load %arg12[%swap3A_190, %swap3A_191] {strides = array<i32>} : memref<8x128xf32, #tpu.memory_space<vmem>>, vector<16xf32>,
    tpu.vector_store %arg12[%swap3A_190, %swap3A_191], %broadcast_in_dim3A_188 {strides = array<i32>} : memref<8x128xf32, #tpu.memory_space<vmem>>, vector<16xf32>,
    %broadcast_in_dim3A_193 = arith.constant 0.000000e+00 : f32
    %broadcast_in_dim3A_194 = vector.broadcast %broadcast_in_dim3A_193 : f32 to vector<16xf32>
    %swap3A_195 = arith.constant 4 : i32
    %swap3A_196 = arith.index_cast %swap3A_195 : i32 to index
    %swap3A_197 = arith.constant 0 : index
    %swap3A_198 = tpu.vector_load %arg12[%swap3A_196, %swap3A_197] {strides = array<i32>} : memref<8x128xf32, #tpu.memory_space<vmem>>, vector<16xf32>,
    tpu.vector_store %arg12[%swap3A_196, %swap3A_197], %broadcast_in_dim3A_194 {strides = array<i32>} : memref<8x128xf32, #tpu.memory_space<vmem>>, vector<16xf32>,
    %broadcast_in_dim3A_199 = arith.constant 0.000000e+00 : f32
    %broadcast_in_dim3A_200 = vector.broadcast %broadcast_in_dim3A_199 : f32 to vector<16xf32>
    %swap3A_201 = arith.constant 4 : i32
    %swap3A_202 = arith.index_cast %swap3A_201 : i32 to index
    %swap3A_203 = arith.constant 16 : index
    %swap3A_204 = tpu.vector_load %arg12[%swap3A_202, %swap3A_203] {strides = array<i32>} : memref<8x128xf32, #tpu.memory_space<vmem>>, vector<16xf32>,
    tpu.vector_store %arg12[%swap3A_202, %swap3A_203], %broadcast_in_dim3A_200 {strides = array<i32>} : memref<8x128xf32, #tpu.memory_space<vmem>>, vector<16xf32>,
    %broadcast_in_dim3A_205 = arith.constant 0.000000e+00 : f32
    %broadcast_in_dim3A_206 = vector.broadcast %broadcast_in_dim3A_205 : f32 to vector<16xf32>
    %swap3A_207 = arith.constant 4 : i32
    %swap3A_208 = arith.index_cast %swap3A_207 : i32 to index
    %swap3A_209 = arith.constant 32 : index
    %swap3A_210 = tpu.vector_load %arg12[%swap3A_208, %swap3A_209] {strides = array<i32>} : memref<8x128xf32, #tpu.memory_space<vmem>>, vector<16xf32>,
    tpu.vector_store %arg12[%swap3A_208, %swap3A_209], %broadcast_in_dim3A_206 {strides = array<i32>} : memref<8x128xf32, #tpu.memory_space<vmem>>, vector<16xf32>,
    %broadcast_in_dim3A_211 = arith.constant 0.000000e+00 : f32
    %broadcast_in_dim3A_212 = vector.broadcast %broadcast_in_dim3A_211 : f32 to vector<16xf32>
    %swap3A_213 = arith.constant 4 : i32
    %swap3A_214 = arith.index_cast %swap3A_213 : i32 to index
    %swap3A_215 = arith.constant 48 : index
    %swap3A_216 = tpu.vector_load %arg12[%swap3A_214, %swap3A_215] {strides = array<i32>} : memref<8x128xf32, #tpu.memory_space<vmem>>, vector<16xf32>,
    tpu.vector_store %arg12[%swap3A_214, %swap3A_215], %broadcast_in_dim3A_212 {strides = array<i32>} : memref<8x128xf32, #tpu.memory_space<vmem>>, vector<16xf32>,
    %broadcast_in_dim3A_217 = arith.constant 0.000000e+00 : f32
    %broadcast_in_dim3A_218 = vector.broadcast %broadcast_in_dim3A_217 : f32 to vector<16xf32>
    %swap3A_219 = arith.constant 4 : i32
    %swap3A_220 = arith.index_cast %swap3A_219 : i32 to index
    %swap3A_221 = arith.constant 64 : index
    %swap3A_222 = tpu.vector_load %arg12[%swap3A_220, %swap3A_221] {strides = array<i32>} : memref<8x128xf32, #tpu.memory_space<vmem>>, vector<16xf32>,
    tpu.vector_store %arg12[%swap3A_220, %swap3A_221], %broadcast_in_dim3A_218 {strides = array<i32>} : memref<8x128xf32, #tpu.memory_space<vmem>>, vector<16xf32>,
    %broadcast_in_dim3A_223 = arith.constant 0.000000e+00 : f32
    %broadcast_in_dim3A_224 = vector.broadcast %broadcast_in_dim3A_223 : f32 to vector<16xf32>
    %swap3A_225 = arith.constant 4 : i32
    %swap3A_226 = arith.index_cast %swap3A_225 : i32 to index
    %swap3A_227 = arith.constant 80 : index
    %swap3A_228 = tpu.vector_load %arg12[%swap3A_226, %swap3A_227] {strides = array<i32>} : memref<8x128xf32, #tpu.memory_space<vmem>>, vector<16xf32>,
    tpu.vector_store %arg12[%swap3A_226, %swap3A_227], %broadcast_in_dim3A_224 {strides = array<i32>} : memref<8x128xf32, #tpu.memory_space<vmem>>, vector<16xf32>,
    %broadcast_in_dim3A_229 = arith.constant 0.000000e+00 : f32
    %broadcast_in_dim3A_230 = vector.broadcast %broadcast_in_dim3A_229 : f32 to vector<16xf32>
    %swap3A_231 = arith.constant 4 : i32
    %swap3A_232 = arith.index_cast %swap3A_231 : i32 to index
    %swap3A_233 = arith.constant 96 : index
    %swap3A_234 = tpu.vector_load %arg12[%swap3A_232, %swap3A_233] {strides = array<i32>} : memref<8x128xf32, #tpu.memory_space<vmem>>, vector<16xf32>,
    tpu.vector_store %arg12[%swap3A_232, %swap3A_233], %broadcast_in_dim3A_230 {strides = array<i32>} : memref<8x128xf32, #tpu.memory_space<vmem>>, vector<16xf32>,
    %broadcast_in_dim3A_235 = arith.constant 0.000000e+00 : f32
    %broadcast_in_dim3A_236 = vector.broadcast %broadcast_in_dim3A_235 : f32 to vector<16xf32>
    %swap3A_237 = arith.constant 4 : i32
    %swap3A_238 = arith.index_cast %swap3A_237 : i32 to index
    %swap3A_239 = arith.constant 112 : index
    %swap3A_240 = tpu.vector_load %arg12[%swap3A_238, %swap3A_239] {strides = array<i32>} : memref<8x128xf32, #tpu.memory_space<vmem>>, vector<16xf32>,
    tpu.vector_store %arg12[%swap3A_238, %swap3A_239], %broadcast_in_dim3A_236 {strides = array<i32>} : memref<8x128xf32, #tpu.memory_space<vmem>>, vector<16xf32>,
    %broadcast_in_dim3A_241 = arith.constant 0.000000e+00 : f32
    %broadcast_in_dim3A_242 = vector.broadcast %broadcast_in_dim3A_241 : f32 to vector<16xf32>
    %swap3A_243 = arith.constant 5 : i32
    %swap3A_244 = arith.index_cast %swap3A_243 : i32 to index
    %swap3A_245 = arith.constant 0 : index
    %swap3A_246 = tpu.vector_load %arg12[%swap3A_244, %swap3A_245] {strides = array<i32>} : memref<8x128xf32, #tpu.memory_space<vmem>>, vector<16xf32>,
    tpu.vector_store %arg12[%swap3A_244, %swap3A_245], %broadcast_in_dim3A_242 {strides = array<i32>} : memref<8x128xf32, #tpu.memory_space<vmem>>, vector<16xf32>,
    %broadcast_in_dim3A_247 = arith.constant 0.000000e+00 : f32
    %broadcast_in_dim3A_248 = vector.broadcast %broadcast_in_dim3A_247 : f32 to vector<16xf32>
    %swap3A_249 = arith.constant 5 : i32
    %swap3A_250 = arith.index_cast %swap3A_249 : i32 to index
    %swap3A_251 = arith.constant 16 : index
    %swap3A_252 = tpu.vector_load %arg12[%swap3A_250, %swap3A_251] {strides = array<i32>} : memref<8x128xf32, #tpu.memory_space<vmem>>, vector<16xf32>,
    tpu.vector_store %arg12[%swap3A_250, %swap3A_251], %broadcast_in_dim3A_248 {strides = array<i32>} : memref<8x128xf32, #tpu.memory_space<vmem>>, vector<16xf32>,
    %broadcast_in_dim3A_253 = arith.constant 0.000000e+00 : f32
    %broadcast_in_dim3A_254 = vector.broadcast %broadcast_in_dim3A_253 : f32 to vector<16xf32>
    %swap3A_255 = arith.constant 5 : i32
    %swap3A_256 = arith.index_cast %swap3A_255 : i32 to index
    %swap3A_257 = arith.constant 32 : index
    %swap3A_258 = tpu.vector_load %arg12[%swap3A_256, %swap3A_257] {strides = array<i32>} : memref<8x128xf32, #tpu.memory_space<vmem>>, vector<16xf32>,
    tpu.vector_store %arg12[%swap3A_256, %swap3A_257], %broadcast_in_dim3A_254 {strides = array<i32>} : memref<8x128xf32, #tpu.memory_space<vmem>>, vector<16xf32>,
    %broadcast_in_dim3A_259 = arith.constant 0.000000e+00 : f32
    %broadcast_in_dim3A_260 = vector.broadcast %broadcast_in_dim3A_259 : f32 to vector<16xf32>
    %swap3A_261 = arith.constant 5 : i32
    %swap3A_262 = arith.index_cast %swap3A_261 : i32 to index
    %swap3A_263 = arith.constant 48 : index
    %swap3A_264 = tpu.vector_load %arg12[%swap3A_262, %swap3A_263] {strides = array<i32>} : memref<8x128xf32, #tpu.memory_space<vmem>>, vector<16xf32>,
    tpu.vector_store %arg12[%swap3A_262, %swap3A_263], %broadcast_in_dim3A_260 {strides = array<i32>} : memref<8x128xf32, #tpu.memory_space<vmem>>, vector<16xf32>,
    %broadcast_in_dim3A_265 = arith.constant 0.000000e+00 : f32
    %broadcast_in_dim3A_266 = vector.broadcast %broadcast_in_dim3A_265 : f32 to vector<16xf32>
    %swap3A_267 = arith.constant 5 : i32
    %swap3A_268 = arith.index_cast %swap3A_267 : i32 to index
    %swap3A_269 = arith.constant 64 : index
    %swap3A_270 = tpu.vector_load %arg12[%swap3A_268, %swap3A_269] {strides = array<i32>} : memref<8x128xf32, #tpu.memory_space<vmem>>, vector<16xf32>,
    tpu.vector_store %arg12[%swap3A_268, %swap3A_269], %broadcast_in_dim3A_266 {strides = array<i32>} : memref<8x128xf32, #tpu.memory_space<vmem>>, vector<16xf32>,
    %broadcast_in_dim3A_271 = arith.constant 0.000000e+00 : f32
    %broadcast_in_dim3A_272 = vector.broadcast %broadcast_in_dim3A_271 : f32 to vector<16xf32>
    %swap3A_273 = arith.constant 5 : i32
    %swap3A_274 = arith.index_cast %swap3A_273 : i32 to index
    %swap3A_275 = arith.constant 80 : index
    %swap3A_276 = tpu.vector_load %arg12[%swap3A_274, %swap3A_275] {strides = array<i32>} : memref<8x128xf32, #tpu.memory_space<vmem>>, vector<16xf32>,
    tpu.vector_store %arg12[%swap3A_274, %swap3A_275], %broadcast_in_dim3A_272 {strides = array<i32>} : memref<8x128xf32, #tpu.memory_space<vmem>>, vector<16xf32>,
    %broadcast_in_dim3A_277 = arith.constant 0.000000e+00 : f32
    %broadcast_in_dim3A_278 = vector.broadcast %broadcast_in_dim3A_277 : f32 to vector<16xf32>
    %swap3A_279 = arith.constant 5 : i32
    %swap3A_280 = arith.index_cast %swap3A_279 : i32 to index
    %swap3A_281 = arith.constant 96 : index
    %swap3A_282 = tpu.vector_load %arg12[%swap3A_280, %swap3A_281] {strides = array<i32>} : memref<8x128xf32, #tpu.memory_space<vmem>>, vector<16xf32>,
    tpu.vector_store %arg12[%swap3A_280, %swap3A_281], %broadcast_in_dim3A_278 {strides = array<i32>} : memref<8x128xf32, #tpu.memory_space<vmem>>, vector<16xf32>,
    %broadcast_in_dim3A_283 = arith.constant 0.000000e+00 : f32
    %broadcast_in_dim3A_284 = vector.broadcast %broadcast_in_dim3A_283 : f32 to vector<16xf32>
    %swap3A_285 = arith.constant 5 : i32
    %swap3A_286 = arith.index_cast %swap3A_285 : i32 to index
    %swap3A_287 = arith.constant 112 : index
    %swap3A_288 = tpu.vector_load %arg12[%swap3A_286, %swap3A_287] {strides = array<i32>} : memref<8x128xf32, #tpu.memory_space<vmem>>, vector<16xf32>,
    tpu.vector_store %arg12[%swap3A_286, %swap3A_287], %broadcast_in_dim3A_284 {strides = array<i32>} : memref<8x128xf32, #tpu.memory_space<vmem>>, vector<16xf32>,
    %broadcast_in_dim3A_289 = arith.constant 0.000000e+00 : f32
    %broadcast_in_dim3A_290 = vector.broadcast %broadcast_in_dim3A_289 : f32 to vector<16xf32>
    %swap3A_291 = arith.constant 6 : i32
    %swap3A_292 = arith.index_cast %swap3A_291 : i32 to index
    %swap3A_293 = arith.constant 0 : index
    %swap3A_294 = tpu.vector_load %arg12[%swap3A_292, %swap3A_293] {strides = array<i32>} : memref<8x128xf32, #tpu.memory_space<vmem>>, vector<16xf32>,
    tpu.vector_store %arg12[%swap3A_292, %swap3A_293], %broadcast_in_dim3A_290 {strides = array<i32>} : memref<8x128xf32, #tpu.memory_space<vmem>>, vector<16xf32>,
    %broadcast_in_dim3A_295 = arith.constant 0.000000e+00 : f32
    %broadcast_in_dim3A_296 = vector.broadcast %broadcast_in_dim3A_295 : f32 to vector<16xf32>
    %swap3A_297 = arith.constant 6 : i32
    %swap3A_298 = arith.index_cast %swap3A_297 : i32 to index
    %swap3A_299 = arith.constant 16 : index
    %swap3A_300 = tpu.vector_load %arg12[%swap3A_298, %swap3A_299] {strides = array<i32>} : memref<8x128xf32, #tpu.memory_space<vmem>>, vector<16xf32>,
    tpu.vector_store %arg12[%swap3A_298, %swap3A_299], %broadcast_in_dim3A_296 {strides = array<i32>} : memref<8x128xf32, #tpu.memory_space<vmem>>, vector<16xf32>,
    %broadcast_in_dim3A_301 = arith.constant 0.000000e+00 : f32
    %broadcast_in_dim3A_302 = vector.broadcast %broadcast_in_dim3A_301 : f32 to vector<16xf32>
    %swap3A_303 = arith.constant 6 : i32
    %swap3A_304 = arith.index_cast %swap3A_303 : i32 to index
    %swap3A_305 = arith.constant 32 : index
    %swap3A_306 = tpu.vector_load %arg12[%swap3A_304, %swap3A_305] {strides = array<i32>} : memref<8x128xf32, #tpu.memory_space<vmem>>, vector<16xf32>,
    tpu.vector_store %arg12[%swap3A_304, %swap3A_305], %broadcast_in_dim3A_302 {strides = array<i32>} : memref<8x128xf32, #tpu.memory_space<vmem>>, vector<16xf32>,
    %broadcast_in_dim3A_307 = arith.constant 0.000000e+00 : f32
    %broadcast_in_dim3A_308 = vector.broadcast %broadcast_in_dim3A_307 : f32 to vector<16xf32>
    %swap3A_309 = arith.constant 6 : i32
    %swap3A_310 = arith.index_cast %swap3A_309 : i32 to index
    %swap3A_311 = arith.constant 48 : index
    %swap3A_312 = tpu.vector_load %arg12[%swap3A_310, %swap3A_311] {strides = array<i32>} : memref<8x128xf32, #tpu.memory_space<vmem>>, vector<16xf32>,
    tpu.vector_store %arg12[%swap3A_310, %swap3A_311], %broadcast_in_dim3A_308 {strides = array<i32>} : memref<8x128xf32, #tpu.memory_space<vmem>>, vector<16xf32>,
    %broadcast_in_dim3A_313 = arith.constant 0.000000e+00 : f32
    %broadcast_in_dim3A_314 = vector.broadcast %broadcast_in_dim3A_313 : f32 to vector<16xf32>
    %swap3A_315 = arith.constant 6 : i32
    %swap3A_316 = arith.index_cast %swap3A_315 : i32 to index
    %swap3A_317 = arith.constant 64 : index
    %swap3A_318 = tpu.vector_load %arg12[%swap3A_316, %swap3A_317] {strides = array<i32>} : memref<8x128xf32, #tpu.memory_space<vmem>>, vector<16xf32>,
    tpu.vector_store %arg12[%swap3A_316, %swap3A_317], %broadcast_in_dim3A_314 {strides = array<i32>} : memref<8x128xf32, #tpu.memory_space<vmem>>, vector<16xf32>,
    %broadcast_in_dim3A_319 = arith.constant 0.000000e+00 : f32
    %broadcast_in_dim3A_320 = vector.broadcast %broadcast_in_dim3A_319 : f32 to vector<16xf32>
    %swap3A_321 = arith.constant 6 : i32
    %swap3A_322 = arith.index_cast %swap3A_321 : i32 to index
    %swap3A_323 = arith.constant 80 : index
    %swap3A_324 = tpu.vector_load %arg12[%swap3A_322, %swap3A_323] {strides = array<i32>} : memref<8x128xf32, #tpu.memory_space<vmem>>, vector<16xf32>,
    tpu.vector_store %arg12[%swap3A_322, %swap3A_323], %broadcast_in_dim3A_320 {strides = array<i32>} : memref<8x128xf32, #tpu.memory_space<vmem>>, vector<16xf32>,
    %broadcast_in_dim3A_325 = arith.constant 0.000000e+00 : f32
    %broadcast_in_dim3A_326 = vector.broadcast %broadcast_in_dim3A_325 : f32 to vector<16xf32>
    %swap3A_327 = arith.constant 6 : i32
    %swap3A_328 = arith.index_cast %swap3A_327 : i32 to index
    %swap3A_329 = arith.constant 96 : index
    %swap3A_330 = tpu.vector_load %arg12[%swap3A_328, %swap3A_329] {strides = array<i32>} : memref<8x128xf32, #tpu.memory_space<vmem>>, vector<16xf32>,
    tpu.vector_store %arg12[%swap3A_328, %swap3A_329], %broadcast_in_dim3A_326 {strides = array<i32>} : memref<8x128xf32, #tpu.memory_space<vmem>>, vector<16xf32>,
    %broadcast_in_dim3A_331 = arith.constant 0.000000e+00 : f32
    %broadcast_in_dim3A_332 = vector.broadcast %broadcast_in_dim3A_331 : f32 to vector<16xf32>
    %swap3A_333 = arith.constant 6 : i32
    %swap3A_334 = arith.index_cast %swap3A_333 : i32 to index
    %swap3A_335 = arith.constant 112 : index
    %swap3A_336 = tpu.vector_load %arg12[%swap3A_334, %swap3A_335] {strides = array<i32>} : memref<8x128xf32, #tpu.memory_space<vmem>>, vector<16xf32>,
    tpu.vector_store %arg12[%swap3A_334, %swap3A_335], %broadcast_in_dim3A_332 {strides = array<i32>} : memref<8x128xf32, #tpu.memory_space<vmem>>, vector<16xf32>,
    %broadcast_in_dim3A_337 = arith.constant 0.000000e+00 : f32
    %broadcast_in_dim3A_338 = vector.broadcast %broadcast_in_dim3A_337 : f32 to vector<16xf32>
    %swap3A_339 = arith.constant 7 : i32
    %swap3A_340 = arith.index_cast %swap3A_339 : i32 to index
    %swap3A_341 = arith.constant 0 : index
    %swap3A_342 = tpu.vector_load %arg12[%swap3A_340, %swap3A_341] {strides = array<i32>} : memref<8x128xf32, #tpu.memory_space<vmem>>, vector<16xf32>,
    tpu.vector_store %arg12[%swap3A_340, %swap3A_341], %broadcast_in_dim3A_338 {strides = array<i32>} : memref<8x128xf32, #tpu.memory_space<vmem>>, vector<16xf32>,
    %broadcast_in_dim3A_343 = arith.constant 0.000000e+00 : f32
    %broadcast_in_dim3A_344 = vector.broadcast %broadcast_in_dim3A_343 : f32 to vector<16xf32>
    %swap3A_345 = arith.constant 7 : i32
    %swap3A_346 = arith.index_cast %swap3A_345 : i32 to index
    %swap3A_347 = arith.constant 16 : index
    %swap3A_348 = tpu.vector_load %arg12[%swap3A_346, %swap3A_347] {strides = array<i32>} : memref<8x128xf32, #tpu.memory_space<vmem>>, vector<16xf32>,
    tpu.vector_store %arg12[%swap3A_346, %swap3A_347], %broadcast_in_dim3A_344 {strides = array<i32>} : memref<8x128xf32, #tpu.memory_space<vmem>>, vector<16xf32>,
    %broadcast_in_dim3A_349 = arith.constant 0.000000e+00 : f32
    %broadcast_in_dim3A_350 = vector.broadcast %broadcast_in_dim3A_349 : f32 to vector<16xf32>
    %swap3A_351 = arith.constant 7 : i32
    %swap3A_352 = arith.index_cast %swap3A_351 : i32 to index
    %swap3A_353 = arith.constant 32 : index
    %swap3A_354 = tpu.vector_load %arg12[%swap3A_352, %swap3A_353] {strides = array<i32>} : memref<8x128xf32, #tpu.memory_space<vmem>>, vector<16xf32>,
    tpu.vector_store %arg12[%swap3A_352, %swap3A_353], %broadcast_in_dim3A_350 {strides = array<i32>} : memref<8x128xf32, #tpu.memory_space<vmem>>, vector<16xf32>,
    %broadcast_in_dim3A_355 = arith.constant 0.000000e+00 : f32
    %broadcast_in_dim3A_356 = vector.broadcast %broadcast_in_dim3A_355 : f32 to vector<16xf32>
    %swap3A_357 = arith.constant 7 : i32
    %swap3A_358 = arith.index_cast %swap3A_357 : i32 to index
    %swap3A_359 = arith.constant 48 : index
    %swap3A_360 = tpu.vector_load %arg12[%swap3A_358, %swap3A_359] {strides = array<i32>} : memref<8x128xf32, #tpu.memory_space<vmem>>, vector<16xf32>,
    tpu.vector_store %arg12[%swap3A_358, %swap3A_359], %broadcast_in_dim3A_356 {strides = array<i32>} : memref<8x128xf32, #tpu.memory_space<vmem>>, vector<16xf32>,
    %broadcast_in_dim3A_361 = arith.constant 0.000000e+00 : f32
    %broadcast_in_dim3A_362 = vector.broadcast %broadcast_in_dim3A_361 : f32 to vector<16xf32>
    %swap3A_363 = arith.constant 7 : i32
    %swap3A_364 = arith.index_cast %swap3A_363 : i32 to index
    %swap3A_365 = arith.constant 64 : index
    %swap3A_366 = tpu.vector_load %arg12[%swap3A_364, %swap3A_365] {strides = array<i32>} : memref<8x128xf32, #tpu.memory_space<vmem>>, vector<16xf32>,
    tpu.vector_store %arg12[%swap3A_364, %swap3A_365], %broadcast_in_dim3A_362 {strides = array<i32>} : memref<8x128xf32, #tpu.memory_space<vmem>>, vector<16xf32>,
    %broadcast_in_dim3A_367 = arith.constant 0.000000e+00 : f32
    %broadcast_in_dim3A_368 = vector.broadcast %broadcast_in_dim3A_367 : f32 to vector<16xf32>
    %swap3A_369 = arith.constant 7 : i32
    %swap3A_370 = arith.index_cast %swap3A_369 : i32 to index
    %swap3A_371 = arith.constant 80 : index
    %swap3A_372 = tpu.vector_load %arg12[%swap3A_370, %swap3A_371] {strides = array<i32>} : memref<8x128xf32, #tpu.memory_space<vmem>>, vector<16xf32>,
    tpu.vector_store %arg12[%swap3A_370, %swap3A_371], %broadcast_in_dim3A_368 {strides = array<i32>} : memref<8x128xf32, #tpu.memory_space<vmem>>, vector<16xf32>,
    %broadcast_in_dim3A_373 = arith.constant 0.000000e+00 : f32
    %broadcast_in_dim3A_374 = vector.broadcast %broadcast_in_dim3A_373 : f32 to vector<16xf32>
    %swap3A_375 = arith.constant 7 : i32
    %swap3A_376 = arith.index_cast %swap3A_375 : i32 to index
    %swap3A_377 = arith.constant 96 : index
    %swap3A_378 = tpu.vector_load %arg12[%swap3A_376, %swap3A_377] {strides = array<i32>} : memref<8x128xf32, #tpu.memory_space<vmem>>, vector<16xf32>,
    tpu.vector_store %arg12[%swap3A_376, %swap3A_377], %broadcast_in_dim3A_374 {strides = array<i32>} : memref<8x128xf32, #tpu.memory_space<vmem>>, vector<16xf32>,
    %broadcast_in_dim3A_379 = arith.constant 0.000000e+00 : f32
    %broadcast_in_dim3A_380 = vector.broadcast %broadcast_in_dim3A_379 : f32 to vector<16xf32>
    %swap3A_381 = arith.constant 7 : i32
    %swap3A_382 = arith.index_cast %swap3A_381 : i32 to index
    %swap3A_383 = arith.constant 112 : index
    %swap3A_384 = tpu.vector_load %arg12[%swap3A_382, %swap3A_383] {strides = array<i32>} : memref<8x128xf32, #tpu.memory_space<vmem>>, vector<16xf32>,
    tpu.vector_store %arg12[%swap3A_382, %swap3A_383], %broadcast_in_dim3A_380 {strides = array<i32>} : memref<8x128xf32, #tpu.memory_space<vmem>>, vector<16xf32>,
    %scan3A = arith.constant 0 : i32
    %scan3A_385 = arith.constant 0 : i32
    %scan3A_386 = arith.constant 80 : i32
    %scan3A_387 = arith.addi %scan3A_385, %scan3A_386 : i32
    %scan3A_388 = arith.constant 1 : i32
    scf.for %scan3A_826 = %scan3A_385 to %scan3A_387 step %scan3A_388  : i32 {
      %broadcast_in_dim3A_827 = arith.constant 0.000000e+00 : f32
      %broadcast_in_dim3A_828 = vector.broadcast %broadcast_in_dim3A_827 : f32 to vector<16xf32>
      %swap3A_829 = arith.index_cast %scan3A_826 : i32 to index
      %swap3A_830 = arith.constant 0 : index
      %swap3A_831 = tpu.vector_load %arg11[%swap3A_829, %swap3A_830] {strides = array<i32>} : memref<80x128xf32, #tpu.memory_space<vmem>>, vector<16xf32>,
      tpu.vector_store %arg11[%swap3A_829, %swap3A_830], %broadcast_in_dim3A_828 {strides = array<i32>} : memref<80x128xf32, #tpu.memory_space<vmem>>, vector<16xf32>,
      %broadcast_in_dim3A_832 = arith.constant 0.000000e+00 : f32
      %broadcast_in_dim3A_833 = vector.broadcast %broadcast_in_dim3A_832 : f32 to vector<16xf32>
      %swap3A_834 = arith.index_cast %scan3A_826 : i32 to index
      %swap3A_835 = arith.constant 16 : index
      %swap3A_836 = tpu.vector_load %arg11[%swap3A_834, %swap3A_835] {strides = array<i32>} : memref<80x128xf32, #tpu.memory_space<vmem>>, vector<16xf32>,
      tpu.vector_store %arg11[%swap3A_834, %swap3A_835], %broadcast_in_dim3A_833 {strides = array<i32>} : memref<80x128xf32, #tpu.memory_space<vmem>>, vector<16xf32>,
      %broadcast_in_dim3A_837 = arith.constant 0.000000e+00 : f32
      %broadcast_in_dim3A_838 = vector.broadcast %broadcast_in_dim3A_837 : f32 to vector<16xf32>
      %swap3A_839 = arith.index_cast %scan3A_826 : i32 to index
      %swap3A_840 = arith.constant 32 : index
      %swap3A_841 = tpu.vector_load %arg11[%swap3A_839, %swap3A_840] {strides = array<i32>} : memref<80x128xf32, #tpu.memory_space<vmem>>, vector<16xf32>,
      tpu.vector_store %arg11[%swap3A_839, %swap3A_840], %broadcast_in_dim3A_838 {strides = array<i32>} : memref<80x128xf32, #tpu.memory_space<vmem>>, vector<16xf32>,
      %broadcast_in_dim3A_842 = arith.constant 0.000000e+00 : f32
      %broadcast_in_dim3A_843 = vector.broadcast %broadcast_in_dim3A_842 : f32 to vector<16xf32>
      %swap3A_844 = arith.index_cast %scan3A_826 : i32 to index
      %swap3A_845 = arith.constant 48 : index
      %swap3A_846 = tpu.vector_load %arg11[%swap3A_844, %swap3A_845] {strides = array<i32>} : memref<80x128xf32, #tpu.memory_space<vmem>>, vector<16xf32>,
      tpu.vector_store %arg11[%swap3A_844, %swap3A_845], %broadcast_in_dim3A_843 {strides = array<i32>} : memref<80x128xf32, #tpu.memory_space<vmem>>, vector<16xf32>,
      %broadcast_in_dim3A_847 = arith.constant 0.000000e+00 : f32
      %broadcast_in_dim3A_848 = vector.broadcast %broadcast_in_dim3A_847 : f32 to vector<16xf32>
      %swap3A_849 = arith.index_cast %scan3A_826 : i32 to index
      %swap3A_850 = arith.constant 64 : index
      %swap3A_851 = tpu.vector_load %arg11[%swap3A_849, %swap3A_850] {strides = array<i32>} : memref<80x128xf32, #tpu.memory_space<vmem>>, vector<16xf32>,
      tpu.vector_store %arg11[%swap3A_849, %swap3A_850], %broadcast_in_dim3A_848 {strides = array<i32>} : memref<80x128xf32, #tpu.memory_space<vmem>>, vector<16xf32>,
      %broadcast_in_dim3A_852 = arith.constant 0.000000e+00 : f32
      %broadcast_in_dim3A_853 = vector.broadcast %broadcast_in_dim3A_852 : f32 to vector<16xf32>
      %swap3A_854 = arith.index_cast %scan3A_826 : i32 to index
      %swap3A_855 = arith.constant 80 : index
      %swap3A_856 = tpu.vector_load %arg11[%swap3A_854, %swap3A_855] {strides = array<i32>} : memref<80x128xf32, #tpu.memory_space<vmem>>, vector<16xf32>,
      tpu.vector_store %arg11[%swap3A_854, %swap3A_855], %broadcast_in_dim3A_853 {strides = array<i32>} : memref<80x128xf32, #tpu.memory_space<vmem>>, vector<16xf32>,
      %broadcast_in_dim3A_857 = arith.constant 0.000000e+00 : f32
      %broadcast_in_dim3A_858 = vector.broadcast %broadcast_in_dim3A_857 : f32 to vector<16xf32>
      %swap3A_859 = arith.index_cast %scan3A_826 : i32 to index
      %swap3A_860 = arith.constant 96 : index
      %swap3A_861 = tpu.vector_load %arg11[%swap3A_859, %swap3A_860] {strides = array<i32>} : memref<80x128xf32, #tpu.memory_space<vmem>>, vector<16xf32>,
      tpu.vector_store %arg11[%swap3A_859, %swap3A_860], %broadcast_in_dim3A_858 {strides = array<i32>} : memref<80x128xf32, #tpu.memory_space<vmem>>, vector<16xf32>,
      %broadcast_in_dim3A_862 = arith.constant 0.000000e+00 : f32
      %broadcast_in_dim3A_863 = vector.broadcast %broadcast_in_dim3A_862 : f32 to vector<16xf32>
      %swap3A_864 = arith.index_cast %scan3A_826 : i32 to index
      %swap3A_865 = arith.constant 112 : index
      %swap3A_866 = tpu.vector_load %arg11[%swap3A_864, %swap3A_865] {strides = array<i32>} : memref<80x128xf32, #tpu.memory_space<vmem>>, vector<16xf32>,
      tpu.vector_store %arg11[%swap3A_864, %swap3A_865], %broadcast_in_dim3A_863 {strides = array<i32>} : memref<80x128xf32, #tpu.memory_space<vmem>>, vector<16xf32>,
    }
    %scan3A_389 = arith.constant 80 : i32
    %scan3A_390 = arith.constant 0 : i32
    %scan3A_391 = arith.constant 0 : i32
    %scan3A_392 = arith.constant 40 : i32
    %scan3A_393 = arith.addi %scan3A_391, %scan3A_392 : i32
    %scan3A_394 = arith.constant 1 : i32
    scf.for %scan3A_826 = %scan3A_391 to %scan3A_393 step %scan3A_394  : i32 {
      %mul3A_827 = arith.constant 16 : i32
      %mul3A_828 = arith.muli %scan3A_826, %mul3A_827 : i32
      %add3A_829 = arith.addi %arg1, %mul3A_828 : i32
      %mul3A_830 = arith.constant 8 : i32
      %mul3A_831 = arith.muli %add3A_829, %mul3A_830 : i32
      "tpu.region"() ({
        %run_scoped3A = tpu.sem_alloc : memref<!tpu.dma_semaphore, #tpu.memory_space<semaphore_mem>>
        %dma_start3A = arith.constant 0 : i32
        %dma_start3A_832 = tpu.memref_slice %arg13[%mul3A_831, %dma_start3A] : memref<5120x128xf32, #tpu.memory_space<vmem_shared>> -> memref<8x128xf32, #tpu.memory_space<vmem_shared>>
        %dma_start3A_833 = arith.constant 0 : i32
        %dma_start3A_834 = tpu.memref_slice %arg13[%mul3A_831, %dma_start3A_833] : memref<5120x128xf32, #tpu.memory_space<vmem_shared>> -> memref<8x128xf32, #tpu.memory_space<vmem_shared>>
        tpu.enqueue_dma source(%arg12 : memref<8x128xf32, #tpu.memory_space<vmem>>) target(%dma_start3A_834 : memref<8x128xf32, #tpu.memory_space<vmem_shared>>) target_semaphore(%run_scoped3A : memref<!tpu.dma_semaphore, #tpu.memory_space<semaphore_mem>>)
        %dma_wait3A = arith.constant 0 : i32
        %dma_wait3A_835 = tpu.memref_slice %arg13[%mul3A_831, %dma_wait3A] : memref<5120x128xf32, #tpu.memory_space<vmem_shared>> -> memref<8x128xf32, #tpu.memory_space<vmem_shared>>
        %dma_wait3A_836 = arith.constant 0 : i32
        %dma_wait3A_837 = tpu.memref_slice %arg13[%mul3A_831, %dma_wait3A_836] : memref<5120x128xf32, #tpu.memory_space<vmem_shared>> -> memref<8x128xf32, #tpu.memory_space<vmem_shared>>
        tpu.wait_dma2 semaphore(%run_scoped3A : memref<!tpu.dma_semaphore, #tpu.memory_space<semaphore_mem>>) src(%arg12 : memref<8x128xf32, #tpu.memory_space<vmem>>) dst(%dma_wait3A_837 : memref<8x128xf32, #tpu.memory_space<vmem_shared>>)
        tpu.yield
      }) : () -> ()
    }
    %scan3A_395 = arith.constant 40 : i32
    %barrier3A = arith.constant 0 : index
    tpu.barrier barrier_id(%barrier3A)
    "tpu.region"() ({
      %run_scoped3A = tpu.sem_alloc : memref<!tpu.dma_semaphore, #tpu.memory_space<semaphore_mem>>
      %dma_start3A = tpu.memref_slice %arg4[%mul3A_2] : memref<320000xi32, #tpu.memory_space<hbm>> -> memref<80xi32, #tpu.memory_space<hbm>>
      %dma_start3A_826 = tpu.memref_slice %arg4[%mul3A_2] : memref<320000xi32, #tpu.memory_space<hbm>> -> memref<80xi32, #tpu.memory_space<hbm>>
      tpu.enqueue_dma source(%dma_start3A_826 : memref<80xi32, #tpu.memory_space<hbm>>) target(%arg7 : memref<80xi32, #tpu.memory_space<vmem>>) target_semaphore(%run_scoped3A : memref<!tpu.dma_semaphore, #tpu.memory_space<semaphore_mem>>)
      %dma_wait3A = tpu.memref_slice %arg4[%mul3A_2] : memref<320000xi32, #tpu.memory_space<hbm>> -> memref<80xi32, #tpu.memory_space<hbm>>
      %dma_wait3A_827 = tpu.memref_slice %arg4[%mul3A_2] : memref<320000xi32, #tpu.memory_space<hbm>> -> memref<80xi32, #tpu.memory_space<hbm>>
      tpu.wait_dma2 semaphore(%run_scoped3A : memref<!tpu.dma_semaphore, #tpu.memory_space<semaphore_mem>>) src(%dma_wait3A_827 : memref<80xi32, #tpu.memory_space<hbm>>) dst(%arg7 : memref<80xi32, #tpu.memory_space<vmem>>)
      tpu.yield
    }) : () -> ()
    %get3A = arith.constant 0 : index
    %get3A_396 = tpu.vector_load %arg7[%get3A] {strides = array<i32>} : memref<80xi32, #tpu.memory_space<vmem>>, vector<16xi32>,
    %sub3A = arith.constant 0 : i32
    %sub3A_397 = vector.broadcast %sub3A : i32 to vector<16xi32>
    %sub3A_398 = arith.subi %get3A_396, %sub3A_397 : vector<16xi32>
    %ge3A = arith.constant 0 : i32
    %ge3A_399 = vector.broadcast %ge3A : i32 to vector<16xi32>
    %ge3A_400 = arith.cmpi sge, %sub3A_398, %ge3A_399 : vector<16xi32>
    %lt3A = arith.constant 5056 : i32
    %lt3A_401 = vector.broadcast %lt3A : i32 to vector<16xi32>
    %lt3A_402 = arith.cmpi slt, %sub3A_398, %lt3A_401 : vector<16xi32>
    %and3A = arith.andi %ge3A_400, %lt3A_402 : vector<16xi1>
    %jit3A = arith.constant 5056 : i32
    %broadcast_in_dim3A_403 = vector.broadcast %jit3A : i32 to vector<16xi32>
    %select_n3A = arith.select %and3A, %sub3A_398, %broadcast_in_dim3A_403 : vector<16xi1>, vector<16xi32>
    %swap3A_404 = arith.constant 0 : index
    %swap3A_405 = tpu.vector_load %arg8[%swap3A_404] {strides = array<i32>} : memref<80xi32, #tpu.memory_space<vmem>>, vector<16xi32>,
    tpu.vector_store %arg8[%swap3A_404], %select_n3A {strides = array<i32>} : memref<80xi32, #tpu.memory_space<vmem>>, vector<16xi32>,
    %get3A_406 = arith.constant 16 : index
    %get3A_407 = tpu.vector_load %arg7[%get3A_406] {strides = array<i32>} : memref<80xi32, #tpu.memory_space<vmem>>, vector<16xi32>,
    %sub3A_408 = arith.constant 0 : i32
    %sub3A_409 = vector.broadcast %sub3A_408 : i32 to vector<16xi32>
    %sub3A_410 = arith.subi %get3A_407, %sub3A_409 : vector<16xi32>
    %ge3A_411 = arith.constant 0 : i32
    %ge3A_412 = vector.broadcast %ge3A_411 : i32 to vector<16xi32>
    %ge3A_413 = arith.cmpi sge, %sub3A_410, %ge3A_412 : vector<16xi32>
    %lt3A_414 = arith.constant 5056 : i32
    %lt3A_415 = vector.broadcast %lt3A_414 : i32 to vector<16xi32>
    %lt3A_416 = arith.cmpi slt, %sub3A_410, %lt3A_415 : vector<16xi32>
    %and3A_417 = arith.andi %ge3A_413, %lt3A_416 : vector<16xi1>
    %jit3A_418 = arith.constant 5056 : i32
    %broadcast_in_dim3A_419 = vector.broadcast %jit3A_418 : i32 to vector<16xi32>
    %select_n3A_420 = arith.select %and3A_417, %sub3A_410, %broadcast_in_dim3A_419 : vector<16xi1>, vector<16xi32>
    %swap3A_421 = arith.constant 16 : index
    %swap3A_422 = tpu.vector_load %arg8[%swap3A_421] {strides = array<i32>} : memref<80xi32, #tpu.memory_space<vmem>>, vector<16xi32>,
    tpu.vector_store %arg8[%swap3A_421], %select_n3A_420 {strides = array<i32>} : memref<80xi32, #tpu.memory_space<vmem>>, vector<16xi32>,
    %get3A_423 = arith.constant 32 : index
    %get3A_424 = tpu.vector_load %arg7[%get3A_423] {strides = array<i32>} : memref<80xi32, #tpu.memory_space<vmem>>, vector<16xi32>,
    %sub3A_425 = arith.constant 0 : i32
    %sub3A_426 = vector.broadcast %sub3A_425 : i32 to vector<16xi32>
    %sub3A_427 = arith.subi %get3A_424, %sub3A_426 : vector<16xi32>
    %ge3A_428 = arith.constant 0 : i32
    %ge3A_429 = vector.broadcast %ge3A_428 : i32 to vector<16xi32>
    %ge3A_430 = arith.cmpi sge, %sub3A_427, %ge3A_429 : vector<16xi32>
    %lt3A_431 = arith.constant 5056 : i32
    %lt3A_432 = vector.broadcast %lt3A_431 : i32 to vector<16xi32>
    %lt3A_433 = arith.cmpi slt, %sub3A_427, %lt3A_432 : vector<16xi32>
    %and3A_434 = arith.andi %ge3A_430, %lt3A_433 : vector<16xi1>
    %jit3A_435 = arith.constant 5056 : i32
    %broadcast_in_dim3A_436 = vector.broadcast %jit3A_435 : i32 to vector<16xi32>
    %select_n3A_437 = arith.select %and3A_434, %sub3A_427, %broadcast_in_dim3A_436 : vector<16xi1>, vector<16xi32>
    %swap3A_438 = arith.constant 32 : index
    %swap3A_439 = tpu.vector_load %arg8[%swap3A_438] {strides = array<i32>} : memref<80xi32, #tpu.memory_space<vmem>>, vector<16xi32>,
    tpu.vector_store %arg8[%swap3A_438], %select_n3A_437 {strides = array<i32>} : memref<80xi32, #tpu.memory_space<vmem>>, vector<16xi32>,
    %get3A_440 = arith.constant 48 : index
    %get3A_441 = tpu.vector_load %arg7[%get3A_440] {strides = array<i32>} : memref<80xi32, #tpu.memory_space<vmem>>, vector<16xi32>,
    %sub3A_442 = arith.constant 0 : i32
    %sub3A_443 = vector.broadcast %sub3A_442 : i32 to vector<16xi32>
    %sub3A_444 = arith.subi %get3A_441, %sub3A_443 : vector<16xi32>
    %ge3A_445 = arith.constant 0 : i32
    %ge3A_446 = vector.broadcast %ge3A_445 : i32 to vector<16xi32>
    %ge3A_447 = arith.cmpi sge, %sub3A_444, %ge3A_446 : vector<16xi32>
    %lt3A_448 = arith.constant 5056 : i32
    %lt3A_449 = vector.broadcast %lt3A_448 : i32 to vector<16xi32>
    %lt3A_450 = arith.cmpi slt, %sub3A_444, %lt3A_449 : vector<16xi32>
    %and3A_451 = arith.andi %ge3A_447, %lt3A_450 : vector<16xi1>
    %jit3A_452 = arith.constant 5056 : i32
    %broadcast_in_dim3A_453 = vector.broadcast %jit3A_452 : i32 to vector<16xi32>
    %select_n3A_454 = arith.select %and3A_451, %sub3A_444, %broadcast_in_dim3A_453 : vector<16xi1>, vector<16xi32>
    %swap3A_455 = arith.constant 48 : index
    %swap3A_456 = tpu.vector_load %arg8[%swap3A_455] {strides = array<i32>} : memref<80xi32, #tpu.memory_space<vmem>>, vector<16xi32>,
    tpu.vector_store %arg8[%swap3A_455], %select_n3A_454 {strides = array<i32>} : memref<80xi32, #tpu.memory_space<vmem>>, vector<16xi32>,
    %get3A_457 = arith.constant 64 : index
    %get3A_458 = tpu.vector_load %arg7[%get3A_457] {strides = array<i32>} : memref<80xi32, #tpu.memory_space<vmem>>, vector<16xi32>,
    %sub3A_459 = arith.constant 0 : i32
    %sub3A_460 = vector.broadcast %sub3A_459 : i32 to vector<16xi32>
    %sub3A_461 = arith.subi %get3A_458, %sub3A_460 : vector<16xi32>
    %ge3A_462 = arith.constant 0 : i32
    %ge3A_463 = vector.broadcast %ge3A_462 : i32 to vector<16xi32>
    %ge3A_464 = arith.cmpi sge, %sub3A_461, %ge3A_463 : vector<16xi32>
    %lt3A_465 = arith.constant 5056 : i32
    %lt3A_466 = vector.broadcast %lt3A_465 : i32 to vector<16xi32>
    %lt3A_467 = arith.cmpi slt, %sub3A_461, %lt3A_466 : vector<16xi32>
    %and3A_468 = arith.andi %ge3A_464, %lt3A_467 : vector<16xi1>
    %jit3A_469 = arith.constant 5056 : i32
    %broadcast_in_dim3A_470 = vector.broadcast %jit3A_469 : i32 to vector<16xi32>
    %select_n3A_471 = arith.select %and3A_468, %sub3A_461, %broadcast_in_dim3A_470 : vector<16xi1>, vector<16xi32>
    %swap3A_472 = arith.constant 64 : index
    %swap3A_473 = tpu.vector_load %arg8[%swap3A_472] {strides = array<i32>} : memref<80xi32, #tpu.memory_space<vmem>>, vector<16xi32>,
    tpu.vector_store %arg8[%swap3A_472], %select_n3A_471 {strides = array<i32>} : memref<80xi32, #tpu.memory_space<vmem>>, vector<16xi32>,
    %scan3A_474 = arith.constant 0 : i32
    %scan3A_475 = arith.constant 0 : i32
    %scan3A_476 = arith.constant 124 : i32
    %scan3A_477 = arith.addi %scan3A_475, %scan3A_476 : i32
    %scan3A_478 = arith.constant 1 : i32
    scf.for %scan3A_826 = %scan3A_475 to %scan3A_477 step %scan3A_478  : i32 {
      %mul3A_827 = arith.constant 80 : i32
      %mul3A_828 = arith.muli %scan3A_826, %mul3A_827 : i32
      %add3A_829 = arith.addi %mul3A_2, %mul3A_828 : i32
      "tpu.region"() ({
        %run_scoped3A = tpu.sem_alloc : memref<!tpu.dma_semaphore, #tpu.memory_space<semaphore_mem>>
        %dma_start3A = arith.constant 0 : i32
        %dma_start3A_917 = tpu.memref_slice %arg2[%add3A_829, %dma_start3A] : memref<320000x128xf32, #tpu.memory_space<hbm>> -> memref<80x128xf32, #tpu.memory_space<hbm>>
        %dma_start3A_918 = arith.constant 0 : i32
        %dma_start3A_919 = tpu.memref_slice %arg2[%add3A_829, %dma_start3A_918] : memref<320000x128xf32, #tpu.memory_space<hbm>> -> memref<80x128xf32, #tpu.memory_space<hbm>>
        tpu.enqueue_dma source(%dma_start3A_919 : memref<80x128xf32, #tpu.memory_space<hbm>>) target(%arg9 : memref<80x128xf32, #tpu.memory_space<vmem>>) target_semaphore(%run_scoped3A : memref<!tpu.dma_semaphore, #tpu.memory_space<semaphore_mem>>)
        %dma_wait3A = arith.constant 0 : i32
        %dma_wait3A_920 = tpu.memref_slice %arg2[%add3A_829, %dma_wait3A] : memref<320000x128xf32, #tpu.memory_space<hbm>> -> memref<80x128xf32, #tpu.memory_space<hbm>>
        %dma_wait3A_921 = arith.constant 0 : i32
        %dma_wait3A_922 = tpu.memref_slice %arg2[%add3A_829, %dma_wait3A_921] : memref<320000x128xf32, #tpu.memory_space<hbm>> -> memref<80x128xf32, #tpu.memory_space<hbm>>
        tpu.wait_dma2 semaphore(%run_scoped3A : memref<!tpu.dma_semaphore, #tpu.memory_space<semaphore_mem>>) src(%dma_wait3A_922 : memref<80x128xf32, #tpu.memory_space<hbm>>) dst(%arg9 : memref<80x128xf32, #tpu.memory_space<vmem>>)
        tpu.yield
      }) : () -> ()
      "tpu.region"() ({
        %run_scoped3A = tpu.sem_alloc : memref<!tpu.dma_semaphore, #tpu.memory_space<semaphore_mem>>
        %dma_start3A = arith.constant 0 : i32
        %dma_start3A_917 = arith.constant 0 : i32
        %dma_start3A_918 = tpu.memref_slice %arg13[%dma_start3A, %dma_start3A_917] : memref<5120x128xf32, #tpu.memory_space<vmem_shared>> -> memref<5120x128xf32, #tpu.memory_space<vmem_shared>>
        tpu.enqueue_indirect_dma source(%arg9 : memref<80x128xf32, #tpu.memory_space<vmem>>) target(%dma_start3A_918 : memref<5120x128xf32, #tpu.memory_space<vmem_shared>>) offsets(%arg8 : memref<80xi32, #tpu.memory_space<vmem>>) semaphore(%run_scoped3A : memref<!tpu.dma_semaphore, #tpu.memory_space<semaphore_mem>>) {add = true}
        %dma_wait3A = arith.constant 0 : i32
        %dma_wait3A_919 = arith.constant 0 : i32
        %dma_wait3A_920 = tpu.memref_slice %arg13[%dma_wait3A, %dma_wait3A_919] : memref<5120x128xf32, #tpu.memory_space<vmem_shared>> -> memref<5120x128xf32, #tpu.memory_space<vmem_shared>>
        tpu.wait_indirect_dma semaphore(%run_scoped3A : memref<!tpu.dma_semaphore, #tpu.memory_space<semaphore_mem>>) src(%arg9 : memref<80x128xf32, #tpu.memory_space<vmem>>) dst(%dma_wait3A_920 : memref<5120x128xf32, #tpu.memory_space<vmem_shared>>)
        tpu.yield
      }) : () -> ()
      %add3A_830 = arith.constant 80 : i32
      %add3A_831 = arith.addi %add3A_829, %add3A_830 : i32
      "tpu.region"() ({
        %run_scoped3A = tpu.sem_alloc : memref<!tpu.dma_semaphore, #tpu.memory_space<semaphore_mem>>
        %dma_start3A = tpu.memref_slice %arg4[%add3A_831] : memref<320000xi32, #tpu.memory_space<hbm>> -> memref<80xi32, #tpu.memory_space<hbm>>
        %dma_start3A_917 = tpu.memref_slice %arg4[%add3A_831] : memref<320000xi32, #tpu.memory_space<hbm>> -> memref<80xi32, #tpu.memory_space<hbm>>
        tpu.enqueue_dma source(%dma_start3A_917 : memref<80xi32, #tpu.memory_space<hbm>>) target(%arg7 : memref<80xi32, #tpu.memory_space<vmem>>) target_semaphore(%run_scoped3A : memref<!tpu.dma_semaphore, #tpu.memory_space<semaphore_mem>>)
        %dma_wait3A = tpu.memref_slice %arg4[%add3A_831] : memref<320000xi32, #tpu.memory_space<hbm>> -> memref<80xi32, #tpu.memory_space<hbm>>
        %dma_wait3A_918 = tpu.memref_slice %arg4[%add3A_831] : memref<320000xi32, #tpu.memory_space<hbm>> -> memref<80xi32, #tpu.memory_space<hbm>>
        tpu.wait_dma2 semaphore(%run_scoped3A : memref<!tpu.dma_semaphore, #tpu.memory_space<semaphore_mem>>) src(%dma_wait3A_918 : memref<80xi32, #tpu.memory_space<hbm>>) dst(%arg7 : memref<80xi32, #tpu.memory_space<vmem>>)
        tpu.yield
      }) : () -> ()
      %get3A_832 = arith.constant 0 : index
      %get3A_833 = tpu.vector_load %arg7[%get3A_832] {strides = array<i32>} : memref<80xi32, #tpu.memory_space<vmem>>, vector<16xi32>,
      %sub3A_834 = arith.constant 0 : i32
      %sub3A_835 = vector.broadcast %sub3A_834 : i32 to vector<16xi32>
      %sub3A_836 = arith.subi %get3A_833, %sub3A_835 : vector<16xi32>
      %ge3A_837 = arith.constant 0 : i32
      %ge3A_838 = vector.broadcast %ge3A_837 : i32 to vector<16xi32>
      %ge3A_839 = arith.cmpi sge, %sub3A_836, %ge3A_838 : vector<16xi32>
      %lt3A_840 = arith.constant 5056 : i32
      %lt3A_841 = vector.broadcast %lt3A_840 : i32 to vector<16xi32>
      %lt3A_842 = arith.cmpi slt, %sub3A_836, %lt3A_841 : vector<16xi32>
      %and3A_843 = arith.andi %ge3A_839, %lt3A_842 : vector<16xi1>
      %jit3A_844 = arith.constant 5056 : i32
      %broadcast_in_dim3A_845 = vector.broadcast %jit3A_844 : i32 to vector<16xi32>
      %select_n3A_846 = arith.select %and3A_843, %sub3A_836, %broadcast_in_dim3A_845 : vector<16xi1>, vector<16xi32>
      %swap3A_847 = arith.constant 0 : index
      %swap3A_848 = tpu.vector_load %arg8[%swap3A_847] {strides = array<i32>} : memref<80xi32, #tpu.memory_space<vmem>>, vector<16xi32>,
      tpu.vector_store %arg8[%swap3A_847], %select_n3A_846 {strides = array<i32>} : memref<80xi32, #tpu.memory_space<vmem>>, vector<16xi32>,
      %get3A_849 = arith.constant 16 : index
      %get3A_850 = tpu.vector_load %arg7[%get3A_849] {strides = array<i32>} : memref<80xi32, #tpu.memory_space<vmem>>, vector<16xi32>,
      %sub3A_851 = arith.constant 0 : i32
      %sub3A_852 = vector.broadcast %sub3A_851 : i32 to vector<16xi32>
      %sub3A_853 = arith.subi %get3A_850, %sub3A_852 : vector<16xi32>
      %ge3A_854 = arith.constant 0 : i32
      %ge3A_855 = vector.broadcast %ge3A_854 : i32 to vector<16xi32>
      %ge3A_856 = arith.cmpi sge, %sub3A_853, %ge3A_855 : vector<16xi32>
      %lt3A_857 = arith.constant 5056 : i32
      %lt3A_858 = vector.broadcast %lt3A_857 : i32 to vector<16xi32>
      %lt3A_859 = arith.cmpi slt, %sub3A_853, %lt3A_858 : vector<16xi32>
      %and3A_860 = arith.andi %ge3A_856, %lt3A_859 : vector<16xi1>
      %jit3A_861 = arith.constant 5056 : i32
      %broadcast_in_dim3A_862 = vector.broadcast %jit3A_861 : i32 to vector<16xi32>
      %select_n3A_863 = arith.select %and3A_860, %sub3A_853, %broadcast_in_dim3A_862 : vector<16xi1>, vector<16xi32>
      %swap3A_864 = arith.constant 16 : index
      %swap3A_865 = tpu.vector_load %arg8[%swap3A_864] {strides = array<i32>} : memref<80xi32, #tpu.memory_space<vmem>>, vector<16xi32>,
      tpu.vector_store %arg8[%swap3A_864], %select_n3A_863 {strides = array<i32>} : memref<80xi32, #tpu.memory_space<vmem>>, vector<16xi32>,
      %get3A_866 = arith.constant 32 : index
      %get3A_867 = tpu.vector_load %arg7[%get3A_866] {strides = array<i32>} : memref<80xi32, #tpu.memory_space<vmem>>, vector<16xi32>,
      %sub3A_868 = arith.constant 0 : i32
      %sub3A_869 = vector.broadcast %sub3A_868 : i32 to vector<16xi32>
      %sub3A_870 = arith.subi %get3A_867, %sub3A_869 : vector<16xi32>
      %ge3A_871 = arith.constant 0 : i32
      %ge3A_872 = vector.broadcast %ge3A_871 : i32 to vector<16xi32>
      %ge3A_873 = arith.cmpi sge, %sub3A_870, %ge3A_872 : vector<16xi32>
      %lt3A_874 = arith.constant 5056 : i32
      %lt3A_875 = vector.broadcast %lt3A_874 : i32 to vector<16xi32>
      %lt3A_876 = arith.cmpi slt, %sub3A_870, %lt3A_875 : vector<16xi32>
      %and3A_877 = arith.andi %ge3A_873, %lt3A_876 : vector<16xi1>
      %jit3A_878 = arith.constant 5056 : i32
      %broadcast_in_dim3A_879 = vector.broadcast %jit3A_878 : i32 to vector<16xi32>
      %select_n3A_880 = arith.select %and3A_877, %sub3A_870, %broadcast_in_dim3A_879 : vector<16xi1>, vector<16xi32>
      %swap3A_881 = arith.constant 32 : index
      %swap3A_882 = tpu.vector_load %arg8[%swap3A_881] {strides = array<i32>} : memref<80xi32, #tpu.memory_space<vmem>>, vector<16xi32>,
      tpu.vector_store %arg8[%swap3A_881], %select_n3A_880 {strides = array<i32>} : memref<80xi32, #tpu.memory_space<vmem>>, vector<16xi32>,
      %get3A_883 = arith.constant 48 : index
      %get3A_884 = tpu.vector_load %arg7[%get3A_883] {strides = array<i32>} : memref<80xi32, #tpu.memory_space<vmem>>, vector<16xi32>,
      %sub3A_885 = arith.constant 0 : i32
      %sub3A_886 = vector.broadcast %sub3A_885 : i32 to vector<16xi32>
      %sub3A_887 = arith.subi %get3A_884, %sub3A_886 : vector<16xi32>
      %ge3A_888 = arith.constant 0 : i32
      %ge3A_889 = vector.broadcast %ge3A_888 : i32 to vector<16xi32>
      %ge3A_890 = arith.cmpi sge, %sub3A_887, %ge3A_889 : vector<16xi32>
      %lt3A_891 = arith.constant 5056 : i32
      %lt3A_892 = vector.broadcast %lt3A_891 : i32 to vector<16xi32>
      %lt3A_893 = arith.cmpi slt, %sub3A_887, %lt3A_892 : vector<16xi32>
      %and3A_894 = arith.andi %ge3A_890, %lt3A_893 : vector<16xi1>
      %jit3A_895 = arith.constant 5056 : i32
      %broadcast_in_dim3A_896 = vector.broadcast %jit3A_895 : i32 to vector<16xi32>
      %select_n3A_897 = arith.select %and3A_894, %sub3A_887, %broadcast_in_dim3A_896 : vector<16xi1>, vector<16xi32>
      %swap3A_898 = arith.constant 48 : index
      %swap3A_899 = tpu.vector_load %arg8[%swap3A_898] {strides = array<i32>} : memref<80xi32, #tpu.memory_space<vmem>>, vector<16xi32>,
      tpu.vector_store %arg8[%swap3A_898], %select_n3A_897 {strides = array<i32>} : memref<80xi32, #tpu.memory_space<vmem>>, vector<16xi32>,
      %get3A_900 = arith.constant 64 : index
      %get3A_901 = tpu.vector_load %arg7[%get3A_900] {strides = array<i32>} : memref<80xi32, #tpu.memory_space<vmem>>, vector<16xi32>,
      %sub3A_902 = arith.constant 0 : i32
      %sub3A_903 = vector.broadcast %sub3A_902 : i32 to vector<16xi32>
      %sub3A_904 = arith.subi %get3A_901, %sub3A_903 : vector<16xi32>
      %ge3A_905 = arith.constant 0 : i32
      %ge3A_906 = vector.broadcast %ge3A_905 : i32 to vector<16xi32>
      %ge3A_907 = arith.cmpi sge, %sub3A_904, %ge3A_906 : vector<16xi32>
      %lt3A_908 = arith.constant 5056 : i32
      %lt3A_909 = vector.broadcast %lt3A_908 : i32 to vector<16xi32>
      %lt3A_910 = arith.cmpi slt, %sub3A_904, %lt3A_909 : vector<16xi32>
      %and3A_911 = arith.andi %ge3A_907, %lt3A_910 : vector<16xi1>
      %jit3A_912 = arith.constant 5056 : i32
      %broadcast_in_dim3A_913 = vector.broadcast %jit3A_912 : i32 to vector<16xi32>
      %select_n3A_914 = arith.select %and3A_911, %sub3A_904, %broadcast_in_dim3A_913 : vector<16xi1>, vector<16xi32>
      %swap3A_915 = arith.constant 64 : index
      %swap3A_916 = tpu.vector_load %arg8[%swap3A_915] {strides = array<i32>} : memref<80xi32, #tpu.memory_space<vmem>>, vector<16xi32>,
      tpu.vector_store %arg8[%swap3A_915], %select_n3A_914 {strides = array<i32>} : memref<80xi32, #tpu.memory_space<vmem>>, vector<16xi32>,
    }
    %scan3A_479 = arith.constant 124 : i32
    %add3A_480 = arith.constant 9920 : i32
    %add3A_481 = arith.addi %mul3A_2, %add3A_480 : i32
    "tpu.region"() ({
      %run_scoped3A = tpu.sem_alloc : memref<!tpu.dma_semaphore, #tpu.memory_space<semaphore_mem>>
      %dma_start3A = arith.constant 0 : i32
      %dma_start3A_826 = tpu.memref_slice %arg2[%add3A_481, %dma_start3A] : memref<320000x128xf32, #tpu.memory_space<hbm>> -> memref<80x128xf32, #tpu.memory_space<hbm>>
      %dma_start3A_827 = arith.constant 0 : i32
      %dma_start3A_828 = tpu.memref_slice %arg2[%add3A_481, %dma_start3A_827] : memref<320000x128xf32, #tpu.memory_space<hbm>> -> memref<80x128xf32, #tpu.memory_space<hbm>>
      tpu.enqueue_dma source(%dma_start3A_828 : memref<80x128xf32, #tpu.memory_space<hbm>>) target(%arg9 : memref<80x128xf32, #tpu.memory_space<vmem>>) target_semaphore(%run_scoped3A : memref<!tpu.dma_semaphore, #tpu.memory_space<semaphore_mem>>)
      %dma_wait3A = arith.constant 0 : i32
      %dma_wait3A_829 = tpu.memref_slice %arg2[%add3A_481, %dma_wait3A] : memref<320000x128xf32, #tpu.memory_space<hbm>> -> memref<80x128xf32, #tpu.memory_space<hbm>>
      %dma_wait3A_830 = arith.constant 0 : i32
      %dma_wait3A_831 = tpu.memref_slice %arg2[%add3A_481, %dma_wait3A_830] : memref<320000x128xf32, #tpu.memory_space<hbm>> -> memref<80x128xf32, #tpu.memory_space<hbm>>
      tpu.wait_dma2 semaphore(%run_scoped3A : memref<!tpu.dma_semaphore, #tpu.memory_space<semaphore_mem>>) src(%dma_wait3A_831 : memref<80x128xf32, #tpu.memory_space<hbm>>) dst(%arg9 : memref<80x128xf32, #tpu.memory_space<vmem>>)
      tpu.yield
    }) : () -> ()
    "tpu.region"() ({
      %run_scoped3A = tpu.sem_alloc : memref<!tpu.dma_semaphore, #tpu.memory_space<semaphore_mem>>
      %dma_start3A = arith.constant 0 : i32
      %dma_start3A_826 = arith.constant 0 : i32
      %dma_start3A_827 = tpu.memref_slice %arg13[%dma_start3A, %dma_start3A_826] : memref<5120x128xf32, #tpu.memory_space<vmem_shared>> -> memref<5120x128xf32, #tpu.memory_space<vmem_shared>>
      tpu.enqueue_indirect_dma source(%arg9 : memref<80x128xf32, #tpu.memory_space<vmem>>) target(%dma_start3A_827 : memref<5120x128xf32, #tpu.memory_space<vmem_shared>>) offsets(%arg8 : memref<80xi32, #tpu.memory_space<vmem>>) semaphore(%run_scoped3A : memref<!tpu.dma_semaphore, #tpu.memory_space<semaphore_mem>>) {add = true}
      %dma_wait3A = arith.constant 0 : i32
      %dma_wait3A_828 = arith.constant 0 : i32
      %dma_wait3A_829 = tpu.memref_slice %arg13[%dma_wait3A, %dma_wait3A_828] : memref<5120x128xf32, #tpu.memory_space<vmem_shared>> -> memref<5120x128xf32, #tpu.memory_space<vmem_shared>>
      tpu.wait_indirect_dma semaphore(%run_scoped3A : memref<!tpu.dma_semaphore, #tpu.memory_space<semaphore_mem>>) src(%arg9 : memref<80x128xf32, #tpu.memory_space<vmem>>) dst(%dma_wait3A_829 : memref<5120x128xf32, #tpu.memory_space<vmem_shared>>)
      tpu.yield
    }) : () -> ()
    %barrier3A_482 = arith.constant 0 : index
    tpu.barrier barrier_id(%barrier3A_482)
    %scan3A_483 = arith.constant 0 : i32
    %scan3A_484 = arith.constant 0 : i32
    %scan3A_485 = arith.constant 40 : i32
    %scan3A_486 = arith.addi %scan3A_484, %scan3A_485 : i32
    %scan3A_487 = arith.constant 1 : i32
    scf.for %scan3A_826 = %scan3A_484 to %scan3A_486 step %scan3A_487  : i32 {
      %mul3A_827 = arith.constant 16 : i32
      %mul3A_828 = arith.muli %scan3A_826, %mul3A_827 : i32
      %add3A_829 = arith.addi %arg1, %mul3A_828 : i32
      %mul3A_830 = arith.constant 8 : i32
      %mul3A_831 = arith.muli %add3A_829, %mul3A_830 : i32
      %add3A_832 = arith.constant 0 : i32
      %add3A_833 = arith.addi %add3A_832, %mul3A_831 : i32
      "tpu.region"() ({
        %run_scoped3A = tpu.sem_alloc : memref<!tpu.dma_semaphore, #tpu.memory_space<semaphore_mem>>
        %dma_start3A = arith.constant 0 : i32
        %dma_start3A_834 = tpu.memref_slice %arg5[%arg0, %add3A_833, %dma_start3A] : memref<2x10240x128xf32, #tpu.memory_space<hbm>> -> memref<1x8x128xf32, #tpu.memory_space<hbm>>
        %dma_start3A_835 = tpu.memref_squeeze %dma_start3A_834 : memref<1x8x128xf32, #tpu.memory_space<hbm>> -> memref<8x128xf32, #tpu.memory_space<hbm>>
        %dma_start3A_836 = arith.constant 0 : i32
        %dma_start3A_837 = tpu.memref_slice %arg13[%mul3A_831, %dma_start3A_836] : memref<5120x128xf32, #tpu.memory_space<vmem_shared>> -> memref<8x128xf32, #tpu.memory_space<vmem_shared>>
        tpu.enqueue_dma source(%dma_start3A_837 : memref<8x128xf32, #tpu.memory_space<vmem_shared>>) target(%dma_start3A_835 : memref<8x128xf32, #tpu.memory_space<hbm>>) target_semaphore(%run_scoped3A : memref<!tpu.dma_semaphore, #tpu.memory_space<semaphore_mem>>)
        %dma_wait3A = arith.constant 0 : i32
        %dma_wait3A_838 = tpu.memref_slice %arg5[%arg0, %add3A_833, %dma_wait3A] : memref<2x10240x128xf32, #tpu.memory_space<hbm>> -> memref<1x8x128xf32, #tpu.memory_space<hbm>>
        %dma_wait3A_839 = tpu.memref_squeeze %dma_wait3A_838 : memref<1x8x128xf32, #tpu.memory_space<hbm>> -> memref<8x128xf32, #tpu.memory_space<hbm>>
        %dma_wait3A_840 = arith.constant 0 : i32
        %dma_wait3A_841 = tpu.memref_slice %arg13[%mul3A_831, %dma_wait3A_840] : memref<5120x128xf32, #tpu.memory_space<vmem_shared>> -> memref<8x128xf32, #tpu.memory_space<vmem_shared>>
        tpu.wait_dma2 semaphore(%run_scoped3A : memref<!tpu.dma_semaphore, #tpu.memory_space<semaphore_mem>>) src(%dma_wait3A_841 : memref<8x128xf32, #tpu.memory_space<vmem_shared>>) dst(%dma_wait3A_839 : memref<8x128xf32, #tpu.memory_space<hbm>>)
        tpu.yield
      }) : () -> ()
    }
    %scan3A_488 = arith.constant 40 : i32
    %barrier3A_489 = arith.constant 0 : index
    tpu.barrier barrier_id(%barrier3A_489)
    %scan3A_490 = arith.constant 0 : i32
    %scan3A_491 = arith.constant 0 : i32
    %scan3A_492 = arith.constant 40 : i32
    %scan3A_493 = arith.addi %scan3A_491, %scan3A_492 : i32
    %scan3A_494 = arith.constant 1 : i32
    scf.for %scan3A_826 = %scan3A_491 to %scan3A_493 step %scan3A_494  : i32 {
      %mul3A_827 = arith.constant 16 : i32
      %mul3A_828 = arith.muli %scan3A_826, %mul3A_827 : i32
      %add3A_829 = arith.addi %arg1, %mul3A_828 : i32
      %mul3A_830 = arith.constant 8 : i32
      %mul3A_831 = arith.muli %add3A_829, %mul3A_830 : i32
      "tpu.region"() ({
        %run_scoped3A = tpu.sem_alloc : memref<!tpu.dma_semaphore, #tpu.memory_space<semaphore_mem>>
        %dma_start3A = arith.constant 0 : i32
        %dma_start3A_832 = tpu.memref_slice %arg13[%mul3A_831, %dma_start3A] : memref<5120x128xf32, #tpu.memory_space<vmem_shared>> -> memref<8x128xf32, #tpu.memory_space<vmem_shared>>
        %dma_start3A_833 = arith.constant 0 : i32
        %dma_start3A_834 = tpu.memref_slice %arg13[%mul3A_831, %dma_start3A_833] : memref<5120x128xf32, #tpu.memory_space<vmem_shared>> -> memref<8x128xf32, #tpu.memory_space<vmem_shared>>
        tpu.enqueue_dma source(%arg12 : memref<8x128xf32, #tpu.memory_space<vmem>>) target(%dma_start3A_834 : memref<8x128xf32, #tpu.memory_space<vmem_shared>>) target_semaphore(%run_scoped3A : memref<!tpu.dma_semaphore, #tpu.memory_space<semaphore_mem>>)
        %dma_wait3A = arith.constant 0 : i32
        %dma_wait3A_835 = tpu.memref_slice %arg13[%mul3A_831, %dma_wait3A] : memref<5120x128xf32, #tpu.memory_space<vmem_shared>> -> memref<8x128xf32, #tpu.memory_space<vmem_shared>>
        %dma_wait3A_836 = arith.constant 0 : i32
        %dma_wait3A_837 = tpu.memref_slice %arg13[%mul3A_831, %dma_wait3A_836] : memref<5120x128xf32, #tpu.memory_space<vmem_shared>> -> memref<8x128xf32, #tpu.memory_space<vmem_shared>>
        tpu.wait_dma2 semaphore(%run_scoped3A : memref<!tpu.dma_semaphore, #tpu.memory_space<semaphore_mem>>) src(%arg12 : memref<8x128xf32, #tpu.memory_space<vmem>>) dst(%dma_wait3A_837 : memref<8x128xf32, #tpu.memory_space<vmem_shared>>)
        tpu.yield
      }) : () -> ()
    }
    %scan3A_495 = arith.constant 40 : i32
    %barrier3A_496 = arith.constant 0 : index
    tpu.barrier barrier_id(%barrier3A_496)
    "tpu.region"() ({
      %run_scoped3A = tpu.sem_alloc : memref<!tpu.dma_semaphore, #tpu.memory_space<semaphore_mem>>
      %dma_start3A = tpu.memref_slice %arg4[%mul3A_2] : memref<320000xi32, #tpu.memory_space<hbm>> -> memref<80xi32, #tpu.memory_space<hbm>>
      %dma_start3A_826 = tpu.memref_slice %arg4[%mul3A_2] : memref<320000xi32, #tpu.memory_space<hbm>> -> memref<80xi32, #tpu.memory_space<hbm>>
      tpu.enqueue_dma source(%dma_start3A_826 : memref<80xi32, #tpu.memory_space<hbm>>) target(%arg7 : memref<80xi32, #tpu.memory_space<vmem>>) target_semaphore(%run_scoped3A : memref<!tpu.dma_semaphore, #tpu.memory_space<semaphore_mem>>)
      %dma_wait3A = tpu.memref_slice %arg4[%mul3A_2] : memref<320000xi32, #tpu.memory_space<hbm>> -> memref<80xi32, #tpu.memory_space<hbm>>
      %dma_wait3A_827 = tpu.memref_slice %arg4[%mul3A_2] : memref<320000xi32, #tpu.memory_space<hbm>> -> memref<80xi32, #tpu.memory_space<hbm>>
      tpu.wait_dma2 semaphore(%run_scoped3A : memref<!tpu.dma_semaphore, #tpu.memory_space<semaphore_mem>>) src(%dma_wait3A_827 : memref<80xi32, #tpu.memory_space<hbm>>) dst(%arg7 : memref<80xi32, #tpu.memory_space<vmem>>)
      tpu.yield
    }) : () -> ()
    %get3A_497 = arith.constant 0 : index
    %get3A_498 = tpu.vector_load %arg7[%get3A_497] {strides = array<i32>} : memref<80xi32, #tpu.memory_space<vmem>>, vector<16xi32>,
    %sub3A_499 = arith.constant 5056 : i32
    %sub3A_500 = vector.broadcast %sub3A_499 : i32 to vector<16xi32>
    %sub3A_501 = arith.subi %get3A_498, %sub3A_500 : vector<16xi32>
    %ge3A_502 = arith.constant 0 : i32
    %ge3A_503 = vector.broadcast %ge3A_502 : i32 to vector<16xi32>
    %ge3A_504 = arith.cmpi sge, %sub3A_501, %ge3A_503 : vector<16xi32>
    %lt3A_505 = arith.constant 5056 : i32
    %lt3A_506 = vector.broadcast %lt3A_505 : i32 to vector<16xi32>
    %lt3A_507 = arith.cmpi slt, %sub3A_501, %lt3A_506 : vector<16xi32>
    %and3A_508 = arith.andi %ge3A_504, %lt3A_507 : vector<16xi1>
    %jit3A_509 = arith.constant 5056 : i32
    %broadcast_in_dim3A_510 = vector.broadcast %jit3A_509 : i32 to vector<16xi32>
    %select_n3A_511 = arith.select %and3A_508, %sub3A_501, %broadcast_in_dim3A_510 : vector<16xi1>, vector<16xi32>
    %swap3A_512 = arith.constant 0 : index
    %swap3A_513 = tpu.vector_load %arg8[%swap3A_512] {strides = array<i32>} : memref<80xi32, #tpu.memory_space<vmem>>, vector<16xi32>,
    tpu.vector_store %arg8[%swap3A_512], %select_n3A_511 {strides = array<i32>} : memref<80xi32, #tpu.memory_space<vmem>>, vector<16xi32>,
    %get3A_514 = arith.constant 16 : index
    %get3A_515 = tpu.vector_load %arg7[%get3A_514] {strides = array<i32>} : memref<80xi32, #tpu.memory_space<vmem>>, vector<16xi32>,
    %sub3A_516 = arith.constant 5056 : i32
    %sub3A_517 = vector.broadcast %sub3A_516 : i32 to vector<16xi32>
    %sub3A_518 = arith.subi %get3A_515, %sub3A_517 : vector<16xi32>
    %ge3A_519 = arith.constant 0 : i32
    %ge3A_520 = vector.broadcast %ge3A_519 : i32 to vector<16xi32>
    %ge3A_521 = arith.cmpi sge, %sub3A_518, %ge3A_520 : vector<16xi32>
    %lt3A_522 = arith.constant 5056 : i32
    %lt3A_523 = vector.broadcast %lt3A_522 : i32 to vector<16xi32>
    %lt3A_524 = arith.cmpi slt, %sub3A_518, %lt3A_523 : vector<16xi32>
    %and3A_525 = arith.andi %ge3A_521, %lt3A_524 : vector<16xi1>
    %jit3A_526 = arith.constant 5056 : i32
    %broadcast_in_dim3A_527 = vector.broadcast %jit3A_526 : i32 to vector<16xi32>
    %select_n3A_528 = arith.select %and3A_525, %sub3A_518, %broadcast_in_dim3A_527 : vector<16xi1>, vector<16xi32>
    %swap3A_529 = arith.constant 16 : index
    %swap3A_530 = tpu.vector_load %arg8[%swap3A_529] {strides = array<i32>} : memref<80xi32, #tpu.memory_space<vmem>>, vector<16xi32>,
    tpu.vector_store %arg8[%swap3A_529], %select_n3A_528 {strides = array<i32>} : memref<80xi32, #tpu.memory_space<vmem>>, vector<16xi32>,
    %get3A_531 = arith.constant 32 : index
    %get3A_532 = tpu.vector_load %arg7[%get3A_531] {strides = array<i32>} : memref<80xi32, #tpu.memory_space<vmem>>, vector<16xi32>,
    %sub3A_533 = arith.constant 5056 : i32
    %sub3A_534 = vector.broadcast %sub3A_533 : i32 to vector<16xi32>
    %sub3A_535 = arith.subi %get3A_532, %sub3A_534 : vector<16xi32>
    %ge3A_536 = arith.constant 0 : i32
    %ge3A_537 = vector.broadcast %ge3A_536 : i32 to vector<16xi32>
    %ge3A_538 = arith.cmpi sge, %sub3A_535, %ge3A_537 : vector<16xi32>
    %lt3A_539 = arith.constant 5056 : i32
    %lt3A_540 = vector.broadcast %lt3A_539 : i32 to vector<16xi32>
    %lt3A_541 = arith.cmpi slt, %sub3A_535, %lt3A_540 : vector<16xi32>
    %and3A_542 = arith.andi %ge3A_538, %lt3A_541 : vector<16xi1>
    %jit3A_543 = arith.constant 5056 : i32
    %broadcast_in_dim3A_544 = vector.broadcast %jit3A_543 : i32 to vector<16xi32>
    %select_n3A_545 = arith.select %and3A_542, %sub3A_535, %broadcast_in_dim3A_544 : vector<16xi1>, vector<16xi32>
    %swap3A_546 = arith.constant 32 : index
    %swap3A_547 = tpu.vector_load %arg8[%swap3A_546] {strides = array<i32>} : memref<80xi32, #tpu.memory_space<vmem>>, vector<16xi32>,
    tpu.vector_store %arg8[%swap3A_546], %select_n3A_545 {strides = array<i32>} : memref<80xi32, #tpu.memory_space<vmem>>, vector<16xi32>,
    %get3A_548 = arith.constant 48 : index
    %get3A_549 = tpu.vector_load %arg7[%get3A_548] {strides = array<i32>} : memref<80xi32, #tpu.memory_space<vmem>>, vector<16xi32>,
    %sub3A_550 = arith.constant 5056 : i32
    %sub3A_551 = vector.broadcast %sub3A_550 : i32 to vector<16xi32>
    %sub3A_552 = arith.subi %get3A_549, %sub3A_551 : vector<16xi32>
    %ge3A_553 = arith.constant 0 : i32
    %ge3A_554 = vector.broadcast %ge3A_553 : i32 to vector<16xi32>
    %ge3A_555 = arith.cmpi sge, %sub3A_552, %ge3A_554 : vector<16xi32>
    %lt3A_556 = arith.constant 5056 : i32
    %lt3A_557 = vector.broadcast %lt3A_556 : i32 to vector<16xi32>
    %lt3A_558 = arith.cmpi slt, %sub3A_552, %lt3A_557 : vector<16xi32>
    %and3A_559 = arith.andi %ge3A_555, %lt3A_558 : vector<16xi1>
    %jit3A_560 = arith.constant 5056 : i32
    %broadcast_in_dim3A_561 = vector.broadcast %jit3A_560 : i32 to vector<16xi32>
    %select_n3A_562 = arith.select %and3A_559, %sub3A_552, %broadcast_in_dim3A_561 : vector<16xi1>, vector<16xi32>
    %swap3A_563 = arith.constant 48 : index
    %swap3A_564 = tpu.vector_load %arg8[%swap3A_563] {strides = array<i32>} : memref<80xi32, #tpu.memory_space<vmem>>, vector<16xi32>,
    tpu.vector_store %arg8[%swap3A_563], %select_n3A_562 {strides = array<i32>} : memref<80xi32, #tpu.memory_space<vmem>>, vector<16xi32>,
    %get3A_565 = arith.constant 64 : index
    %get3A_566 = tpu.vector_load %arg7[%get3A_565] {strides = array<i32>} : memref<80xi32, #tpu.memory_space<vmem>>, vector<16xi32>,
    %sub3A_567 = arith.constant 5056 : i32
    %sub3A_568 = vector.broadcast %sub3A_567 : i32 to vector<16xi32>
    %sub3A_569 = arith.subi %get3A_566, %sub3A_568 : vector<16xi32>
    %ge3A_570 = arith.constant 0 : i32
    %ge3A_571 = vector.broadcast %ge3A_570 : i32 to vector<16xi32>
    %ge3A_572 = arith.cmpi sge, %sub3A_569, %ge3A_571 : vector<16xi32>
    %lt3A_573 = arith.constant 5056 : i32
    %lt3A_574 = vector.broadcast %lt3A_573 : i32 to vector<16xi32>
    %lt3A_575 = arith.cmpi slt, %sub3A_569, %lt3A_574 : vector<16xi32>
    %and3A_576 = arith.andi %ge3A_572, %lt3A_575 : vector<16xi1>
    %jit3A_577 = arith.constant 5056 : i32
    %broadcast_in_dim3A_578 = vector.broadcast %jit3A_577 : i32 to vector<16xi32>
    %select_n3A_579 = arith.select %and3A_576, %sub3A_569, %broadcast_in_dim3A_578 : vector<16xi1>, vector<16xi32>
    %swap3A_580 = arith.constant 64 : index
    %swap3A_581 = tpu.vector_load %arg8[%swap3A_580] {strides = array<i32>} : memref<80xi32, #tpu.memory_space<vmem>>, vector<16xi32>,
    tpu.vector_store %arg8[%swap3A_580], %select_n3A_579 {strides = array<i32>} : memref<80xi32, #tpu.memory_space<vmem>>, vector<16xi32>,
    %scan3A_582 = arith.constant 0 : i32
    %scan3A_583 = arith.constant 0 : i32
    %scan3A_584 = arith.constant 124 : i32
    %scan3A_585 = arith.addi %scan3A_583, %scan3A_584 : i32
    %scan3A_586 = arith.constant 1 : i32
    scf.for %scan3A_826 = %scan3A_583 to %scan3A_585 step %scan3A_586  : i32 {
      %mul3A_827 = arith.constant 80 : i32
      %mul3A_828 = arith.muli %scan3A_826, %mul3A_827 : i32
      %add3A_829 = arith.addi %mul3A_2, %mul3A_828 : i32
      "tpu.region"() ({
        %run_scoped3A = tpu.sem_alloc : memref<!tpu.dma_semaphore, #tpu.memory_space<semaphore_mem>>
        %dma_start3A = arith.constant 0 : i32
        %dma_start3A_917 = tpu.memref_slice %arg2[%add3A_829, %dma_start3A] : memref<320000x128xf32, #tpu.memory_space<hbm>> -> memref<80x128xf32, #tpu.memory_space<hbm>>
        %dma_start3A_918 = arith.constant 0 : i32
        %dma_start3A_919 = tpu.memref_slice %arg2[%add3A_829, %dma_start3A_918] : memref<320000x128xf32, #tpu.memory_space<hbm>> -> memref<80x128xf32, #tpu.memory_space<hbm>>
        tpu.enqueue_dma source(%dma_start3A_919 : memref<80x128xf32, #tpu.memory_space<hbm>>) target(%arg9 : memref<80x128xf32, #tpu.memory_space<vmem>>) target_semaphore(%run_scoped3A : memref<!tpu.dma_semaphore, #tpu.memory_space<semaphore_mem>>)
        %dma_wait3A = arith.constant 0 : i32
        %dma_wait3A_920 = tpu.memref_slice %arg2[%add3A_829, %dma_wait3A] : memref<320000x128xf32, #tpu.memory_space<hbm>> -> memref<80x128xf32, #tpu.memory_space<hbm>>
        %dma_wait3A_921 = arith.constant 0 : i32
        %dma_wait3A_922 = tpu.memref_slice %arg2[%add3A_829, %dma_wait3A_921] : memref<320000x128xf32, #tpu.memory_space<hbm>> -> memref<80x128xf32, #tpu.memory_space<hbm>>
        tpu.wait_dma2 semaphore(%run_scoped3A : memref<!tpu.dma_semaphore, #tpu.memory_space<semaphore_mem>>) src(%dma_wait3A_922 : memref<80x128xf32, #tpu.memory_space<hbm>>) dst(%arg9 : memref<80x128xf32, #tpu.memory_space<vmem>>)
        tpu.yield
      }) : () -> ()
      "tpu.region"() ({
        %run_scoped3A = tpu.sem_alloc : memref<!tpu.dma_semaphore, #tpu.memory_space<semaphore_mem>>
        %dma_start3A = arith.constant 0 : i32
        %dma_start3A_917 = arith.constant 0 : i32
        %dma_start3A_918 = tpu.memref_slice %arg13[%dma_start3A, %dma_start3A_917] : memref<5120x128xf32, #tpu.memory_space<vmem_shared>> -> memref<5120x128xf32, #tpu.memory_space<vmem_shared>>
        tpu.enqueue_indirect_dma source(%arg9 : memref<80x128xf32, #tpu.memory_space<vmem>>) target(%dma_start3A_918 : memref<5120x128xf32, #tpu.memory_space<vmem_shared>>) offsets(%arg8 : memref<80xi32, #tpu.memory_space<vmem>>) semaphore(%run_scoped3A : memref<!tpu.dma_semaphore, #tpu.memory_space<semaphore_mem>>) {add = true}
        %dma_wait3A = arith.constant 0 : i32
        %dma_wait3A_919 = arith.constant 0 : i32
        %dma_wait3A_920 = tpu.memref_slice %arg13[%dma_wait3A, %dma_wait3A_919] : memref<5120x128xf32, #tpu.memory_space<vmem_shared>> -> memref<5120x128xf32, #tpu.memory_space<vmem_shared>>
        tpu.wait_indirect_dma semaphore(%run_scoped3A : memref<!tpu.dma_semaphore, #tpu.memory_space<semaphore_mem>>) src(%arg9 : memref<80x128xf32, #tpu.memory_space<vmem>>) dst(%dma_wait3A_920 : memref<5120x128xf32, #tpu.memory_space<vmem_shared>>)
        tpu.yield
      }) : () -> ()
      %add3A_830 = arith.constant 80 : i32
      %add3A_831 = arith.addi %add3A_829, %add3A_830 : i32
      "tpu.region"() ({
        %run_scoped3A = tpu.sem_alloc : memref<!tpu.dma_semaphore, #tpu.memory_space<semaphore_mem>>
        %dma_start3A = tpu.memref_slice %arg4[%add3A_831] : memref<320000xi32, #tpu.memory_space<hbm>> -> memref<80xi32, #tpu.memory_space<hbm>>
        %dma_start3A_917 = tpu.memref_slice %arg4[%add3A_831] : memref<320000xi32, #tpu.memory_space<hbm>> -> memref<80xi32, #tpu.memory_space<hbm>>
        tpu.enqueue_dma source(%dma_start3A_917 : memref<80xi32, #tpu.memory_space<hbm>>) target(%arg7 : memref<80xi32, #tpu.memory_space<vmem>>) target_semaphore(%run_scoped3A : memref<!tpu.dma_semaphore, #tpu.memory_space<semaphore_mem>>)
        %dma_wait3A = tpu.memref_slice %arg4[%add3A_831] : memref<320000xi32, #tpu.memory_space<hbm>> -> memref<80xi32, #tpu.memory_space<hbm>>
        %dma_wait3A_918 = tpu.memref_slice %arg4[%add3A_831] : memref<320000xi32, #tpu.memory_space<hbm>> -> memref<80xi32, #tpu.memory_space<hbm>>
        tpu.wait_dma2 semaphore(%run_scoped3A : memref<!tpu.dma_semaphore, #tpu.memory_space<semaphore_mem>>) src(%dma_wait3A_918 : memref<80xi32, #tpu.memory_space<hbm>>) dst(%arg7 : memref<80xi32, #tpu.memory_space<vmem>>)
        tpu.yield
      }) : () -> ()
      %get3A_832 = arith.constant 0 : index
      %get3A_833 = tpu.vector_load %arg7[%get3A_832] {strides = array<i32>} : memref<80xi32, #tpu.memory_space<vmem>>, vector<16xi32>,
      %sub3A_834 = arith.constant 5056 : i32
      %sub3A_835 = vector.broadcast %sub3A_834 : i32 to vector<16xi32>
      %sub3A_836 = arith.subi %get3A_833, %sub3A_835 : vector<16xi32>
      %ge3A_837 = arith.constant 0 : i32
      %ge3A_838 = vector.broadcast %ge3A_837 : i32 to vector<16xi32>
      %ge3A_839 = arith.cmpi sge, %sub3A_836, %ge3A_838 : vector<16xi32>
      %lt3A_840 = arith.constant 5056 : i32
      %lt3A_841 = vector.broadcast %lt3A_840 : i32 to vector<16xi32>
      %lt3A_842 = arith.cmpi slt, %sub3A_836, %lt3A_841 : vector<16xi32>
      %and3A_843 = arith.andi %ge3A_839, %lt3A_842 : vector<16xi1>
      %jit3A_844 = arith.constant 5056 : i32
      %broadcast_in_dim3A_845 = vector.broadcast %jit3A_844 : i32 to vector<16xi32>
      %select_n3A_846 = arith.select %and3A_843, %sub3A_836, %broadcast_in_dim3A_845 : vector<16xi1>, vector<16xi32>
      %swap3A_847 = arith.constant 0 : index
      %swap3A_848 = tpu.vector_load %arg8[%swap3A_847] {strides = array<i32>} : memref<80xi32, #tpu.memory_space<vmem>>, vector<16xi32>,
      tpu.vector_store %arg8[%swap3A_847], %select_n3A_846 {strides = array<i32>} : memref<80xi32, #tpu.memory_space<vmem>>, vector<16xi32>,
      %get3A_849 = arith.constant 16 : index
      %get3A_850 = tpu.vector_load %arg7[%get3A_849] {strides = array<i32>} : memref<80xi32, #tpu.memory_space<vmem>>, vector<16xi32>,
      %sub3A_851 = arith.constant 5056 : i32
      %sub3A_852 = vector.broadcast %sub3A_851 : i32 to vector<16xi32>
      %sub3A_853 = arith.subi %get3A_850, %sub3A_852 : vector<16xi32>
      %ge3A_854 = arith.constant 0 : i32
      %ge3A_855 = vector.broadcast %ge3A_854 : i32 to vector<16xi32>
      %ge3A_856 = arith.cmpi sge, %sub3A_853, %ge3A_855 : vector<16xi32>
      %lt3A_857 = arith.constant 5056 : i32
      %lt3A_858 = vector.broadcast %lt3A_857 : i32 to vector<16xi32>
      %lt3A_859 = arith.cmpi slt, %sub3A_853, %lt3A_858 : vector<16xi32>
      %and3A_860 = arith.andi %ge3A_856, %lt3A_859 : vector<16xi1>
      %jit3A_861 = arith.constant 5056 : i32
      %broadcast_in_dim3A_862 = vector.broadcast %jit3A_861 : i32 to vector<16xi32>
      %select_n3A_863 = arith.select %and3A_860, %sub3A_853, %broadcast_in_dim3A_862 : vector<16xi1>, vector<16xi32>
      %swap3A_864 = arith.constant 16 : index
      %swap3A_865 = tpu.vector_load %arg8[%swap3A_864] {strides = array<i32>} : memref<80xi32, #tpu.memory_space<vmem>>, vector<16xi32>,
      tpu.vector_store %arg8[%swap3A_864], %select_n3A_863 {strides = array<i32>} : memref<80xi32, #tpu.memory_space<vmem>>, vector<16xi32>,
      %get3A_866 = arith.constant 32 : index
      %get3A_867 = tpu.vector_load %arg7[%get3A_866] {strides = array<i32>} : memref<80xi32, #tpu.memory_space<vmem>>, vector<16xi32>,
      %sub3A_868 = arith.constant 5056 : i32
      %sub3A_869 = vector.broadcast %sub3A_868 : i32 to vector<16xi32>
      %sub3A_870 = arith.subi %get3A_867, %sub3A_869 : vector<16xi32>
      %ge3A_871 = arith.constant 0 : i32
      %ge3A_872 = vector.broadcast %ge3A_871 : i32 to vector<16xi32>
      %ge3A_873 = arith.cmpi sge, %sub3A_870, %ge3A_872 : vector<16xi32>
      %lt3A_874 = arith.constant 5056 : i32
      %lt3A_875 = vector.broadcast %lt3A_874 : i32 to vector<16xi32>
      %lt3A_876 = arith.cmpi slt, %sub3A_870, %lt3A_875 : vector<16xi32>
      %and3A_877 = arith.andi %ge3A_873, %lt3A_876 : vector<16xi1>
      %jit3A_878 = arith.constant 5056 : i32
      %broadcast_in_dim3A_879 = vector.broadcast %jit3A_878 : i32 to vector<16xi32>
      %select_n3A_880 = arith.select %and3A_877, %sub3A_870, %broadcast_in_dim3A_879 : vector<16xi1>, vector<16xi32>
      %swap3A_881 = arith.constant 32 : index
      %swap3A_882 = tpu.vector_load %arg8[%swap3A_881] {strides = array<i32>} : memref<80xi32, #tpu.memory_space<vmem>>, vector<16xi32>,
      tpu.vector_store %arg8[%swap3A_881], %select_n3A_880 {strides = array<i32>} : memref<80xi32, #tpu.memory_space<vmem>>, vector<16xi32>,
      %get3A_883 = arith.constant 48 : index
      %get3A_884 = tpu.vector_load %arg7[%get3A_883] {strides = array<i32>} : memref<80xi32, #tpu.memory_space<vmem>>, vector<16xi32>,
      %sub3A_885 = arith.constant 5056 : i32
      %sub3A_886 = vector.broadcast %sub3A_885 : i32 to vector<16xi32>
      %sub3A_887 = arith.subi %get3A_884, %sub3A_886 : vector<16xi32>
      %ge3A_888 = arith.constant 0 : i32
      %ge3A_889 = vector.broadcast %ge3A_888 : i32 to vector<16xi32>
      %ge3A_890 = arith.cmpi sge, %sub3A_887, %ge3A_889 : vector<16xi32>
      %lt3A_891 = arith.constant 5056 : i32
      %lt3A_892 = vector.broadcast %lt3A_891 : i32 to vector<16xi32>
      %lt3A_893 = arith.cmpi slt, %sub3A_887, %lt3A_892 : vector<16xi32>
      %and3A_894 = arith.andi %ge3A_890, %lt3A_893 : vector<16xi1>
      %jit3A_895 = arith.constant 5056 : i32
      %broadcast_in_dim3A_896 = vector.broadcast %jit3A_895 : i32 to vector<16xi32>
      %select_n3A_897 = arith.select %and3A_894, %sub3A_887, %broadcast_in_dim3A_896 : vector<16xi1>, vector<16xi32>
      %swap3A_898 = arith.constant 48 : index
      %swap3A_899 = tpu.vector_load %arg8[%swap3A_898] {strides = array<i32>} : memref<80xi32, #tpu.memory_space<vmem>>, vector<16xi32>,
      tpu.vector_store %arg8[%swap3A_898], %select_n3A_897 {strides = array<i32>} : memref<80xi32, #tpu.memory_space<vmem>>, vector<16xi32>,
      %get3A_900 = arith.constant 64 : index
      %get3A_901 = tpu.vector_load %arg7[%get3A_900] {strides = array<i32>} : memref<80xi32, #tpu.memory_space<vmem>>, vector<16xi32>,
      %sub3A_902 = arith.constant 5056 : i32
      %sub3A_903 = vector.broadcast %sub3A_902 : i32 to vector<16xi32>
      %sub3A_904 = arith.subi %get3A_901, %sub3A_903 : vector<16xi32>
      %ge3A_905 = arith.constant 0 : i32
      %ge3A_906 = vector.broadcast %ge3A_905 : i32 to vector<16xi32>
      %ge3A_907 = arith.cmpi sge, %sub3A_904, %ge3A_906 : vector<16xi32>
      %lt3A_908 = arith.constant 5056 : i32
      %lt3A_909 = vector.broadcast %lt3A_908 : i32 to vector<16xi32>
      %lt3A_910 = arith.cmpi slt, %sub3A_904, %lt3A_909 : vector<16xi32>
      %and3A_911 = arith.andi %ge3A_907, %lt3A_910 : vector<16xi1>
      %jit3A_912 = arith.constant 5056 : i32
      %broadcast_in_dim3A_913 = vector.broadcast %jit3A_912 : i32 to vector<16xi32>
      %select_n3A_914 = arith.select %and3A_911, %sub3A_904, %broadcast_in_dim3A_913 : vector<16xi1>, vector<16xi32>
      %swap3A_915 = arith.constant 64 : index
      %swap3A_916 = tpu.vector_load %arg8[%swap3A_915] {strides = array<i32>} : memref<80xi32, #tpu.memory_space<vmem>>, vector<16xi32>,
      tpu.vector_store %arg8[%swap3A_915], %select_n3A_914 {strides = array<i32>} : memref<80xi32, #tpu.memory_space<vmem>>, vector<16xi32>,
    }
    %scan3A_587 = arith.constant 124 : i32
    %add3A_588 = arith.constant 9920 : i32
    %add3A_589 = arith.addi %mul3A_2, %add3A_588 : i32
    "tpu.region"() ({
      %run_scoped3A = tpu.sem_alloc : memref<!tpu.dma_semaphore, #tpu.memory_space<semaphore_mem>>
      %dma_start3A = arith.constant 0 : i32
      %dma_start3A_826 = tpu.memref_slice %arg2[%add3A_589, %dma_start3A] : memref<320000x128xf32, #tpu.memory_space<hbm>> -> memref<80x128xf32, #tpu.memory_space<hbm>>
      %dma_start3A_827 = arith.constant 0 : i32
      %dma_start3A_828 = tpu.memref_slice %arg2[%add3A_589, %dma_start3A_827] : memref<320000x128xf32, #tpu.memory_space<hbm>> -> memref<80x128xf32, #tpu.memory_space<hbm>>
      tpu.enqueue_dma source(%dma_start3A_828 : memref<80x128xf32, #tpu.memory_space<hbm>>) target(%arg9 : memref<80x128xf32, #tpu.memory_space<vmem>>) target_semaphore(%run_scoped3A : memref<!tpu.dma_semaphore, #tpu.memory_space<semaphore_mem>>)
      %dma_wait3A = arith.constant 0 : i32
      %dma_wait3A_829 = tpu.memref_slice %arg2[%add3A_589, %dma_wait3A] : memref<320000x128xf32, #tpu.memory_space<hbm>> -> memref<80x128xf32, #tpu.memory_space<hbm>>
      %dma_wait3A_830 = arith.constant 0 : i32
      %dma_wait3A_831 = tpu.memref_slice %arg2[%add3A_589, %dma_wait3A_830] : memref<320000x128xf32, #tpu.memory_space<hbm>> -> memref<80x128xf32, #tpu.memory_space<hbm>>
      tpu.wait_dma2 semaphore(%run_scoped3A : memref<!tpu.dma_semaphore, #tpu.memory_space<semaphore_mem>>) src(%dma_wait3A_831 : memref<80x128xf32, #tpu.memory_space<hbm>>) dst(%arg9 : memref<80x128xf32, #tpu.memory_space<vmem>>)
      tpu.yield
    }) : () -> ()
    "tpu.region"() ({
      %run_scoped3A = tpu.sem_alloc : memref<!tpu.dma_semaphore, #tpu.memory_space<semaphore_mem>>
      %dma_start3A = arith.constant 0 : i32
      %dma_start3A_826 = arith.constant 0 : i32
      %dma_start3A_827 = tpu.memref_slice %arg13[%dma_start3A, %dma_start3A_826] : memref<5120x128xf32, #tpu.memory_space<vmem_shared>> -> memref<5120x128xf32, #tpu.memory_space<vmem_shared>>
      tpu.enqueue_indirect_dma source(%arg9 : memref<80x128xf32, #tpu.memory_space<vmem>>) target(%dma_start3A_827 : memref<5120x128xf32, #tpu.memory_space<vmem_shared>>) offsets(%arg8 : memref<80xi32, #tpu.memory_space<vmem>>) semaphore(%run_scoped3A : memref<!tpu.dma_semaphore, #tpu.memory_space<semaphore_mem>>) {add = true}
      %dma_wait3A = arith.constant 0 : i32
      %dma_wait3A_828 = arith.constant 0 : i32
      %dma_wait3A_829 = tpu.memref_slice %arg13[%dma_wait3A, %dma_wait3A_828] : memref<5120x128xf32, #tpu.memory_space<vmem_shared>> -> memref<5120x128xf32, #tpu.memory_space<vmem_shared>>
      tpu.wait_indirect_dma semaphore(%run_scoped3A : memref<!tpu.dma_semaphore, #tpu.memory_space<semaphore_mem>>) src(%arg9 : memref<80x128xf32, #tpu.memory_space<vmem>>) dst(%dma_wait3A_829 : memref<5120x128xf32, #tpu.memory_space<vmem_shared>>)
      tpu.yield
    }) : () -> ()
    %barrier3A_590 = arith.constant 0 : index
    tpu.barrier barrier_id(%barrier3A_590)
    %scan3A_591 = arith.constant 0 : i32
    %scan3A_592 = arith.constant 0 : i32
    %scan3A_593 = arith.constant 40 : i32
    %scan3A_594 = arith.addi %scan3A_592, %scan3A_593 : i32
    %scan3A_595 = arith.constant 1 : i32
    scf.for %scan3A_826 = %scan3A_592 to %scan3A_594 step %scan3A_595  : i32 {
      %mul3A_827 = arith.constant 16 : i32
      %mul3A_828 = arith.muli %scan3A_826, %mul3A_827 : i32
      %add3A_829 = arith.addi %arg1, %mul3A_828 : i32
      %mul3A_830 = arith.constant 8 : i32
      %mul3A_831 = arith.muli %add3A_829, %mul3A_830 : i32
      %add3A_832 = arith.constant 5120 : i32
      %add3A_833 = arith.addi %add3A_832, %mul3A_831 : i32
      "tpu.region"() ({
        %run_scoped3A = tpu.sem_alloc : memref<!tpu.dma_semaphore, #tpu.memory_space<semaphore_mem>>
        %dma_start3A = arith.constant 0 : i32
        %dma_start3A_834 = tpu.memref_slice %arg5[%arg0, %add3A_833, %dma_start3A] : memref<2x10240x128xf32, #tpu.memory_space<hbm>> -> memref<1x8x128xf32, #tpu.memory_space<hbm>>
        %dma_start3A_835 = tpu.memref_squeeze %dma_start3A_834 : memref<1x8x128xf32, #tpu.memory_space<hbm>> -> memref<8x128xf32, #tpu.memory_space<hbm>>
        %dma_start3A_836 = arith.constant 0 : i32
        %dma_start3A_837 = tpu.memref_slice %arg13[%mul3A_831, %dma_start3A_836] : memref<5120x128xf32, #tpu.memory_space<vmem_shared>> -> memref<8x128xf32, #tpu.memory_space<vmem_shared>>
        tpu.enqueue_dma source(%dma_start3A_837 : memref<8x128xf32, #tpu.memory_space<vmem_shared>>) target(%dma_start3A_835 : memref<8x128xf32, #tpu.memory_space<hbm>>) target_semaphore(%run_scoped3A : memref<!tpu.dma_semaphore, #tpu.memory_space<semaphore_mem>>)
        %dma_wait3A = arith.constant 0 : i32
        %dma_wait3A_838 = tpu.memref_slice %arg5[%arg0, %add3A_833, %dma_wait3A] : memref<2x10240x128xf32, #tpu.memory_space<hbm>> -> memref<1x8x128xf32, #tpu.memory_space<hbm>>
        %dma_wait3A_839 = tpu.memref_squeeze %dma_wait3A_838 : memref<1x8x128xf32, #tpu.memory_space<hbm>> -> memref<8x128xf32, #tpu.memory_space<hbm>>
        %dma_wait3A_840 = arith.constant 0 : i32
        %dma_wait3A_841 = tpu.memref_slice %arg13[%mul3A_831, %dma_wait3A_840] : memref<5120x128xf32, #tpu.memory_space<vmem_shared>> -> memref<8x128xf32, #tpu.memory_space<vmem_shared>>
        tpu.wait_dma2 semaphore(%run_scoped3A : memref<!tpu.dma_semaphore, #tpu.memory_space<semaphore_mem>>) src(%dma_wait3A_841 : memref<8x128xf32, #tpu.memory_space<vmem_shared>>) dst(%dma_wait3A_839 : memref<8x128xf32, #tpu.memory_space<hbm>>)
        tpu.yield
      }) : () -> ()
    }
    %scan3A_596 = arith.constant 40 : i32
    %barrier3A_597 = arith.constant 0 : index
    tpu.barrier barrier_id(%barrier3A_597)
    %scan3A_598 = arith.constant 0 : i32
    %scan3A_599 = arith.constant 0 : i32
    %scan3A_600 = arith.constant 40 : i32
    %scan3A_601 = arith.addi %scan3A_599, %scan3A_600 : i32
    %scan3A_602 = arith.constant 1 : i32
    scf.for %scan3A_826 = %scan3A_599 to %scan3A_601 step %scan3A_602  : i32 {
      %mul3A_827 = arith.constant 16 : i32
      %mul3A_828 = arith.muli %scan3A_826, %mul3A_827 : i32
      %add3A_829 = arith.addi %arg1, %mul3A_828 : i32
      %mul3A_830 = arith.constant 8 : i32
      %mul3A_831 = arith.muli %add3A_829, %mul3A_830 : i32
      "tpu.region"() ({
        %run_scoped3A = tpu.sem_alloc : memref<!tpu.dma_semaphore, #tpu.memory_space<semaphore_mem>>
        %dma_start3A = arith.constant 0 : i32
        %dma_start3A_832 = tpu.memref_slice %arg13[%mul3A_831, %dma_start3A] : memref<5120x128xf32, #tpu.memory_space<vmem_shared>> -> memref<8x128xf32, #tpu.memory_space<vmem_shared>>
        %dma_start3A_833 = arith.constant 0 : i32
        %dma_start3A_834 = tpu.memref_slice %arg13[%mul3A_831, %dma_start3A_833] : memref<5120x128xf32, #tpu.memory_space<vmem_shared>> -> memref<8x128xf32, #tpu.memory_space<vmem_shared>>
        tpu.enqueue_dma source(%arg12 : memref<8x128xf32, #tpu.memory_space<vmem>>) target(%dma_start3A_834 : memref<8x128xf32, #tpu.memory_space<vmem_shared>>) target_semaphore(%run_scoped3A : memref<!tpu.dma_semaphore, #tpu.memory_space<semaphore_mem>>)
        %dma_wait3A = arith.constant 0 : i32
        %dma_wait3A_835 = tpu.memref_slice %arg13[%mul3A_831, %dma_wait3A] : memref<5120x128xf32, #tpu.memory_space<vmem_shared>> -> memref<8x128xf32, #tpu.memory_space<vmem_shared>>
        %dma_wait3A_836 = arith.constant 0 : i32
        %dma_wait3A_837 = tpu.memref_slice %arg13[%mul3A_831, %dma_wait3A_836] : memref<5120x128xf32, #tpu.memory_space<vmem_shared>> -> memref<8x128xf32, #tpu.memory_space<vmem_shared>>
        tpu.wait_dma2 semaphore(%run_scoped3A : memref<!tpu.dma_semaphore, #tpu.memory_space<semaphore_mem>>) src(%arg12 : memref<8x128xf32, #tpu.memory_space<vmem>>) dst(%dma_wait3A_837 : memref<8x128xf32, #tpu.memory_space<vmem_shared>>)
        tpu.yield
      }) : () -> ()
    }
    %scan3A_603 = arith.constant 40 : i32
    %barrier3A_604 = arith.constant 0 : index
    tpu.barrier barrier_id(%barrier3A_604)
    "tpu.region"() ({
      %run_scoped3A = tpu.sem_alloc : memref<!tpu.dma_semaphore, #tpu.memory_space<semaphore_mem>>
      %dma_start3A = tpu.memref_slice %arg4[%mul3A_2] : memref<320000xi32, #tpu.memory_space<hbm>> -> memref<80xi32, #tpu.memory_space<hbm>>
      %dma_start3A_826 = tpu.memref_slice %arg4[%mul3A_2] : memref<320000xi32, #tpu.memory_space<hbm>> -> memref<80xi32, #tpu.memory_space<hbm>>
      tpu.enqueue_dma source(%dma_start3A_826 : memref<80xi32, #tpu.memory_space<hbm>>) target(%arg7 : memref<80xi32, #tpu.memory_space<vmem>>) target_semaphore(%run_scoped3A : memref<!tpu.dma_semaphore, #tpu.memory_space<semaphore_mem>>)
      %dma_wait3A = tpu.memref_slice %arg4[%mul3A_2] : memref<320000xi32, #tpu.memory_space<hbm>> -> memref<80xi32, #tpu.memory_space<hbm>>
      %dma_wait3A_827 = tpu.memref_slice %arg4[%mul3A_2] : memref<320000xi32, #tpu.memory_space<hbm>> -> memref<80xi32, #tpu.memory_space<hbm>>
      tpu.wait_dma2 semaphore(%run_scoped3A : memref<!tpu.dma_semaphore, #tpu.memory_space<semaphore_mem>>) src(%dma_wait3A_827 : memref<80xi32, #tpu.memory_space<hbm>>) dst(%arg7 : memref<80xi32, #tpu.memory_space<vmem>>)
      tpu.yield
    }) : () -> ()
    %get3A_605 = arith.constant 0 : index
    %get3A_606 = tpu.vector_load %arg7[%get3A_605] {strides = array<i32>} : memref<80xi32, #tpu.memory_space<vmem>>, vector<16xi32>,
    %sub3A_607 = arith.constant 0 : i32
    %sub3A_608 = vector.broadcast %sub3A_607 : i32 to vector<16xi32>
    %sub3A_609 = arith.subi %get3A_606, %sub3A_608 : vector<16xi32>
    %ge3A_610 = arith.constant 0 : i32
    %ge3A_611 = vector.broadcast %ge3A_610 : i32 to vector<16xi32>
    %ge3A_612 = arith.cmpi sge, %sub3A_609, %ge3A_611 : vector<16xi32>
    %lt3A_613 = arith.constant 5056 : i32
    %lt3A_614 = vector.broadcast %lt3A_613 : i32 to vector<16xi32>
    %lt3A_615 = arith.cmpi slt, %sub3A_609, %lt3A_614 : vector<16xi32>
    %and3A_616 = arith.andi %ge3A_612, %lt3A_615 : vector<16xi1>
    %jit3A_617 = arith.constant 5056 : i32
    %broadcast_in_dim3A_618 = vector.broadcast %jit3A_617 : i32 to vector<16xi32>
    %select_n3A_619 = arith.select %and3A_616, %sub3A_609, %broadcast_in_dim3A_618 : vector<16xi1>, vector<16xi32>
    %swap3A_620 = arith.constant 0 : index
    %swap3A_621 = tpu.vector_load %arg8[%swap3A_620] {strides = array<i32>} : memref<80xi32, #tpu.memory_space<vmem>>, vector<16xi32>,
    tpu.vector_store %arg8[%swap3A_620], %select_n3A_619 {strides = array<i32>} : memref<80xi32, #tpu.memory_space<vmem>>, vector<16xi32>,
    %get3A_622 = arith.constant 16 : index
    %get3A_623 = tpu.vector_load %arg7[%get3A_622] {strides = array<i32>} : memref<80xi32, #tpu.memory_space<vmem>>, vector<16xi32>,
    %sub3A_624 = arith.constant 0 : i32
    %sub3A_625 = vector.broadcast %sub3A_624 : i32 to vector<16xi32>
    %sub3A_626 = arith.subi %get3A_623, %sub3A_625 : vector<16xi32>
    %ge3A_627 = arith.constant 0 : i32
    %ge3A_628 = vector.broadcast %ge3A_627 : i32 to vector<16xi32>
    %ge3A_629 = arith.cmpi sge, %sub3A_626, %ge3A_628 : vector<16xi32>
    %lt3A_630 = arith.constant 5056 : i32
    %lt3A_631 = vector.broadcast %lt3A_630 : i32 to vector<16xi32>
    %lt3A_632 = arith.cmpi slt, %sub3A_626, %lt3A_631 : vector<16xi32>
    %and3A_633 = arith.andi %ge3A_629, %lt3A_632 : vector<16xi1>
    %jit3A_634 = arith.constant 5056 : i32
    %broadcast_in_dim3A_635 = vector.broadcast %jit3A_634 : i32 to vector<16xi32>
    %select_n3A_636 = arith.select %and3A_633, %sub3A_626, %broadcast_in_dim3A_635 : vector<16xi1>, vector<16xi32>
    %swap3A_637 = arith.constant 16 : index
    %swap3A_638 = tpu.vector_load %arg8[%swap3A_637] {strides = array<i32>} : memref<80xi32, #tpu.memory_space<vmem>>, vector<16xi32>,
    tpu.vector_store %arg8[%swap3A_637], %select_n3A_636 {strides = array<i32>} : memref<80xi32, #tpu.memory_space<vmem>>, vector<16xi32>,
    %get3A_639 = arith.constant 32 : index
    %get3A_640 = tpu.vector_load %arg7[%get3A_639] {strides = array<i32>} : memref<80xi32, #tpu.memory_space<vmem>>, vector<16xi32>,
    %sub3A_641 = arith.constant 0 : i32
    %sub3A_642 = vector.broadcast %sub3A_641 : i32 to vector<16xi32>
    %sub3A_643 = arith.subi %get3A_640, %sub3A_642 : vector<16xi32>
    %ge3A_644 = arith.constant 0 : i32
    %ge3A_645 = vector.broadcast %ge3A_644 : i32 to vector<16xi32>
    %ge3A_646 = arith.cmpi sge, %sub3A_643, %ge3A_645 : vector<16xi32>
    %lt3A_647 = arith.constant 5056 : i32
    %lt3A_648 = vector.broadcast %lt3A_647 : i32 to vector<16xi32>
    %lt3A_649 = arith.cmpi slt, %sub3A_643, %lt3A_648 : vector<16xi32>
    %and3A_650 = arith.andi %ge3A_646, %lt3A_649 : vector<16xi1>
    %jit3A_651 = arith.constant 5056 : i32
    %broadcast_in_dim3A_652 = vector.broadcast %jit3A_651 : i32 to vector<16xi32>
    %select_n3A_653 = arith.select %and3A_650, %sub3A_643, %broadcast_in_dim3A_652 : vector<16xi1>, vector<16xi32>
    %swap3A_654 = arith.constant 32 : index
    %swap3A_655 = tpu.vector_load %arg8[%swap3A_654] {strides = array<i32>} : memref<80xi32, #tpu.memory_space<vmem>>, vector<16xi32>,
    tpu.vector_store %arg8[%swap3A_654], %select_n3A_653 {strides = array<i32>} : memref<80xi32, #tpu.memory_space<vmem>>, vector<16xi32>,
    %get3A_656 = arith.constant 48 : index
    %get3A_657 = tpu.vector_load %arg7[%get3A_656] {strides = array<i32>} : memref<80xi32, #tpu.memory_space<vmem>>, vector<16xi32>,
    %sub3A_658 = arith.constant 0 : i32
    %sub3A_659 = vector.broadcast %sub3A_658 : i32 to vector<16xi32>
    %sub3A_660 = arith.subi %get3A_657, %sub3A_659 : vector<16xi32>
    %ge3A_661 = arith.constant 0 : i32
    %ge3A_662 = vector.broadcast %ge3A_661 : i32 to vector<16xi32>
    %ge3A_663 = arith.cmpi sge, %sub3A_660, %ge3A_662 : vector<16xi32>
    %lt3A_664 = arith.constant 5056 : i32
    %lt3A_665 = vector.broadcast %lt3A_664 : i32 to vector<16xi32>
    %lt3A_666 = arith.cmpi slt, %sub3A_660, %lt3A_665 : vector<16xi32>
    %and3A_667 = arith.andi %ge3A_663, %lt3A_666 : vector<16xi1>
    %jit3A_668 = arith.constant 5056 : i32
    %broadcast_in_dim3A_669 = vector.broadcast %jit3A_668 : i32 to vector<16xi32>
    %select_n3A_670 = arith.select %and3A_667, %sub3A_660, %broadcast_in_dim3A_669 : vector<16xi1>, vector<16xi32>
    %swap3A_671 = arith.constant 48 : index
    %swap3A_672 = tpu.vector_load %arg8[%swap3A_671] {strides = array<i32>} : memref<80xi32, #tpu.memory_space<vmem>>, vector<16xi32>,
    tpu.vector_store %arg8[%swap3A_671], %select_n3A_670 {strides = array<i32>} : memref<80xi32, #tpu.memory_space<vmem>>, vector<16xi32>,
    %get3A_673 = arith.constant 64 : index
    %get3A_674 = tpu.vector_load %arg7[%get3A_673] {strides = array<i32>} : memref<80xi32, #tpu.memory_space<vmem>>, vector<16xi32>,
    %sub3A_675 = arith.constant 0 : i32
    %sub3A_676 = vector.broadcast %sub3A_675 : i32 to vector<16xi32>
    %sub3A_677 = arith.subi %get3A_674, %sub3A_676 : vector<16xi32>
    %ge3A_678 = arith.constant 0 : i32
    %ge3A_679 = vector.broadcast %ge3A_678 : i32 to vector<16xi32>
    %ge3A_680 = arith.cmpi sge, %sub3A_677, %ge3A_679 : vector<16xi32>
    %lt3A_681 = arith.constant 5056 : i32
    %lt3A_682 = vector.broadcast %lt3A_681 : i32 to vector<16xi32>
    %lt3A_683 = arith.cmpi slt, %sub3A_677, %lt3A_682 : vector<16xi32>
    %and3A_684 = arith.andi %ge3A_680, %lt3A_683 : vector<16xi1>
    %jit3A_685 = arith.constant 5056 : i32
    %broadcast_in_dim3A_686 = vector.broadcast %jit3A_685 : i32 to vector<16xi32>
    %select_n3A_687 = arith.select %and3A_684, %sub3A_677, %broadcast_in_dim3A_686 : vector<16xi1>, vector<16xi32>
    %swap3A_688 = arith.constant 64 : index
    %swap3A_689 = tpu.vector_load %arg8[%swap3A_688] {strides = array<i32>} : memref<80xi32, #tpu.memory_space<vmem>>, vector<16xi32>,
    tpu.vector_store %arg8[%swap3A_688], %select_n3A_687 {strides = array<i32>} : memref<80xi32, #tpu.memory_space<vmem>>, vector<16xi32>,
    %scan3A_690 = arith.constant 0 : i32
    %scan3A_691 = arith.constant 0 : i32
    %scan3A_692 = arith.constant 124 : i32
    %scan3A_693 = arith.addi %scan3A_691, %scan3A_692 : i32
    %scan3A_694 = arith.constant 1 : i32
    scf.for %scan3A_826 = %scan3A_691 to %scan3A_693 step %scan3A_694  : i32 {
      %mul3A_827 = arith.constant 80 : i32
      %mul3A_828 = arith.muli %scan3A_826, %mul3A_827 : i32
      %add3A_829 = arith.addi %mul3A_2, %mul3A_828 : i32
      "tpu.region"() ({
        %run_scoped3A = tpu.sem_alloc : memref<!tpu.dma_semaphore, #tpu.memory_space<semaphore_mem>>
        %dma_start3A = arith.constant 0 : i32
        %dma_start3A_923 = tpu.memref_slice %arg3[%add3A_829, %dma_start3A] : memref<320000x16xf32, #tpu.memory_space<hbm>> -> memref<80x16xf32, #tpu.memory_space<hbm>>
        %dma_start3A_924 = arith.constant 0 : i32
        %dma_start3A_925 = tpu.memref_slice %arg3[%add3A_829, %dma_start3A_924] : memref<320000x16xf32, #tpu.memory_space<hbm>> -> memref<80x16xf32, #tpu.memory_space<hbm>>
        tpu.enqueue_dma source(%dma_start3A_925 : memref<80x16xf32, #tpu.memory_space<hbm>>) target(%arg10 : memref<80x16xf32, #tpu.memory_space<vmem>>) target_semaphore(%run_scoped3A : memref<!tpu.dma_semaphore, #tpu.memory_space<semaphore_mem>>)
        %dma_wait3A = arith.constant 0 : i32
        %dma_wait3A_926 = tpu.memref_slice %arg3[%add3A_829, %dma_wait3A] : memref<320000x16xf32, #tpu.memory_space<hbm>> -> memref<80x16xf32, #tpu.memory_space<hbm>>
        %dma_wait3A_927 = arith.constant 0 : i32
        %dma_wait3A_928 = tpu.memref_slice %arg3[%add3A_829, %dma_wait3A_927] : memref<320000x16xf32, #tpu.memory_space<hbm>> -> memref<80x16xf32, #tpu.memory_space<hbm>>
        tpu.wait_dma2 semaphore(%run_scoped3A : memref<!tpu.dma_semaphore, #tpu.memory_space<semaphore_mem>>) src(%dma_wait3A_928 : memref<80x16xf32, #tpu.memory_space<hbm>>) dst(%arg10 : memref<80x16xf32, #tpu.memory_space<vmem>>)
        tpu.yield
      }) : () -> ()
      %scan3A_830 = arith.constant 0 : i32
      %scan3A_831 = arith.constant 0 : i32
      %scan3A_832 = arith.constant 80 : i32
      %scan3A_833 = arith.addi %scan3A_831, %scan3A_832 : i32
      %scan3A_834 = arith.constant 1 : i32
      scf.for %scan3A_923 = %scan3A_831 to %scan3A_833 step %scan3A_834  : i32 {
        %get3A_924 = arith.index_cast %scan3A_923 : i32 to index
        %get3A_925 = arith.constant 0 : index
        %get3A_926 = tpu.vector_load %arg10[%get3A_924, %get3A_925] {strides = array<i32>} : memref<80x16xf32, #tpu.memory_space<vmem>>, vector<16xf32>,
        %swap3A_927 = arith.index_cast %scan3A_923 : i32 to index
        %swap3A_928 = arith.constant 0 : index
        %swap3A_929 = tpu.vector_load %arg11[%swap3A_927, %swap3A_928] {strides = array<i32>} : memref<80x128xf32, #tpu.memory_space<vmem>>, vector<16xf32>,
        tpu.vector_store %arg11[%swap3A_927, %swap3A_928], %get3A_926 {strides = array<i32>} : memref<80x128xf32, #tpu.memory_space<vmem>>, vector<16xf32>,
      }
      %scan3A_835 = arith.constant 80 : i32
      "tpu.region"() ({
        %run_scoped3A = tpu.sem_alloc : memref<!tpu.dma_semaphore, #tpu.memory_space<semaphore_mem>>
        %dma_start3A = arith.constant 0 : i32
        %dma_start3A_923 = arith.constant 0 : i32
        %dma_start3A_924 = tpu.memref_slice %arg13[%dma_start3A, %dma_start3A_923] : memref<5120x128xf32, #tpu.memory_space<vmem_shared>> -> memref<5120x128xf32, #tpu.memory_space<vmem_shared>>
        tpu.enqueue_indirect_dma source(%arg11 : memref<80x128xf32, #tpu.memory_space<vmem>>) target(%dma_start3A_924 : memref<5120x128xf32, #tpu.memory_space<vmem_shared>>) offsets(%arg8 : memref<80xi32, #tpu.memory_space<vmem>>) semaphore(%run_scoped3A : memref<!tpu.dma_semaphore, #tpu.memory_space<semaphore_mem>>) {add = true}
        %dma_wait3A = arith.constant 0 : i32
        %dma_wait3A_925 = arith.constant 0 : i32
        %dma_wait3A_926 = tpu.memref_slice %arg13[%dma_wait3A, %dma_wait3A_925] : memref<5120x128xf32, #tpu.memory_space<vmem_shared>> -> memref<5120x128xf32, #tpu.memory_space<vmem_shared>>
        tpu.wait_indirect_dma semaphore(%run_scoped3A : memref<!tpu.dma_semaphore, #tpu.memory_space<semaphore_mem>>) src(%arg11 : memref<80x128xf32, #tpu.memory_space<vmem>>) dst(%dma_wait3A_926 : memref<5120x128xf32, #tpu.memory_space<vmem_shared>>)
        tpu.yield
      }) : () -> ()
      %add3A_836 = arith.constant 80 : i32
      %add3A_837 = arith.addi %add3A_829, %add3A_836 : i32
      "tpu.region"() ({
        %run_scoped3A = tpu.sem_alloc : memref<!tpu.dma_semaphore, #tpu.memory_space<semaphore_mem>>
        %dma_start3A = tpu.memref_slice %arg4[%add3A_837] : memref<320000xi32, #tpu.memory_space<hbm>> -> memref<80xi32, #tpu.memory_space<hbm>>
        %dma_start3A_923 = tpu.memref_slice %arg4[%add3A_837] : memref<320000xi32, #tpu.memory_space<hbm>> -> memref<80xi32, #tpu.memory_space<hbm>>
        tpu.enqueue_dma source(%dma_start3A_923 : memref<80xi32, #tpu.memory_space<hbm>>) target(%arg7 : memref<80xi32, #tpu.memory_space<vmem>>) target_semaphore(%run_scoped3A : memref<!tpu.dma_semaphore, #tpu.memory_space<semaphore_mem>>)
        %dma_wait3A = tpu.memref_slice %arg4[%add3A_837] : memref<320000xi32, #tpu.memory_space<hbm>> -> memref<80xi32, #tpu.memory_space<hbm>>
        %dma_wait3A_924 = tpu.memref_slice %arg4[%add3A_837] : memref<320000xi32, #tpu.memory_space<hbm>> -> memref<80xi32, #tpu.memory_space<hbm>>
        tpu.wait_dma2 semaphore(%run_scoped3A : memref<!tpu.dma_semaphore, #tpu.memory_space<semaphore_mem>>) src(%dma_wait3A_924 : memref<80xi32, #tpu.memory_space<hbm>>) dst(%arg7 : memref<80xi32, #tpu.memory_space<vmem>>)
        tpu.yield
      }) : () -> ()
      %get3A_838 = arith.constant 0 : index
      %get3A_839 = tpu.vector_load %arg7[%get3A_838] {strides = array<i32>} : memref<80xi32, #tpu.memory_space<vmem>>, vector<16xi32>,
      %sub3A_840 = arith.constant 0 : i32
      %sub3A_841 = vector.broadcast %sub3A_840 : i32 to vector<16xi32>
      %sub3A_842 = arith.subi %get3A_839, %sub3A_841 : vector<16xi32>
      %ge3A_843 = arith.constant 0 : i32
      %ge3A_844 = vector.broadcast %ge3A_843 : i32 to vector<16xi32>
      %ge3A_845 = arith.cmpi sge, %sub3A_842, %ge3A_844 : vector<16xi32>
      %lt3A_846 = arith.constant 5056 : i32
      %lt3A_847 = vector.broadcast %lt3A_846 : i32 to vector<16xi32>
      %lt3A_848 = arith.cmpi slt, %sub3A_842, %lt3A_847 : vector<16xi32>
      %and3A_849 = arith.andi %ge3A_845, %lt3A_848 : vector<16xi1>
      %jit3A_850 = arith.constant 5056 : i32
      %broadcast_in_dim3A_851 = vector.broadcast %jit3A_850 : i32 to vector<16xi32>
      %select_n3A_852 = arith.select %and3A_849, %sub3A_842, %broadcast_in_dim3A_851 : vector<16xi1>, vector<16xi32>
      %swap3A_853 = arith.constant 0 : index
      %swap3A_854 = tpu.vector_load %arg8[%swap3A_853] {strides = array<i32>} : memref<80xi32, #tpu.memory_space<vmem>>, vector<16xi32>,
      tpu.vector_store %arg8[%swap3A_853], %select_n3A_852 {strides = array<i32>} : memref<80xi32, #tpu.memory_space<vmem>>, vector<16xi32>,
      %get3A_855 = arith.constant 16 : index
      %get3A_856 = tpu.vector_load %arg7[%get3A_855] {strides = array<i32>} : memref<80xi32, #tpu.memory_space<vmem>>, vector<16xi32>,
      %sub3A_857 = arith.constant 0 : i32
      %sub3A_858 = vector.broadcast %sub3A_857 : i32 to vector<16xi32>
      %sub3A_859 = arith.subi %get3A_856, %sub3A_858 : vector<16xi32>
      %ge3A_860 = arith.constant 0 : i32
      %ge3A_861 = vector.broadcast %ge3A_860 : i32 to vector<16xi32>
      %ge3A_862 = arith.cmpi sge, %sub3A_859, %ge3A_861 : vector<16xi32>
      %lt3A_863 = arith.constant 5056 : i32
      %lt3A_864 = vector.broadcast %lt3A_863 : i32 to vector<16xi32>
      %lt3A_865 = arith.cmpi slt, %sub3A_859, %lt3A_864 : vector<16xi32>
      %and3A_866 = arith.andi %ge3A_862, %lt3A_865 : vector<16xi1>
      %jit3A_867 = arith.constant 5056 : i32
      %broadcast_in_dim3A_868 = vector.broadcast %jit3A_867 : i32 to vector<16xi32>
      %select_n3A_869 = arith.select %and3A_866, %sub3A_859, %broadcast_in_dim3A_868 : vector<16xi1>, vector<16xi32>
      %swap3A_870 = arith.constant 16 : index
      %swap3A_871 = tpu.vector_load %arg8[%swap3A_870] {strides = array<i32>} : memref<80xi32, #tpu.memory_space<vmem>>, vector<16xi32>,
      tpu.vector_store %arg8[%swap3A_870], %select_n3A_869 {strides = array<i32>} : memref<80xi32, #tpu.memory_space<vmem>>, vector<16xi32>,
      %get3A_872 = arith.constant 32 : index
      %get3A_873 = tpu.vector_load %arg7[%get3A_872] {strides = array<i32>} : memref<80xi32, #tpu.memory_space<vmem>>, vector<16xi32>,
      %sub3A_874 = arith.constant 0 : i32
      %sub3A_875 = vector.broadcast %sub3A_874 : i32 to vector<16xi32>
      %sub3A_876 = arith.subi %get3A_873, %sub3A_875 : vector<16xi32>
      %ge3A_877 = arith.constant 0 : i32
      %ge3A_878 = vector.broadcast %ge3A_877 : i32 to vector<16xi32>
      %ge3A_879 = arith.cmpi sge, %sub3A_876, %ge3A_878 : vector<16xi32>
      %lt3A_880 = arith.constant 5056 : i32
      %lt3A_881 = vector.broadcast %lt3A_880 : i32 to vector<16xi32>
      %lt3A_882 = arith.cmpi slt, %sub3A_876, %lt3A_881 : vector<16xi32>
      %and3A_883 = arith.andi %ge3A_879, %lt3A_882 : vector<16xi1>
      %jit3A_884 = arith.constant 5056 : i32
      %broadcast_in_dim3A_885 = vector.broadcast %jit3A_884 : i32 to vector<16xi32>
      %select_n3A_886 = arith.select %and3A_883, %sub3A_876, %broadcast_in_dim3A_885 : vector<16xi1>, vector<16xi32>
      %swap3A_887 = arith.constant 32 : index
      %swap3A_888 = tpu.vector_load %arg8[%swap3A_887] {strides = array<i32>} : memref<80xi32, #tpu.memory_space<vmem>>, vector<16xi32>,
      tpu.vector_store %arg8[%swap3A_887], %select_n3A_886 {strides = array<i32>} : memref<80xi32, #tpu.memory_space<vmem>>, vector<16xi32>,
      %get3A_889 = arith.constant 48 : index
      %get3A_890 = tpu.vector_load %arg7[%get3A_889] {strides = array<i32>} : memref<80xi32, #tpu.memory_space<vmem>>, vector<16xi32>,
      %sub3A_891 = arith.constant 0 : i32
      %sub3A_892 = vector.broadcast %sub3A_891 : i32 to vector<16xi32>
      %sub3A_893 = arith.subi %get3A_890, %sub3A_892 : vector<16xi32>
      %ge3A_894 = arith.constant 0 : i32
      %ge3A_895 = vector.broadcast %ge3A_894 : i32 to vector<16xi32>
      %ge3A_896 = arith.cmpi sge, %sub3A_893, %ge3A_895 : vector<16xi32>
      %lt3A_897 = arith.constant 5056 : i32
      %lt3A_898 = vector.broadcast %lt3A_897 : i32 to vector<16xi32>
      %lt3A_899 = arith.cmpi slt, %sub3A_893, %lt3A_898 : vector<16xi32>
      %and3A_900 = arith.andi %ge3A_896, %lt3A_899 : vector<16xi1>
      %jit3A_901 = arith.constant 5056 : i32
      %broadcast_in_dim3A_902 = vector.broadcast %jit3A_901 : i32 to vector<16xi32>
      %select_n3A_903 = arith.select %and3A_900, %sub3A_893, %broadcast_in_dim3A_902 : vector<16xi1>, vector<16xi32>
      %swap3A_904 = arith.constant 48 : index
      %swap3A_905 = tpu.vector_load %arg8[%swap3A_904] {strides = array<i32>} : memref<80xi32, #tpu.memory_space<vmem>>, vector<16xi32>,
      tpu.vector_store %arg8[%swap3A_904], %select_n3A_903 {strides = array<i32>} : memref<80xi32, #tpu.memory_space<vmem>>, vector<16xi32>,
      %get3A_906 = arith.constant 64 : index
      %get3A_907 = tpu.vector_load %arg7[%get3A_906] {strides = array<i32>} : memref<80xi32, #tpu.memory_space<vmem>>, vector<16xi32>,
      %sub3A_908 = arith.constant 0 : i32
      %sub3A_909 = vector.broadcast %sub3A_908 : i32 to vector<16xi32>
      %sub3A_910 = arith.subi %get3A_907, %sub3A_909 : vector<16xi32>
      %ge3A_911 = arith.constant 0 : i32
      %ge3A_912 = vector.broadcast %ge3A_911 : i32 to vector<16xi32>
      %ge3A_913 = arith.cmpi sge, %sub3A_910, %ge3A_912 : vector<16xi32>
      %lt3A_914 = arith.constant 5056 : i32
      %lt3A_915 = vector.broadcast %lt3A_914 : i32 to vector<16xi32>
      %lt3A_916 = arith.cmpi slt, %sub3A_910, %lt3A_915 : vector<16xi32>
      %and3A_917 = arith.andi %ge3A_913, %lt3A_916 : vector<16xi1>
      %jit3A_918 = arith.constant 5056 : i32
      %broadcast_in_dim3A_919 = vector.broadcast %jit3A_918 : i32 to vector<16xi32>
      %select_n3A_920 = arith.select %and3A_917, %sub3A_910, %broadcast_in_dim3A_919 : vector<16xi1>, vector<16xi32>
      %swap3A_921 = arith.constant 64 : index
      %swap3A_922 = tpu.vector_load %arg8[%swap3A_921] {strides = array<i32>} : memref<80xi32, #tpu.memory_space<vmem>>, vector<16xi32>,
      tpu.vector_store %arg8[%swap3A_921], %select_n3A_920 {strides = array<i32>} : memref<80xi32, #tpu.memory_space<vmem>>, vector<16xi32>,
    }
    %scan3A_695 = arith.constant 124 : i32
    %add3A_696 = arith.constant 9920 : i32
    %add3A_697 = arith.addi %mul3A_2, %add3A_696 : i32
    "tpu.region"() ({
      %run_scoped3A = tpu.sem_alloc : memref<!tpu.dma_semaphore, #tpu.memory_space<semaphore_mem>>
      %dma_start3A = arith.constant 0 : i32
      %dma_start3A_826 = tpu.memref_slice %arg3[%add3A_697, %dma_start3A] : memref<320000x16xf32, #tpu.memory_space<hbm>> -> memref<80x16xf32, #tpu.memory_space<hbm>>
      %dma_start3A_827 = arith.constant 0 : i32
      %dma_start3A_828 = tpu.memref_slice %arg3[%add3A_697, %dma_start3A_827] : memref<320000x16xf32, #tpu.memory_space<hbm>> -> memref<80x16xf32, #tpu.memory_space<hbm>>
      tpu.enqueue_dma source(%dma_start3A_828 : memref<80x16xf32, #tpu.memory_space<hbm>>) target(%arg10 : memref<80x16xf32, #tpu.memory_space<vmem>>) target_semaphore(%run_scoped3A : memref<!tpu.dma_semaphore, #tpu.memory_space<semaphore_mem>>)
      %dma_wait3A = arith.constant 0 : i32
      %dma_wait3A_829 = tpu.memref_slice %arg3[%add3A_697, %dma_wait3A] : memref<320000x16xf32, #tpu.memory_space<hbm>> -> memref<80x16xf32, #tpu.memory_space<hbm>>
      %dma_wait3A_830 = arith.constant 0 : i32
      %dma_wait3A_831 = tpu.memref_slice %arg3[%add3A_697, %dma_wait3A_830] : memref<320000x16xf32, #tpu.memory_space<hbm>> -> memref<80x16xf32, #tpu.memory_space<hbm>>
      tpu.wait_dma2 semaphore(%run_scoped3A : memref<!tpu.dma_semaphore, #tpu.memory_space<semaphore_mem>>) src(%dma_wait3A_831 : memref<80x16xf32, #tpu.memory_space<hbm>>) dst(%arg10 : memref<80x16xf32, #tpu.memory_space<vmem>>)
      tpu.yield
    }) : () -> ()
    %scan3A_698 = arith.constant 0 : i32
    %scan3A_699 = arith.constant 0 : i32
    %scan3A_700 = arith.constant 80 : i32
    %scan3A_701 = arith.addi %scan3A_699, %scan3A_700 : i32
    %scan3A_702 = arith.constant 1 : i32
    scf.for %scan3A_826 = %scan3A_699 to %scan3A_701 step %scan3A_702  : i32 {
      %get3A_827 = arith.index_cast %scan3A_826 : i32 to index
      %get3A_828 = arith.constant 0 : index
      %get3A_829 = tpu.vector_load %arg10[%get3A_827, %get3A_828] {strides = array<i32>} : memref<80x16xf32, #tpu.memory_space<vmem>>, vector<16xf32>,
      %swap3A_830 = arith.index_cast %scan3A_826 : i32 to index
      %swap3A_831 = arith.constant 0 : index
      %swap3A_832 = tpu.vector_load %arg11[%swap3A_830, %swap3A_831] {strides = array<i32>} : memref<80x128xf32, #tpu.memory_space<vmem>>, vector<16xf32>,
      tpu.vector_store %arg11[%swap3A_830, %swap3A_831], %get3A_829 {strides = array<i32>} : memref<80x128xf32, #tpu.memory_space<vmem>>, vector<16xf32>,
    }
    %scan3A_703 = arith.constant 80 : i32
    "tpu.region"() ({
      %run_scoped3A = tpu.sem_alloc : memref<!tpu.dma_semaphore, #tpu.memory_space<semaphore_mem>>
      %dma_start3A = arith.constant 0 : i32
      %dma_start3A_826 = arith.constant 0 : i32
      %dma_start3A_827 = tpu.memref_slice %arg13[%dma_start3A, %dma_start3A_826] : memref<5120x128xf32, #tpu.memory_space<vmem_shared>> -> memref<5120x128xf32, #tpu.memory_space<vmem_shared>>
      tpu.enqueue_indirect_dma source(%arg11 : memref<80x128xf32, #tpu.memory_space<vmem>>) target(%dma_start3A_827 : memref<5120x128xf32, #tpu.memory_space<vmem_shared>>) offsets(%arg8 : memref<80xi32, #tpu.memory_space<vmem>>) semaphore(%run_scoped3A : memref<!tpu.dma_semaphore, #tpu.memory_space<semaphore_mem>>) {add = true}
      %dma_wait3A = arith.constant 0 : i32
      %dma_wait3A_828 = arith.constant 0 : i32
      %dma_wait3A_829 = tpu.memref_slice %arg13[%dma_wait3A, %dma_wait3A_828] : memref<5120x128xf32, #tpu.memory_space<vmem_shared>> -> memref<5120x128xf32, #tpu.memory_space<vmem_shared>>
      tpu.wait_indirect_dma semaphore(%run_scoped3A : memref<!tpu.dma_semaphore, #tpu.memory_space<semaphore_mem>>) src(%arg11 : memref<80x128xf32, #tpu.memory_space<vmem>>) dst(%dma_wait3A_829 : memref<5120x128xf32, #tpu.memory_space<vmem_shared>>)
      tpu.yield
    }) : () -> ()
    %barrier3A_704 = arith.constant 0 : index
    tpu.barrier barrier_id(%barrier3A_704)
    %scan3A_705 = arith.constant 0 : i32
    %scan3A_706 = arith.constant 0 : i32
    %scan3A_707 = arith.constant 40 : i32
    %scan3A_708 = arith.addi %scan3A_706, %scan3A_707 : i32
    %scan3A_709 = arith.constant 1 : i32
    scf.for %scan3A_826 = %scan3A_706 to %scan3A_708 step %scan3A_709  : i32 {
      %mul3A_827 = arith.constant 16 : i32
      %mul3A_828 = arith.muli %scan3A_826, %mul3A_827 : i32
      %add3A_829 = arith.addi %arg1, %mul3A_828 : i32
      %mul3A_830 = arith.constant 8 : i32
      %mul3A_831 = arith.muli %add3A_829, %mul3A_830 : i32
      %add3A_832 = arith.constant 0 : i32
      %add3A_833 = arith.addi %add3A_832, %mul3A_831 : i32
      "tpu.region"() ({
        %run_scoped3A = tpu.sem_alloc : memref<!tpu.dma_semaphore, #tpu.memory_space<semaphore_mem>>
        %dma_start3A = arith.constant 0 : i32
        %dma_start3A_834 = tpu.memref_slice %arg6[%arg0, %add3A_833, %dma_start3A] : memref<2x10240x128xf32, #tpu.memory_space<hbm>> -> memref<1x8x128xf32, #tpu.memory_space<hbm>>
        %dma_start3A_835 = tpu.memref_squeeze %dma_start3A_834 : memref<1x8x128xf32, #tpu.memory_space<hbm>> -> memref<8x128xf32, #tpu.memory_space<hbm>>
        %dma_start3A_836 = arith.constant 0 : i32
        %dma_start3A_837 = tpu.memref_slice %arg13[%mul3A_831, %dma_start3A_836] : memref<5120x128xf32, #tpu.memory_space<vmem_shared>> -> memref<8x128xf32, #tpu.memory_space<vmem_shared>>
        tpu.enqueue_dma source(%dma_start3A_837 : memref<8x128xf32, #tpu.memory_space<vmem_shared>>) target(%dma_start3A_835 : memref<8x128xf32, #tpu.memory_space<hbm>>) target_semaphore(%run_scoped3A : memref<!tpu.dma_semaphore, #tpu.memory_space<semaphore_mem>>)
        %dma_wait3A = arith.constant 0 : i32
        %dma_wait3A_838 = tpu.memref_slice %arg6[%arg0, %add3A_833, %dma_wait3A] : memref<2x10240x128xf32, #tpu.memory_space<hbm>> -> memref<1x8x128xf32, #tpu.memory_space<hbm>>
        %dma_wait3A_839 = tpu.memref_squeeze %dma_wait3A_838 : memref<1x8x128xf32, #tpu.memory_space<hbm>> -> memref<8x128xf32, #tpu.memory_space<hbm>>
        %dma_wait3A_840 = arith.constant 0 : i32
        %dma_wait3A_841 = tpu.memref_slice %arg13[%mul3A_831, %dma_wait3A_840] : memref<5120x128xf32, #tpu.memory_space<vmem_shared>> -> memref<8x128xf32, #tpu.memory_space<vmem_shared>>
        tpu.wait_dma2 semaphore(%run_scoped3A : memref<!tpu.dma_semaphore, #tpu.memory_space<semaphore_mem>>) src(%dma_wait3A_841 : memref<8x128xf32, #tpu.memory_space<vmem_shared>>) dst(%dma_wait3A_839 : memref<8x128xf32, #tpu.memory_space<hbm>>)
        tpu.yield
      }) : () -> ()
    }
    %scan3A_710 = arith.constant 40 : i32
    %barrier3A_711 = arith.constant 0 : index
    tpu.barrier barrier_id(%barrier3A_711)
    %scan3A_712 = arith.constant 0 : i32
    %scan3A_713 = arith.constant 0 : i32
    %scan3A_714 = arith.constant 40 : i32
    %scan3A_715 = arith.addi %scan3A_713, %scan3A_714 : i32
    %scan3A_716 = arith.constant 1 : i32
    scf.for %scan3A_826 = %scan3A_713 to %scan3A_715 step %scan3A_716  : i32 {
      %mul3A_827 = arith.constant 16 : i32
      %mul3A_828 = arith.muli %scan3A_826, %mul3A_827 : i32
      %add3A_829 = arith.addi %arg1, %mul3A_828 : i32
      %mul3A_830 = arith.constant 8 : i32
      %mul3A_831 = arith.muli %add3A_829, %mul3A_830 : i32
      "tpu.region"() ({
        %run_scoped3A = tpu.sem_alloc : memref<!tpu.dma_semaphore, #tpu.memory_space<semaphore_mem>>
        %dma_start3A = arith.constant 0 : i32
        %dma_start3A_832 = tpu.memref_slice %arg13[%mul3A_831, %dma_start3A] : memref<5120x128xf32, #tpu.memory_space<vmem_shared>> -> memref<8x128xf32, #tpu.memory_space<vmem_shared>>
        %dma_start3A_833 = arith.constant 0 : i32
        %dma_start3A_834 = tpu.memref_slice %arg13[%mul3A_831, %dma_start3A_833] : memref<5120x128xf32, #tpu.memory_space<vmem_shared>> -> memref<8x128xf32, #tpu.memory_space<vmem_shared>>
        tpu.enqueue_dma source(%arg12 : memref<8x128xf32, #tpu.memory_space<vmem>>) target(%dma_start3A_834 : memref<8x128xf32, #tpu.memory_space<vmem_shared>>) target_semaphore(%run_scoped3A : memref<!tpu.dma_semaphore, #tpu.memory_space<semaphore_mem>>)
        %dma_wait3A = arith.constant 0 : i32
        %dma_wait3A_835 = tpu.memref_slice %arg13[%mul3A_831, %dma_wait3A] : memref<5120x128xf32, #tpu.memory_space<vmem_shared>> -> memref<8x128xf32, #tpu.memory_space<vmem_shared>>
        %dma_wait3A_836 = arith.constant 0 : i32
        %dma_wait3A_837 = tpu.memref_slice %arg13[%mul3A_831, %dma_wait3A_836] : memref<5120x128xf32, #tpu.memory_space<vmem_shared>> -> memref<8x128xf32, #tpu.memory_space<vmem_shared>>
        tpu.wait_dma2 semaphore(%run_scoped3A : memref<!tpu.dma_semaphore, #tpu.memory_space<semaphore_mem>>) src(%arg12 : memref<8x128xf32, #tpu.memory_space<vmem>>) dst(%dma_wait3A_837 : memref<8x128xf32, #tpu.memory_space<vmem_shared>>)
        tpu.yield
      }) : () -> ()
    }
    %scan3A_717 = arith.constant 40 : i32
    %barrier3A_718 = arith.constant 0 : index
    tpu.barrier barrier_id(%barrier3A_718)
    "tpu.region"() ({
      %run_scoped3A = tpu.sem_alloc : memref<!tpu.dma_semaphore, #tpu.memory_space<semaphore_mem>>
      %dma_start3A = tpu.memref_slice %arg4[%mul3A_2] : memref<320000xi32, #tpu.memory_space<hbm>> -> memref<80xi32, #tpu.memory_space<hbm>>
      %dma_start3A_826 = tpu.memref_slice %arg4[%mul3A_2] : memref<320000xi32, #tpu.memory_space<hbm>> -> memref<80xi32, #tpu.memory_space<hbm>>
      tpu.enqueue_dma source(%dma_start3A_826 : memref<80xi32, #tpu.memory_space<hbm>>) target(%arg7 : memref<80xi32, #tpu.memory_space<vmem>>) target_semaphore(%run_scoped3A : memref<!tpu.dma_semaphore, #tpu.memory_space<semaphore_mem>>)
      %dma_wait3A = tpu.memref_slice %arg4[%mul3A_2] : memref<320000xi32, #tpu.memory_space<hbm>> -> memref<80xi32, #tpu.memory_space<hbm>>
      %dma_wait3A_827 = tpu.memref_slice %arg4[%mul3A_2] : memref<320000xi32, #tpu.memory_space<hbm>> -> memref<80xi32, #tpu.memory_space<hbm>>
      tpu.wait_dma2 semaphore(%run_scoped3A : memref<!tpu.dma_semaphore, #tpu.memory_space<semaphore_mem>>) src(%dma_wait3A_827 : memref<80xi32, #tpu.memory_space<hbm>>) dst(%arg7 : memref<80xi32, #tpu.memory_space<vmem>>)
      tpu.yield
    }) : () -> ()
    %get3A_719 = arith.constant 0 : index
    %get3A_720 = tpu.vector_load %arg7[%get3A_719] {strides = array<i32>} : memref<80xi32, #tpu.memory_space<vmem>>, vector<16xi32>,
    %sub3A_721 = arith.constant 5056 : i32
    %sub3A_722 = vector.broadcast %sub3A_721 : i32 to vector<16xi32>
    %sub3A_723 = arith.subi %get3A_720, %sub3A_722 : vector<16xi32>
    %ge3A_724 = arith.constant 0 : i32
    %ge3A_725 = vector.broadcast %ge3A_724 : i32 to vector<16xi32>
    %ge3A_726 = arith.cmpi sge, %sub3A_723, %ge3A_725 : vector<16xi32>
    %lt3A_727 = arith.constant 5056 : i32
    %lt3A_728 = vector.broadcast %lt3A_727 : i32 to vector<16xi32>
    %lt3A_729 = arith.cmpi slt, %sub3A_723, %lt3A_728 : vector<16xi32>
    %and3A_730 = arith.andi %ge3A_726, %lt3A_729 : vector<16xi1>
    %jit3A_731 = arith.constant 5056 : i32
    %broadcast_in_dim3A_732 = vector.broadcast %jit3A_731 : i32 to vector<16xi32>
    %select_n3A_733 = arith.select %and3A_730, %sub3A_723, %broadcast_in_dim3A_732 : vector<16xi1>, vector<16xi32>
    %swap3A_734 = arith.constant 0 : index
    %swap3A_735 = tpu.vector_load %arg8[%swap3A_734] {strides = array<i32>} : memref<80xi32, #tpu.memory_space<vmem>>, vector<16xi32>,
    tpu.vector_store %arg8[%swap3A_734], %select_n3A_733 {strides = array<i32>} : memref<80xi32, #tpu.memory_space<vmem>>, vector<16xi32>,
    %get3A_736 = arith.constant 16 : index
    %get3A_737 = tpu.vector_load %arg7[%get3A_736] {strides = array<i32>} : memref<80xi32, #tpu.memory_space<vmem>>, vector<16xi32>,
    %sub3A_738 = arith.constant 5056 : i32
    %sub3A_739 = vector.broadcast %sub3A_738 : i32 to vector<16xi32>
    %sub3A_740 = arith.subi %get3A_737, %sub3A_739 : vector<16xi32>
    %ge3A_741 = arith.constant 0 : i32
    %ge3A_742 = vector.broadcast %ge3A_741 : i32 to vector<16xi32>
    %ge3A_743 = arith.cmpi sge, %sub3A_740, %ge3A_742 : vector<16xi32>
    %lt3A_744 = arith.constant 5056 : i32
    %lt3A_745 = vector.broadcast %lt3A_744 : i32 to vector<16xi32>
    %lt3A_746 = arith.cmpi slt, %sub3A_740, %lt3A_745 : vector<16xi32>
    %and3A_747 = arith.andi %ge3A_743, %lt3A_746 : vector<16xi1>
    %jit3A_748 = arith.constant 5056 : i32
    %broadcast_in_dim3A_749 = vector.broadcast %jit3A_748 : i32 to vector<16xi32>
    %select_n3A_750 = arith.select %and3A_747, %sub3A_740, %broadcast_in_dim3A_749 : vector<16xi1>, vector<16xi32>
    %swap3A_751 = arith.constant 16 : index
    %swap3A_752 = tpu.vector_load %arg8[%swap3A_751] {strides = array<i32>} : memref<80xi32, #tpu.memory_space<vmem>>, vector<16xi32>,
    tpu.vector_store %arg8[%swap3A_751], %select_n3A_750 {strides = array<i32>} : memref<80xi32, #tpu.memory_space<vmem>>, vector<16xi32>,
    %get3A_753 = arith.constant 32 : index
    %get3A_754 = tpu.vector_load %arg7[%get3A_753] {strides = array<i32>} : memref<80xi32, #tpu.memory_space<vmem>>, vector<16xi32>,
    %sub3A_755 = arith.constant 5056 : i32
    %sub3A_756 = vector.broadcast %sub3A_755 : i32 to vector<16xi32>
    %sub3A_757 = arith.subi %get3A_754, %sub3A_756 : vector<16xi32>
    %ge3A_758 = arith.constant 0 : i32
    %ge3A_759 = vector.broadcast %ge3A_758 : i32 to vector<16xi32>
    %ge3A_760 = arith.cmpi sge, %sub3A_757, %ge3A_759 : vector<16xi32>
    %lt3A_761 = arith.constant 5056 : i32
    %lt3A_762 = vector.broadcast %lt3A_761 : i32 to vector<16xi32>
    %lt3A_763 = arith.cmpi slt, %sub3A_757, %lt3A_762 : vector<16xi32>
    %and3A_764 = arith.andi %ge3A_760, %lt3A_763 : vector<16xi1>
    %jit3A_765 = arith.constant 5056 : i32
    %broadcast_in_dim3A_766 = vector.broadcast %jit3A_765 : i32 to vector<16xi32>
    %select_n3A_767 = arith.select %and3A_764, %sub3A_757, %broadcast_in_dim3A_766 : vector<16xi1>, vector<16xi32>
    %swap3A_768 = arith.constant 32 : index
    %swap3A_769 = tpu.vector_load %arg8[%swap3A_768] {strides = array<i32>} : memref<80xi32, #tpu.memory_space<vmem>>, vector<16xi32>,
    tpu.vector_store %arg8[%swap3A_768], %select_n3A_767 {strides = array<i32>} : memref<80xi32, #tpu.memory_space<vmem>>, vector<16xi32>,
    %get3A_770 = arith.constant 48 : index
    %get3A_771 = tpu.vector_load %arg7[%get3A_770] {strides = array<i32>} : memref<80xi32, #tpu.memory_space<vmem>>, vector<16xi32>,
    %sub3A_772 = arith.constant 5056 : i32
    %sub3A_773 = vector.broadcast %sub3A_772 : i32 to vector<16xi32>
    %sub3A_774 = arith.subi %get3A_771, %sub3A_773 : vector<16xi32>
    %ge3A_775 = arith.constant 0 : i32
    %ge3A_776 = vector.broadcast %ge3A_775 : i32 to vector<16xi32>
    %ge3A_777 = arith.cmpi sge, %sub3A_774, %ge3A_776 : vector<16xi32>
    %lt3A_778 = arith.constant 5056 : i32
    %lt3A_779 = vector.broadcast %lt3A_778 : i32 to vector<16xi32>
    %lt3A_780 = arith.cmpi slt, %sub3A_774, %lt3A_779 : vector<16xi32>
    %and3A_781 = arith.andi %ge3A_777, %lt3A_780 : vector<16xi1>
    %jit3A_782 = arith.constant 5056 : i32
    %broadcast_in_dim3A_783 = vector.broadcast %jit3A_782 : i32 to vector<16xi32>
    %select_n3A_784 = arith.select %and3A_781, %sub3A_774, %broadcast_in_dim3A_783 : vector<16xi1>, vector<16xi32>
    %swap3A_785 = arith.constant 48 : index
    %swap3A_786 = tpu.vector_load %arg8[%swap3A_785] {strides = array<i32>} : memref<80xi32, #tpu.memory_space<vmem>>, vector<16xi32>,
    tpu.vector_store %arg8[%swap3A_785], %select_n3A_784 {strides = array<i32>} : memref<80xi32, #tpu.memory_space<vmem>>, vector<16xi32>,
    %get3A_787 = arith.constant 64 : index
    %get3A_788 = tpu.vector_load %arg7[%get3A_787] {strides = array<i32>} : memref<80xi32, #tpu.memory_space<vmem>>, vector<16xi32>,
    %sub3A_789 = arith.constant 5056 : i32
    %sub3A_790 = vector.broadcast %sub3A_789 : i32 to vector<16xi32>
    %sub3A_791 = arith.subi %get3A_788, %sub3A_790 : vector<16xi32>
    %ge3A_792 = arith.constant 0 : i32
    %ge3A_793 = vector.broadcast %ge3A_792 : i32 to vector<16xi32>
    %ge3A_794 = arith.cmpi sge, %sub3A_791, %ge3A_793 : vector<16xi32>
    %lt3A_795 = arith.constant 5056 : i32
    %lt3A_796 = vector.broadcast %lt3A_795 : i32 to vector<16xi32>
    %lt3A_797 = arith.cmpi slt, %sub3A_791, %lt3A_796 : vector<16xi32>
    %and3A_798 = arith.andi %ge3A_794, %lt3A_797 : vector<16xi1>
    %jit3A_799 = arith.constant 5056 : i32
    %broadcast_in_dim3A_800 = vector.broadcast %jit3A_799 : i32 to vector<16xi32>
    %select_n3A_801 = arith.select %and3A_798, %sub3A_791, %broadcast_in_dim3A_800 : vector<16xi1>, vector<16xi32>
    %swap3A_802 = arith.constant 64 : index
    %swap3A_803 = tpu.vector_load %arg8[%swap3A_802] {strides = array<i32>} : memref<80xi32, #tpu.memory_space<vmem>>, vector<16xi32>,
    tpu.vector_store %arg8[%swap3A_802], %select_n3A_801 {strides = array<i32>} : memref<80xi32, #tpu.memory_space<vmem>>, vector<16xi32>,
    %scan3A_804 = arith.constant 0 : i32
    %scan3A_805 = arith.constant 0 : i32
    %scan3A_806 = arith.constant 124 : i32
    %scan3A_807 = arith.addi %scan3A_805, %scan3A_806 : i32
    %scan3A_808 = arith.constant 1 : i32
    scf.for %scan3A_826 = %scan3A_805 to %scan3A_807 step %scan3A_808  : i32 {
      %mul3A_827 = arith.constant 80 : i32
      %mul3A_828 = arith.muli %scan3A_826, %mul3A_827 : i32
      %add3A_829 = arith.addi %mul3A_2, %mul3A_828 : i32
      "tpu.region"() ({
        %run_scoped3A = tpu.sem_alloc : memref<!tpu.dma_semaphore, #tpu.memory_space<semaphore_mem>>
        %dma_start3A = arith.constant 0 : i32
        %dma_start3A_923 = tpu.memref_slice %arg3[%add3A_829, %dma_start3A] : memref<320000x16xf32, #tpu.memory_space<hbm>> -> memref<80x16xf32, #tpu.memory_space<hbm>>
        %dma_start3A_924 = arith.constant 0 : i32
        %dma_start3A_925 = tpu.memref_slice %arg3[%add3A_829, %dma_start3A_924] : memref<320000x16xf32, #tpu.memory_space<hbm>> -> memref<80x16xf32, #tpu.memory_space<hbm>>
        tpu.enqueue_dma source(%dma_start3A_925 : memref<80x16xf32, #tpu.memory_space<hbm>>) target(%arg10 : memref<80x16xf32, #tpu.memory_space<vmem>>) target_semaphore(%run_scoped3A : memref<!tpu.dma_semaphore, #tpu.memory_space<semaphore_mem>>)
        %dma_wait3A = arith.constant 0 : i32
        %dma_wait3A_926 = tpu.memref_slice %arg3[%add3A_829, %dma_wait3A] : memref<320000x16xf32, #tpu.memory_space<hbm>> -> memref<80x16xf32, #tpu.memory_space<hbm>>
        %dma_wait3A_927 = arith.constant 0 : i32
        %dma_wait3A_928 = tpu.memref_slice %arg3[%add3A_829, %dma_wait3A_927] : memref<320000x16xf32, #tpu.memory_space<hbm>> -> memref<80x16xf32, #tpu.memory_space<hbm>>
        tpu.wait_dma2 semaphore(%run_scoped3A : memref<!tpu.dma_semaphore, #tpu.memory_space<semaphore_mem>>) src(%dma_wait3A_928 : memref<80x16xf32, #tpu.memory_space<hbm>>) dst(%arg10 : memref<80x16xf32, #tpu.memory_space<vmem>>)
        tpu.yield
      }) : () -> ()
      %scan3A_830 = arith.constant 0 : i32
      %scan3A_831 = arith.constant 0 : i32
      %scan3A_832 = arith.constant 80 : i32
      %scan3A_833 = arith.addi %scan3A_831, %scan3A_832 : i32
      %scan3A_834 = arith.constant 1 : i32
      scf.for %scan3A_923 = %scan3A_831 to %scan3A_833 step %scan3A_834  : i32 {
        %get3A_924 = arith.index_cast %scan3A_923 : i32 to index
        %get3A_925 = arith.constant 0 : index
        %get3A_926 = tpu.vector_load %arg10[%get3A_924, %get3A_925] {strides = array<i32>} : memref<80x16xf32, #tpu.memory_space<vmem>>, vector<16xf32>,
        %swap3A_927 = arith.index_cast %scan3A_923 : i32 to index
        %swap3A_928 = arith.constant 0 : index
        %swap3A_929 = tpu.vector_load %arg11[%swap3A_927, %swap3A_928] {strides = array<i32>} : memref<80x128xf32, #tpu.memory_space<vmem>>, vector<16xf32>,
        tpu.vector_store %arg11[%swap3A_927, %swap3A_928], %get3A_926 {strides = array<i32>} : memref<80x128xf32, #tpu.memory_space<vmem>>, vector<16xf32>,
      }
      %scan3A_835 = arith.constant 80 : i32
      "tpu.region"() ({
        %run_scoped3A = tpu.sem_alloc : memref<!tpu.dma_semaphore, #tpu.memory_space<semaphore_mem>>
        %dma_start3A = arith.constant 0 : i32
        %dma_start3A_923 = arith.constant 0 : i32
        %dma_start3A_924 = tpu.memref_slice %arg13[%dma_start3A, %dma_start3A_923] : memref<5120x128xf32, #tpu.memory_space<vmem_shared>> -> memref<5120x128xf32, #tpu.memory_space<vmem_shared>>
        tpu.enqueue_indirect_dma source(%arg11 : memref<80x128xf32, #tpu.memory_space<vmem>>) target(%dma_start3A_924 : memref<5120x128xf32, #tpu.memory_space<vmem_shared>>) offsets(%arg8 : memref<80xi32, #tpu.memory_space<vmem>>) semaphore(%run_scoped3A : memref<!tpu.dma_semaphore, #tpu.memory_space<semaphore_mem>>) {add = true}
        %dma_wait3A = arith.constant 0 : i32
        %dma_wait3A_925 = arith.constant 0 : i32
        %dma_wait3A_926 = tpu.memref_slice %arg13[%dma_wait3A, %dma_wait3A_925] : memref<5120x128xf32, #tpu.memory_space<vmem_shared>> -> memref<5120x128xf32, #tpu.memory_space<vmem_shared>>
        tpu.wait_indirect_dma semaphore(%run_scoped3A : memref<!tpu.dma_semaphore, #tpu.memory_space<semaphore_mem>>) src(%arg11 : memref<80x128xf32, #tpu.memory_space<vmem>>) dst(%dma_wait3A_926 : memref<5120x128xf32, #tpu.memory_space<vmem_shared>>)
        tpu.yield
      }) : () -> ()
      %add3A_836 = arith.constant 80 : i32
      %add3A_837 = arith.addi %add3A_829, %add3A_836 : i32
      "tpu.region"() ({
        %run_scoped3A = tpu.sem_alloc : memref<!tpu.dma_semaphore, #tpu.memory_space<semaphore_mem>>
        %dma_start3A = tpu.memref_slice %arg4[%add3A_837] : memref<320000xi32, #tpu.memory_space<hbm>> -> memref<80xi32, #tpu.memory_space<hbm>>
        %dma_start3A_923 = tpu.memref_slice %arg4[%add3A_837] : memref<320000xi32, #tpu.memory_space<hbm>> -> memref<80xi32, #tpu.memory_space<hbm>>
        tpu.enqueue_dma source(%dma_start3A_923 : memref<80xi32, #tpu.memory_space<hbm>>) target(%arg7 : memref<80xi32, #tpu.memory_space<vmem>>) target_semaphore(%run_scoped3A : memref<!tpu.dma_semaphore, #tpu.memory_space<semaphore_mem>>)
        %dma_wait3A = tpu.memref_slice %arg4[%add3A_837] : memref<320000xi32, #tpu.memory_space<hbm>> -> memref<80xi32, #tpu.memory_space<hbm>>
        %dma_wait3A_924 = tpu.memref_slice %arg4[%add3A_837] : memref<320000xi32, #tpu.memory_space<hbm>> -> memref<80xi32, #tpu.memory_space<hbm>>
        tpu.wait_dma2 semaphore(%run_scoped3A : memref<!tpu.dma_semaphore, #tpu.memory_space<semaphore_mem>>) src(%dma_wait3A_924 : memref<80xi32, #tpu.memory_space<hbm>>) dst(%arg7 : memref<80xi32, #tpu.memory_space<vmem>>)
        tpu.yield
      }) : () -> ()
      %get3A_838 = arith.constant 0 : index
      %get3A_839 = tpu.vector_load %arg7[%get3A_838] {strides = array<i32>} : memref<80xi32, #tpu.memory_space<vmem>>, vector<16xi32>,
      %sub3A_840 = arith.constant 5056 : i32
      %sub3A_841 = vector.broadcast %sub3A_840 : i32 to vector<16xi32>
      %sub3A_842 = arith.subi %get3A_839, %sub3A_841 : vector<16xi32>
      %ge3A_843 = arith.constant 0 : i32
      %ge3A_844 = vector.broadcast %ge3A_843 : i32 to vector<16xi32>
      %ge3A_845 = arith.cmpi sge, %sub3A_842, %ge3A_844 : vector<16xi32>
      %lt3A_846 = arith.constant 5056 : i32
      %lt3A_847 = vector.broadcast %lt3A_846 : i32 to vector<16xi32>
      %lt3A_848 = arith.cmpi slt, %sub3A_842, %lt3A_847 : vector<16xi32>
      %and3A_849 = arith.andi %ge3A_845, %lt3A_848 : vector<16xi1>
      %jit3A_850 = arith.constant 5056 : i32
      %broadcast_in_dim3A_851 = vector.broadcast %jit3A_850 : i32 to vector<16xi32>
      %select_n3A_852 = arith.select %and3A_849, %sub3A_842, %broadcast_in_dim3A_851 : vector<16xi1>, vector<16xi32>
      %swap3A_853 = arith.constant 0 : index
      %swap3A_854 = tpu.vector_load %arg8[%swap3A_853] {strides = array<i32>} : memref<80xi32, #tpu.memory_space<vmem>>, vector<16xi32>,
      tpu.vector_store %arg8[%swap3A_853], %select_n3A_852 {strides = array<i32>} : memref<80xi32, #tpu.memory_space<vmem>>, vector<16xi32>,
      %get3A_855 = arith.constant 16 : index
      %get3A_856 = tpu.vector_load %arg7[%get3A_855] {strides = array<i32>} : memref<80xi32, #tpu.memory_space<vmem>>, vector<16xi32>,
      %sub3A_857 = arith.constant 5056 : i32
      %sub3A_858 = vector.broadcast %sub3A_857 : i32 to vector<16xi32>
      %sub3A_859 = arith.subi %get3A_856, %sub3A_858 : vector<16xi32>
      %ge3A_860 = arith.constant 0 : i32
      %ge3A_861 = vector.broadcast %ge3A_860 : i32 to vector<16xi32>
      %ge3A_862 = arith.cmpi sge, %sub3A_859, %ge3A_861 : vector<16xi32>
      %lt3A_863 = arith.constant 5056 : i32
      %lt3A_864 = vector.broadcast %lt3A_863 : i32 to vector<16xi32>
      %lt3A_865 = arith.cmpi slt, %sub3A_859, %lt3A_864 : vector<16xi32>
      %and3A_866 = arith.andi %ge3A_862, %lt3A_865 : vector<16xi1>
      %jit3A_867 = arith.constant 5056 : i32
      %broadcast_in_dim3A_868 = vector.broadcast %jit3A_867 : i32 to vector<16xi32>
      %select_n3A_869 = arith.select %and3A_866, %sub3A_859, %broadcast_in_dim3A_868 : vector<16xi1>, vector<16xi32>
      %swap3A_870 = arith.constant 16 : index
      %swap3A_871 = tpu.vector_load %arg8[%swap3A_870] {strides = array<i32>} : memref<80xi32, #tpu.memory_space<vmem>>, vector<16xi32>,
      tpu.vector_store %arg8[%swap3A_870], %select_n3A_869 {strides = array<i32>} : memref<80xi32, #tpu.memory_space<vmem>>, vector<16xi32>,
      %get3A_872 = arith.constant 32 : index
      %get3A_873 = tpu.vector_load %arg7[%get3A_872] {strides = array<i32>} : memref<80xi32, #tpu.memory_space<vmem>>, vector<16xi32>,
      %sub3A_874 = arith.constant 5056 : i32
      %sub3A_875 = vector.broadcast %sub3A_874 : i32 to vector<16xi32>
      %sub3A_876 = arith.subi %get3A_873, %sub3A_875 : vector<16xi32>
      %ge3A_877 = arith.constant 0 : i32
      %ge3A_878 = vector.broadcast %ge3A_877 : i32 to vector<16xi32>
      %ge3A_879 = arith.cmpi sge, %sub3A_876, %ge3A_878 : vector<16xi32>
      %lt3A_880 = arith.constant 5056 : i32
      %lt3A_881 = vector.broadcast %lt3A_880 : i32 to vector<16xi32>
      %lt3A_882 = arith.cmpi slt, %sub3A_876, %lt3A_881 : vector<16xi32>
      %and3A_883 = arith.andi %ge3A_879, %lt3A_882 : vector<16xi1>
      %jit3A_884 = arith.constant 5056 : i32
      %broadcast_in_dim3A_885 = vector.broadcast %jit3A_884 : i32 to vector<16xi32>
      %select_n3A_886 = arith.select %and3A_883, %sub3A_876, %broadcast_in_dim3A_885 : vector<16xi1>, vector<16xi32>
      %swap3A_887 = arith.constant 32 : index
      %swap3A_888 = tpu.vector_load %arg8[%swap3A_887] {strides = array<i32>} : memref<80xi32, #tpu.memory_space<vmem>>, vector<16xi32>,
      tpu.vector_store %arg8[%swap3A_887], %select_n3A_886 {strides = array<i32>} : memref<80xi32, #tpu.memory_space<vmem>>, vector<16xi32>,
      %get3A_889 = arith.constant 48 : index
      %get3A_890 = tpu.vector_load %arg7[%get3A_889] {strides = array<i32>} : memref<80xi32, #tpu.memory_space<vmem>>, vector<16xi32>,
      %sub3A_891 = arith.constant 5056 : i32
      %sub3A_892 = vector.broadcast %sub3A_891 : i32 to vector<16xi32>
      %sub3A_893 = arith.subi %get3A_890, %sub3A_892 : vector<16xi32>
      %ge3A_894 = arith.constant 0 : i32
      %ge3A_895 = vector.broadcast %ge3A_894 : i32 to vector<16xi32>
      %ge3A_896 = arith.cmpi sge, %sub3A_893, %ge3A_895 : vector<16xi32>
      %lt3A_897 = arith.constant 5056 : i32
      %lt3A_898 = vector.broadcast %lt3A_897 : i32 to vector<16xi32>
      %lt3A_899 = arith.cmpi slt, %sub3A_893, %lt3A_898 : vector<16xi32>
      %and3A_900 = arith.andi %ge3A_896, %lt3A_899 : vector<16xi1>
      %jit3A_901 = arith.constant 5056 : i32
      %broadcast_in_dim3A_902 = vector.broadcast %jit3A_901 : i32 to vector<16xi32>
      %select_n3A_903 = arith.select %and3A_900, %sub3A_893, %broadcast_in_dim3A_902 : vector<16xi1>, vector<16xi32>
      %swap3A_904 = arith.constant 48 : index
      %swap3A_905 = tpu.vector_load %arg8[%swap3A_904] {strides = array<i32>} : memref<80xi32, #tpu.memory_space<vmem>>, vector<16xi32>,
      tpu.vector_store %arg8[%swap3A_904], %select_n3A_903 {strides = array<i32>} : memref<80xi32, #tpu.memory_space<vmem>>, vector<16xi32>,
      %get3A_906 = arith.constant 64 : index
      %get3A_907 = tpu.vector_load %arg7[%get3A_906] {strides = array<i32>} : memref<80xi32, #tpu.memory_space<vmem>>, vector<16xi32>,
      %sub3A_908 = arith.constant 5056 : i32
      %sub3A_909 = vector.broadcast %sub3A_908 : i32 to vector<16xi32>
      %sub3A_910 = arith.subi %get3A_907, %sub3A_909 : vector<16xi32>
      %ge3A_911 = arith.constant 0 : i32
      %ge3A_912 = vector.broadcast %ge3A_911 : i32 to vector<16xi32>
      %ge3A_913 = arith.cmpi sge, %sub3A_910, %ge3A_912 : vector<16xi32>
      %lt3A_914 = arith.constant 5056 : i32
      %lt3A_915 = vector.broadcast %lt3A_914 : i32 to vector<16xi32>
      %lt3A_916 = arith.cmpi slt, %sub3A_910, %lt3A_915 : vector<16xi32>
      %and3A_917 = arith.andi %ge3A_913, %lt3A_916 : vector<16xi1>
      %jit3A_918 = arith.constant 5056 : i32
      %broadcast_in_dim3A_919 = vector.broadcast %jit3A_918 : i32 to vector<16xi32>
      %select_n3A_920 = arith.select %and3A_917, %sub3A_910, %broadcast_in_dim3A_919 : vector<16xi1>, vector<16xi32>
      %swap3A_921 = arith.constant 64 : index
      %swap3A_922 = tpu.vector_load %arg8[%swap3A_921] {strides = array<i32>} : memref<80xi32, #tpu.memory_space<vmem>>, vector<16xi32>,
      tpu.vector_store %arg8[%swap3A_921], %select_n3A_920 {strides = array<i32>} : memref<80xi32, #tpu.memory_space<vmem>>, vector<16xi32>,
    }
    %scan3A_809 = arith.constant 124 : i32
    %add3A_810 = arith.constant 9920 : i32
    %add3A_811 = arith.addi %mul3A_2, %add3A_810 : i32
    "tpu.region"() ({
      %run_scoped3A = tpu.sem_alloc : memref<!tpu.dma_semaphore, #tpu.memory_space<semaphore_mem>>
      %dma_start3A = arith.constant 0 : i32
      %dma_start3A_826 = tpu.memref_slice %arg3[%add3A_811, %dma_start3A] : memref<320000x16xf32, #tpu.memory_space<hbm>> -> memref<80x16xf32, #tpu.memory_space<hbm>>
      %dma_start3A_827 = arith.constant 0 : i32
      %dma_start3A_828 = tpu.memref_slice %arg3[%add3A_811, %dma_start3A_827] : memref<320000x16xf32, #tpu.memory_space<hbm>> -> memref<80x16xf32, #tpu.memory_space<hbm>>
      tpu.enqueue_dma source(%dma_start3A_828 : memref<80x16xf32, #tpu.memory_space<hbm>>) target(%arg10 : memref<80x16xf32, #tpu.memory_space<vmem>>) target_semaphore(%run_scoped3A : memref<!tpu.dma_semaphore, #tpu.memory_space<semaphore_mem>>)
      %dma_wait3A = arith.constant 0 : i32
      %dma_wait3A_829 = tpu.memref_slice %arg3[%add3A_811, %dma_wait3A] : memref<320000x16xf32, #tpu.memory_space<hbm>> -> memref<80x16xf32, #tpu.memory_space<hbm>>
      %dma_wait3A_830 = arith.constant 0 : i32
      %dma_wait3A_831 = tpu.memref_slice %arg3[%add3A_811, %dma_wait3A_830] : memref<320000x16xf32, #tpu.memory_space<hbm>> -> memref<80x16xf32, #tpu.memory_space<hbm>>
      tpu.wait_dma2 semaphore(%run_scoped3A : memref<!tpu.dma_semaphore, #tpu.memory_space<semaphore_mem>>) src(%dma_wait3A_831 : memref<80x16xf32, #tpu.memory_space<hbm>>) dst(%arg10 : memref<80x16xf32, #tpu.memory_space<vmem>>)
      tpu.yield
    }) : () -> ()
    %scan3A_812 = arith.constant 0 : i32
    %scan3A_813 = arith.constant 0 : i32
    %scan3A_814 = arith.constant 80 : i32
    %scan3A_815 = arith.addi %scan3A_813, %scan3A_814 : i32
    %scan3A_816 = arith.constant 1 : i32
    scf.for %scan3A_826 = %scan3A_813 to %scan3A_815 step %scan3A_816  : i32 {
      %get3A_827 = arith.index_cast %scan3A_826 : i32 to index
      %get3A_828 = arith.constant 0 : index
      %get3A_829 = tpu.vector_load %arg10[%get3A_827, %get3A_828] {strides = array<i32>} : memref<80x16xf32, #tpu.memory_space<vmem>>, vector<16xf32>,
      %swap3A_830 = arith.index_cast %scan3A_826 : i32 to index
      %swap3A_831 = arith.constant 0 : index
      %swap3A_832 = tpu.vector_load %arg11[%swap3A_830, %swap3A_831] {strides = array<i32>} : memref<80x128xf32, #tpu.memory_space<vmem>>, vector<16xf32>,
      tpu.vector_store %arg11[%swap3A_830, %swap3A_831], %get3A_829 {strides = array<i32>} : memref<80x128xf32, #tpu.memory_space<vmem>>, vector<16xf32>,
    }
    %scan3A_817 = arith.constant 80 : i32
    "tpu.region"() ({
      %run_scoped3A = tpu.sem_alloc : memref<!tpu.dma_semaphore, #tpu.memory_space<semaphore_mem>>
      %dma_start3A = arith.constant 0 : i32
      %dma_start3A_826 = arith.constant 0 : i32
      %dma_start3A_827 = tpu.memref_slice %arg13[%dma_start3A, %dma_start3A_826] : memref<5120x128xf32, #tpu.memory_space<vmem_shared>> -> memref<5120x128xf32, #tpu.memory_space<vmem_shared>>
      tpu.enqueue_indirect_dma source(%arg11 : memref<80x128xf32, #tpu.memory_space<vmem>>) target(%dma_start3A_827 : memref<5120x128xf32, #tpu.memory_space<vmem_shared>>) offsets(%arg8 : memref<80xi32, #tpu.memory_space<vmem>>) semaphore(%run_scoped3A : memref<!tpu.dma_semaphore, #tpu.memory_space<semaphore_mem>>) {add = true}
      %dma_wait3A = arith.constant 0 : i32
      %dma_wait3A_828 = arith.constant 0 : i32
      %dma_wait3A_829 = tpu.memref_slice %arg13[%dma_wait3A, %dma_wait3A_828] : memref<5120x128xf32, #tpu.memory_space<vmem_shared>> -> memref<5120x128xf32, #tpu.memory_space<vmem_shared>>
      tpu.wait_indirect_dma semaphore(%run_scoped3A : memref<!tpu.dma_semaphore, #tpu.memory_space<semaphore_mem>>) src(%arg11 : memref<80x128xf32, #tpu.memory_space<vmem>>) dst(%dma_wait3A_829 : memref<5120x128xf32, #tpu.memory_space<vmem_shared>>)
      tpu.yield
    }) : () -> ()
    %barrier3A_818 = arith.constant 0 : index
    tpu.barrier barrier_id(%barrier3A_818)
    %scan3A_819 = arith.constant 0 : i32
    %scan3A_820 = arith.constant 0 : i32
    %scan3A_821 = arith.constant 40 : i32
    %scan3A_822 = arith.addi %scan3A_820, %scan3A_821 : i32
    %scan3A_823 = arith.constant 1 : i32
    scf.for %scan3A_826 = %scan3A_820 to %scan3A_822 step %scan3A_823  : i32 {
      %mul3A_827 = arith.constant 16 : i32
      %mul3A_828 = arith.muli %scan3A_826, %mul3A_827 : i32
      %add3A_829 = arith.addi %arg1, %mul3A_828 : i32
      %mul3A_830 = arith.constant 8 : i32
      %mul3A_831 = arith.muli %add3A_829, %mul3A_830 : i32
      %add3A_832 = arith.constant 5120 : i32
      %add3A_833 = arith.addi %add3A_832, %mul3A_831 : i32
      "tpu.region"() ({
        %run_scoped3A = tpu.sem_alloc : memref<!tpu.dma_semaphore, #tpu.memory_space<semaphore_mem>>
        %dma_start3A = arith.constant 0 : i32
        %dma_start3A_834 = tpu.memref_slice %arg6[%arg0, %add3A_833, %dma_start3A] : memref<2x10240x128xf32, #tpu.memory_space<hbm>> -> memref<1x8x128xf32, #tpu.memory_space<hbm>>
        %dma_start3A_835 = tpu.memref_squeeze %dma_start3A_834 : memref<1x8x128xf32, #tpu.memory_space<hbm>> -> memref<8x128xf32, #tpu.memory_space<hbm>>
        %dma_start3A_836 = arith.constant 0 : i32
        %dma_start3A_837 = tpu.memref_slice %arg13[%mul3A_831, %dma_start3A_836] : memref<5120x128xf32, #tpu.memory_space<vmem_shared>> -> memref<8x128xf32, #tpu.memory_space<vmem_shared>>
        tpu.enqueue_dma source(%dma_start3A_837 : memref<8x128xf32, #tpu.memory_space<vmem_shared>>) target(%dma_start3A_835 : memref<8x128xf32, #tpu.memory_space<hbm>>) target_semaphore(%run_scoped3A : memref<!tpu.dma_semaphore, #tpu.memory_space<semaphore_mem>>)
        %dma_wait3A = arith.constant 0 : i32
        %dma_wait3A_838 = tpu.memref_slice %arg6[%arg0, %add3A_833, %dma_wait3A] : memref<2x10240x128xf32, #tpu.memory_space<hbm>> -> memref<1x8x128xf32, #tpu.memory_space<hbm>>
        %dma_wait3A_839 = tpu.memref_squeeze %dma_wait3A_838 : memref<1x8x128xf32, #tpu.memory_space<hbm>> -> memref<8x128xf32, #tpu.memory_space<hbm>>
        %dma_wait3A_840 = arith.constant 0 : i32
        %dma_wait3A_841 = tpu.memref_slice %arg13[%mul3A_831, %dma_wait3A_840] : memref<5120x128xf32, #tpu.memory_space<vmem_shared>> -> memref<8x128xf32, #tpu.memory_space<vmem_shared>>
        tpu.wait_dma2 semaphore(%run_scoped3A : memref<!tpu.dma_semaphore, #tpu.memory_space<semaphore_mem>>) src(%dma_wait3A_841 : memref<8x128xf32, #tpu.memory_space<vmem_shared>>) dst(%dma_wait3A_839 : memref<8x128xf32, #tpu.memory_space<hbm>>)
        tpu.yield
      }) : () -> ()
    }
    %scan3A_824 = arith.constant 40 : i32
    %barrier3A_825 = arith.constant 0 : index
    tpu.barrier barrier_id(%barrier3A_825)
    return
  }
}

#map = affine_map<(d0, d1) -> (0, 0)>
#map1 = affine_map<(d0, d1) -> (0)>
module attributes {stable_mosaic.version = 14 : i64} {
  func.func @k(%arg0: i32, %arg1: i32, %arg2: memref<10000x128xf32, #tpu.memory_space<hbm>>, %arg3: memref<10000x128xf32, #tpu.memory_space<hbm>>, %arg4: memref<10000xf32, #tpu.memory_space<hbm>>, %arg5: memref<10000xf32, #tpu.memory_space<hbm>>, %arg6: memref<10000xf32, #tpu.memory_space<hbm>>, %arg7: memref<320000xi32, #tpu.memory_space<hbm>>, %arg8: memref<320000xi32, #tpu.memory_space<hbm>>, %arg9: memref<320000x128xf32, #tpu.memory_space<hbm>>, %arg10: memref<320000x16xf32, #tpu.memory_space<hbm>>, %arg11: memref<80xi32, #tpu.memory_space<vmem>>, %arg12: memref<80xi32, #tpu.memory_space<vmem>>, %arg13: memref<10000xf32, #tpu.memory_space<vmem>>, %arg14: memref<10000xf32, #tpu.memory_space<vmem>>, %arg15: memref<10000xf32, #tpu.memory_space<vmem>>, %arg16: memref<80x128xf32, #tpu.memory_space<vmem>>, %arg17: memref<80x128xf32, #tpu.memory_space<vmem>>, %arg18: memref<80x16xf32, #tpu.memory_space<vmem>>, %arg19: memref<!tpu.dma_semaphore, #tpu.memory_space<semaphore_mem>>, %arg20: memref<!tpu.dma_semaphore, #tpu.memory_space<semaphore_mem>>) attributes {dimension_semantics = [#tpu.dimension_semantics<core_parallel>, #tpu.dimension_semantics<subcore_parallel>], iteration_bounds = array<i64: 2, 16>, scalar_prefetch = 0 : i64, scratch_operands = 10 : i64, tpu.core_type = #tpu.core_type<sc_vector_subcore>, window_params = [{transform_indices = #map}, {transform_indices = #map}, {transform_indices = #map1}, {transform_indices = #map1}, {transform_indices = #map1}, {transform_indices = #map1}, {transform_indices = #map1}, {transform_indices = #map}, {transform_indices = #map}]} {
    %mul3A = arith.constant 2 : i32
    %mul3A_0 = arith.muli %arg1, %mul3A : i32
    %add3A = arith.addi %mul3A_0, %arg0 : i32
    %mul3A_1 = arith.constant 10000 : i32
    %mul3A_2 = arith.muli %add3A, %mul3A_1 : i32
    "tpu.region"() ({
      %run_scoped3A = tpu.sem_alloc : memref<!tpu.dma_semaphore, #tpu.memory_space<semaphore_mem>>
      tpu.enqueue_dma source(%arg4 : memref<10000xf32, #tpu.memory_space<hbm>>) target(%arg13 : memref<10000xf32, #tpu.memory_space<vmem>>) target_semaphore(%run_scoped3A : memref<!tpu.dma_semaphore, #tpu.memory_space<semaphore_mem>>)
      tpu.wait_dma2 semaphore(%run_scoped3A : memref<!tpu.dma_semaphore, #tpu.memory_space<semaphore_mem>>) src(%arg4 : memref<10000xf32, #tpu.memory_space<hbm>>) dst(%arg13 : memref<10000xf32, #tpu.memory_space<vmem>>)
      tpu.yield
    }) : () -> ()
    "tpu.region"() ({
      %run_scoped3A = tpu.sem_alloc : memref<!tpu.dma_semaphore, #tpu.memory_space<semaphore_mem>>
      tpu.enqueue_dma source(%arg5 : memref<10000xf32, #tpu.memory_space<hbm>>) target(%arg14 : memref<10000xf32, #tpu.memory_space<vmem>>) target_semaphore(%run_scoped3A : memref<!tpu.dma_semaphore, #tpu.memory_space<semaphore_mem>>)
      tpu.wait_dma2 semaphore(%run_scoped3A : memref<!tpu.dma_semaphore, #tpu.memory_space<semaphore_mem>>) src(%arg5 : memref<10000xf32, #tpu.memory_space<hbm>>) dst(%arg14 : memref<10000xf32, #tpu.memory_space<vmem>>)
      tpu.yield
    }) : () -> ()
    "tpu.region"() ({
      %run_scoped3A = tpu.sem_alloc : memref<!tpu.dma_semaphore, #tpu.memory_space<semaphore_mem>>
      tpu.enqueue_dma source(%arg6 : memref<10000xf32, #tpu.memory_space<hbm>>) target(%arg15 : memref<10000xf32, #tpu.memory_space<vmem>>) target_semaphore(%run_scoped3A : memref<!tpu.dma_semaphore, #tpu.memory_space<semaphore_mem>>)
      tpu.wait_dma2 semaphore(%run_scoped3A : memref<!tpu.dma_semaphore, #tpu.memory_space<semaphore_mem>>) src(%arg6 : memref<10000xf32, #tpu.memory_space<hbm>>) dst(%arg15 : memref<10000xf32, #tpu.memory_space<vmem>>)
      tpu.yield
    }) : () -> ()
    %scan3A = arith.constant 0 : i32
    %scan3A_3 = arith.constant 0 : i32
    %scan3A_4 = arith.constant 80 : i32
    %scan3A_5 = arith.addi %scan3A_3, %scan3A_4 : i32
    %scan3A_6 = arith.constant 1 : i32
    scf.for %scan3A_15 = %scan3A_3 to %scan3A_5 step %scan3A_6  : i32 {
      %broadcast_in_dim3A_16 = arith.constant 0.000000e+00 : f32
      %broadcast_in_dim3A_17 = vector.broadcast %broadcast_in_dim3A_16 : f32 to vector<16xf32>
      %swap3A = arith.index_cast %scan3A_15 : i32 to index
      %swap3A_18 = arith.constant 0 : index
      %swap3A_19 = tpu.vector_load %arg18[%swap3A, %swap3A_18] {strides = array<i32>} : memref<80x16xf32, #tpu.memory_space<vmem>>, vector<16xf32>,
      tpu.vector_store %arg18[%swap3A, %swap3A_18], %broadcast_in_dim3A_17 {strides = array<i32>} : memref<80x16xf32, #tpu.memory_space<vmem>>, vector<16xf32>,
    }
    %scan3A_7 = arith.constant 80 : i32
    %iota3A = tpu.iota {dimensions = array<i32: 0>} : vector<16xi32>
    %broadcast_in_dim3A = arith.constant 0 : i32
    %broadcast_in_dim3A_8 = vector.broadcast %broadcast_in_dim3A : i32 to vector<16xi32>
    %scan3A_9 = arith.constant 0 : i32
    %scan3A_10 = arith.constant 0 : i32
    %scan3A_11 = arith.constant 125 : i32
    %scan3A_12 = arith.addi %scan3A_10, %scan3A_11 : i32
    %scan3A_13 = arith.constant 1 : i32
    scf.for %scan3A_15 = %scan3A_10 to %scan3A_12 step %scan3A_13  : i32 {
      %mul3A_16 = arith.constant 80 : i32
      %mul3A_17 = arith.muli %scan3A_15, %mul3A_16 : i32
      %add3A_18 = arith.addi %mul3A_2, %mul3A_17 : i32
      "tpu.region"() ({
        %run_scoped3A = tpu.sem_alloc : memref<!tpu.dma_semaphore, #tpu.memory_space<semaphore_mem>>
        %dma_start3A_142 = tpu.memref_slice %arg7[%add3A_18] : memref<320000xi32, #tpu.memory_space<hbm>> -> memref<80xi32, #tpu.memory_space<hbm>>
        %dma_start3A_143 = tpu.memref_slice %arg7[%add3A_18] : memref<320000xi32, #tpu.memory_space<hbm>> -> memref<80xi32, #tpu.memory_space<hbm>>
        tpu.enqueue_dma source(%dma_start3A_143 : memref<80xi32, #tpu.memory_space<hbm>>) target(%arg11 : memref<80xi32, #tpu.memory_space<vmem>>) target_semaphore(%run_scoped3A : memref<!tpu.dma_semaphore, #tpu.memory_space<semaphore_mem>>)
        %dma_wait3A_144 = tpu.memref_slice %arg7[%add3A_18] : memref<320000xi32, #tpu.memory_space<hbm>> -> memref<80xi32, #tpu.memory_space<hbm>>
        %dma_wait3A_145 = tpu.memref_slice %arg7[%add3A_18] : memref<320000xi32, #tpu.memory_space<hbm>> -> memref<80xi32, #tpu.memory_space<hbm>>
        tpu.wait_dma2 semaphore(%run_scoped3A : memref<!tpu.dma_semaphore, #tpu.memory_space<semaphore_mem>>) src(%dma_wait3A_145 : memref<80xi32, #tpu.memory_space<hbm>>) dst(%arg11 : memref<80xi32, #tpu.memory_space<vmem>>)
        tpu.yield
      }) : () -> ()
      "tpu.region"() ({
        %run_scoped3A = tpu.sem_alloc : memref<!tpu.dma_semaphore, #tpu.memory_space<semaphore_mem>>
        %dma_start3A_142 = tpu.memref_slice %arg8[%add3A_18] : memref<320000xi32, #tpu.memory_space<hbm>> -> memref<80xi32, #tpu.memory_space<hbm>>
        %dma_start3A_143 = tpu.memref_slice %arg8[%add3A_18] : memref<320000xi32, #tpu.memory_space<hbm>> -> memref<80xi32, #tpu.memory_space<hbm>>
        tpu.enqueue_dma source(%dma_start3A_143 : memref<80xi32, #tpu.memory_space<hbm>>) target(%arg12 : memref<80xi32, #tpu.memory_space<vmem>>) target_semaphore(%run_scoped3A : memref<!tpu.dma_semaphore, #tpu.memory_space<semaphore_mem>>)
        %dma_wait3A_144 = tpu.memref_slice %arg8[%add3A_18] : memref<320000xi32, #tpu.memory_space<hbm>> -> memref<80xi32, #tpu.memory_space<hbm>>
        %dma_wait3A_145 = tpu.memref_slice %arg8[%add3A_18] : memref<320000xi32, #tpu.memory_space<hbm>> -> memref<80xi32, #tpu.memory_space<hbm>>
        tpu.wait_dma2 semaphore(%run_scoped3A : memref<!tpu.dma_semaphore, #tpu.memory_space<semaphore_mem>>) src(%dma_wait3A_145 : memref<80xi32, #tpu.memory_space<hbm>>) dst(%arg12 : memref<80xi32, #tpu.memory_space<vmem>>)
        tpu.yield
      }) : () -> ()
      %dma_start3A = arith.constant 0 : i32
      %dma_start3A_19 = arith.constant 0 : i32
      %dma_start3A_20 = tpu.memref_slice %arg2[%dma_start3A, %dma_start3A_19] : memref<10000x128xf32, #tpu.memory_space<hbm>> -> memref<10000x128xf32, #tpu.memory_space<hbm>>
      tpu.enqueue_indirect_dma source(%dma_start3A_20 : memref<10000x128xf32, #tpu.memory_space<hbm>>) target(%arg16 : memref<80x128xf32, #tpu.memory_space<vmem>>) offsets(%arg11 : memref<80xi32, #tpu.memory_space<vmem>>) semaphore(%arg19 : memref<!tpu.dma_semaphore, #tpu.memory_space<semaphore_mem>>)
      %dma_start3A_21 = arith.constant 0 : i32
      %dma_start3A_22 = arith.constant 0 : i32
      %dma_start3A_23 = tpu.memref_slice %arg3[%dma_start3A_21, %dma_start3A_22] : memref<10000x128xf32, #tpu.memory_space<hbm>> -> memref<10000x128xf32, #tpu.memory_space<hbm>>
      tpu.enqueue_indirect_dma source(%dma_start3A_23 : memref<10000x128xf32, #tpu.memory_space<hbm>>) target(%arg17 : memref<80x128xf32, #tpu.memory_space<vmem>>) offsets(%arg12 : memref<80xi32, #tpu.memory_space<vmem>>) semaphore(%arg20 : memref<!tpu.dma_semaphore, #tpu.memory_space<semaphore_mem>>)
      %get3A = arith.constant 0 : index
      %get3A_24 = tpu.vector_load %arg11[%get3A] {strides = array<i32>} : memref<80xi32, #tpu.memory_space<vmem>>, vector<16xi32>,
      %get3A_25 = arith.constant 0 : index
      %get3A_26 = tpu.vector_load %arg12[%get3A_25] {strides = array<i32>} : memref<80xi32, #tpu.memory_space<vmem>>, vector<16xi32>,
      %add3A_27 = arith.constant 0 : i32
      %add3A_28 = vector.broadcast %add3A_27 : i32 to vector<16xi32>
      %add3A_29 = arith.addi %add3A_28, %iota3A : vector<16xi32>
      %gather3A = tpu.vector_load_idx %arg13[%get3A_24] : memref<10000xf32, #tpu.memory_space<vmem>>[vector<16xi32>], vector<16xf32>,
      %gather3A_30 = tpu.vector_load_idx %arg13[%get3A_26] : memref<10000xf32, #tpu.memory_space<vmem>>[vector<16xi32>], vector<16xf32>,
      %sub3A = arith.subf %gather3A, %gather3A_30 : vector<16xf32>
      tpu.vector_store_idx %arg18[%add3A_29, %broadcast_in_dim3A_8], %sub3A : memref<80x16xf32, #tpu.memory_space<vmem>>[vector<16xi32>, vector<16xi32>], vector<16xf32>,
      %gather3A_31 = tpu.vector_load_idx %arg14[%get3A_24] : memref<10000xf32, #tpu.memory_space<vmem>>[vector<16xi32>], vector<16xf32>,
      %gather3A_32 = tpu.vector_load_idx %arg14[%get3A_26] : memref<10000xf32, #tpu.memory_space<vmem>>[vector<16xi32>], vector<16xf32>,
      %sub3A_33 = arith.subf %gather3A_31, %gather3A_32 : vector<16xf32>
      %add3A_34 = arith.constant 1 : i32
      %add3A_35 = vector.broadcast %add3A_34 : i32 to vector<16xi32>
      %add3A_36 = arith.addi %broadcast_in_dim3A_8, %add3A_35 : vector<16xi32>
      tpu.vector_store_idx %arg18[%add3A_29, %add3A_36], %sub3A_33 : memref<80x16xf32, #tpu.memory_space<vmem>>[vector<16xi32>, vector<16xi32>], vector<16xf32>,
      %gather3A_37 = tpu.vector_load_idx %arg15[%get3A_24] : memref<10000xf32, #tpu.memory_space<vmem>>[vector<16xi32>], vector<16xf32>,
      %gather3A_38 = tpu.vector_load_idx %arg15[%get3A_26] : memref<10000xf32, #tpu.memory_space<vmem>>[vector<16xi32>], vector<16xf32>,
      %sub3A_39 = arith.subf %gather3A_37, %gather3A_38 : vector<16xf32>
      %add3A_40 = arith.constant 2 : i32
      %add3A_41 = vector.broadcast %add3A_40 : i32 to vector<16xi32>
      %add3A_42 = arith.addi %broadcast_in_dim3A_8, %add3A_41 : vector<16xi32>
      tpu.vector_store_idx %arg18[%add3A_29, %add3A_42], %sub3A_39 : memref<80x16xf32, #tpu.memory_space<vmem>>[vector<16xi32>, vector<16xi32>], vector<16xf32>,
      %get3A_43 = arith.constant 16 : index
      %get3A_44 = tpu.vector_load %arg11[%get3A_43] {strides = array<i32>} : memref<80xi32, #tpu.memory_space<vmem>>, vector<16xi32>,
      %get3A_45 = arith.constant 16 : index
      %get3A_46 = tpu.vector_load %arg12[%get3A_45] {strides = array<i32>} : memref<80xi32, #tpu.memory_space<vmem>>, vector<16xi32>,
      %add3A_47 = arith.constant 16 : i32
      %add3A_48 = vector.broadcast %add3A_47 : i32 to vector<16xi32>
      %add3A_49 = arith.addi %add3A_48, %iota3A : vector<16xi32>
      %gather3A_50 = tpu.vector_load_idx %arg13[%get3A_44] : memref<10000xf32, #tpu.memory_space<vmem>>[vector<16xi32>], vector<16xf32>,
      %gather3A_51 = tpu.vector_load_idx %arg13[%get3A_46] : memref<10000xf32, #tpu.memory_space<vmem>>[vector<16xi32>], vector<16xf32>,
      %sub3A_52 = arith.subf %gather3A_50, %gather3A_51 : vector<16xf32>
      tpu.vector_store_idx %arg18[%add3A_49, %broadcast_in_dim3A_8], %sub3A_52 : memref<80x16xf32, #tpu.memory_space<vmem>>[vector<16xi32>, vector<16xi32>], vector<16xf32>,
      %gather3A_53 = tpu.vector_load_idx %arg14[%get3A_44] : memref<10000xf32, #tpu.memory_space<vmem>>[vector<16xi32>], vector<16xf32>,
      %gather3A_54 = tpu.vector_load_idx %arg14[%get3A_46] : memref<10000xf32, #tpu.memory_space<vmem>>[vector<16xi32>], vector<16xf32>,
      %sub3A_55 = arith.subf %gather3A_53, %gather3A_54 : vector<16xf32>
      %add3A_56 = arith.constant 1 : i32
      %add3A_57 = vector.broadcast %add3A_56 : i32 to vector<16xi32>
      %add3A_58 = arith.addi %broadcast_in_dim3A_8, %add3A_57 : vector<16xi32>
      tpu.vector_store_idx %arg18[%add3A_49, %add3A_58], %sub3A_55 : memref<80x16xf32, #tpu.memory_space<vmem>>[vector<16xi32>, vector<16xi32>], vector<16xf32>,
      %gather3A_59 = tpu.vector_load_idx %arg15[%get3A_44] : memref<10000xf32, #tpu.memory_space<vmem>>[vector<16xi32>], vector<16xf32>,
      %gather3A_60 = tpu.vector_load_idx %arg15[%get3A_46] : memref<10000xf32, #tpu.memory_space<vmem>>[vector<16xi32>], vector<16xf32>,
      %sub3A_61 = arith.subf %gather3A_59, %gather3A_60 : vector<16xf32>
      %add3A_62 = arith.constant 2 : i32
      %add3A_63 = vector.broadcast %add3A_62 : i32 to vector<16xi32>
      %add3A_64 = arith.addi %broadcast_in_dim3A_8, %add3A_63 : vector<16xi32>
      tpu.vector_store_idx %arg18[%add3A_49, %add3A_64], %sub3A_61 : memref<80x16xf32, #tpu.memory_space<vmem>>[vector<16xi32>, vector<16xi32>], vector<16xf32>,
      %get3A_65 = arith.constant 32 : index
      %get3A_66 = tpu.vector_load %arg11[%get3A_65] {strides = array<i32>} : memref<80xi32, #tpu.memory_space<vmem>>, vector<16xi32>,
      %get3A_67 = arith.constant 32 : index
      %get3A_68 = tpu.vector_load %arg12[%get3A_67] {strides = array<i32>} : memref<80xi32, #tpu.memory_space<vmem>>, vector<16xi32>,
      %add3A_69 = arith.constant 32 : i32
      %add3A_70 = vector.broadcast %add3A_69 : i32 to vector<16xi32>
      %add3A_71 = arith.addi %add3A_70, %iota3A : vector<16xi32>
      %gather3A_72 = tpu.vector_load_idx %arg13[%get3A_66] : memref<10000xf32, #tpu.memory_space<vmem>>[vector<16xi32>], vector<16xf32>,
      %gather3A_73 = tpu.vector_load_idx %arg13[%get3A_68] : memref<10000xf32, #tpu.memory_space<vmem>>[vector<16xi32>], vector<16xf32>,
      %sub3A_74 = arith.subf %gather3A_72, %gather3A_73 : vector<16xf32>
      tpu.vector_store_idx %arg18[%add3A_71, %broadcast_in_dim3A_8], %sub3A_74 : memref<80x16xf32, #tpu.memory_space<vmem>>[vector<16xi32>, vector<16xi32>], vector<16xf32>,
      %gather3A_75 = tpu.vector_load_idx %arg14[%get3A_66] : memref<10000xf32, #tpu.memory_space<vmem>>[vector<16xi32>], vector<16xf32>,
      %gather3A_76 = tpu.vector_load_idx %arg14[%get3A_68] : memref<10000xf32, #tpu.memory_space<vmem>>[vector<16xi32>], vector<16xf32>,
      %sub3A_77 = arith.subf %gather3A_75, %gather3A_76 : vector<16xf32>
      %add3A_78 = arith.constant 1 : i32
      %add3A_79 = vector.broadcast %add3A_78 : i32 to vector<16xi32>
      %add3A_80 = arith.addi %broadcast_in_dim3A_8, %add3A_79 : vector<16xi32>
      tpu.vector_store_idx %arg18[%add3A_71, %add3A_80], %sub3A_77 : memref<80x16xf32, #tpu.memory_space<vmem>>[vector<16xi32>, vector<16xi32>], vector<16xf32>,
      %gather3A_81 = tpu.vector_load_idx %arg15[%get3A_66] : memref<10000xf32, #tpu.memory_space<vmem>>[vector<16xi32>], vector<16xf32>,
      %gather3A_82 = tpu.vector_load_idx %arg15[%get3A_68] : memref<10000xf32, #tpu.memory_space<vmem>>[vector<16xi32>], vector<16xf32>,
      %sub3A_83 = arith.subf %gather3A_81, %gather3A_82 : vector<16xf32>
      %add3A_84 = arith.constant 2 : i32
      %add3A_85 = vector.broadcast %add3A_84 : i32 to vector<16xi32>
      %add3A_86 = arith.addi %broadcast_in_dim3A_8, %add3A_85 : vector<16xi32>
      tpu.vector_store_idx %arg18[%add3A_71, %add3A_86], %sub3A_83 : memref<80x16xf32, #tpu.memory_space<vmem>>[vector<16xi32>, vector<16xi32>], vector<16xf32>,
      %get3A_87 = arith.constant 48 : index
      %get3A_88 = tpu.vector_load %arg11[%get3A_87] {strides = array<i32>} : memref<80xi32, #tpu.memory_space<vmem>>, vector<16xi32>,
      %get3A_89 = arith.constant 48 : index
      %get3A_90 = tpu.vector_load %arg12[%get3A_89] {strides = array<i32>} : memref<80xi32, #tpu.memory_space<vmem>>, vector<16xi32>,
      %add3A_91 = arith.constant 48 : i32
      %add3A_92 = vector.broadcast %add3A_91 : i32 to vector<16xi32>
      %add3A_93 = arith.addi %add3A_92, %iota3A : vector<16xi32>
      %gather3A_94 = tpu.vector_load_idx %arg13[%get3A_88] : memref<10000xf32, #tpu.memory_space<vmem>>[vector<16xi32>], vector<16xf32>,
      %gather3A_95 = tpu.vector_load_idx %arg13[%get3A_90] : memref<10000xf32, #tpu.memory_space<vmem>>[vector<16xi32>], vector<16xf32>,
      %sub3A_96 = arith.subf %gather3A_94, %gather3A_95 : vector<16xf32>
      tpu.vector_store_idx %arg18[%add3A_93, %broadcast_in_dim3A_8], %sub3A_96 : memref<80x16xf32, #tpu.memory_space<vmem>>[vector<16xi32>, vector<16xi32>], vector<16xf32>,
      %gather3A_97 = tpu.vector_load_idx %arg14[%get3A_88] : memref<10000xf32, #tpu.memory_space<vmem>>[vector<16xi32>], vector<16xf32>,
      %gather3A_98 = tpu.vector_load_idx %arg14[%get3A_90] : memref<10000xf32, #tpu.memory_space<vmem>>[vector<16xi32>], vector<16xf32>,
      %sub3A_99 = arith.subf %gather3A_97, %gather3A_98 : vector<16xf32>
      %add3A_100 = arith.constant 1 : i32
      %add3A_101 = vector.broadcast %add3A_100 : i32 to vector<16xi32>
      %add3A_102 = arith.addi %broadcast_in_dim3A_8, %add3A_101 : vector<16xi32>
      tpu.vector_store_idx %arg18[%add3A_93, %add3A_102], %sub3A_99 : memref<80x16xf32, #tpu.memory_space<vmem>>[vector<16xi32>, vector<16xi32>], vector<16xf32>,
      %gather3A_103 = tpu.vector_load_idx %arg15[%get3A_88] : memref<10000xf32, #tpu.memory_space<vmem>>[vector<16xi32>], vector<16xf32>,
      %gather3A_104 = tpu.vector_load_idx %arg15[%get3A_90] : memref<10000xf32, #tpu.memory_space<vmem>>[vector<16xi32>], vector<16xf32>,
      %sub3A_105 = arith.subf %gather3A_103, %gather3A_104 : vector<16xf32>
      %add3A_106 = arith.constant 2 : i32
      %add3A_107 = vector.broadcast %add3A_106 : i32 to vector<16xi32>
      %add3A_108 = arith.addi %broadcast_in_dim3A_8, %add3A_107 : vector<16xi32>
      tpu.vector_store_idx %arg18[%add3A_93, %add3A_108], %sub3A_105 : memref<80x16xf32, #tpu.memory_space<vmem>>[vector<16xi32>, vector<16xi32>], vector<16xf32>,
      %get3A_109 = arith.constant 64 : index
      %get3A_110 = tpu.vector_load %arg11[%get3A_109] {strides = array<i32>} : memref<80xi32, #tpu.memory_space<vmem>>, vector<16xi32>,
      %get3A_111 = arith.constant 64 : index
      %get3A_112 = tpu.vector_load %arg12[%get3A_111] {strides = array<i32>} : memref<80xi32, #tpu.memory_space<vmem>>, vector<16xi32>,
      %add3A_113 = arith.constant 64 : i32
      %add3A_114 = vector.broadcast %add3A_113 : i32 to vector<16xi32>
      %add3A_115 = arith.addi %add3A_114, %iota3A : vector<16xi32>
      %gather3A_116 = tpu.vector_load_idx %arg13[%get3A_110] : memref<10000xf32, #tpu.memory_space<vmem>>[vector<16xi32>], vector<16xf32>,
      %gather3A_117 = tpu.vector_load_idx %arg13[%get3A_112] : memref<10000xf32, #tpu.memory_space<vmem>>[vector<16xi32>], vector<16xf32>,
      %sub3A_118 = arith.subf %gather3A_116, %gather3A_117 : vector<16xf32>
      tpu.vector_store_idx %arg18[%add3A_115, %broadcast_in_dim3A_8], %sub3A_118 : memref<80x16xf32, #tpu.memory_space<vmem>>[vector<16xi32>, vector<16xi32>], vector<16xf32>,
      %gather3A_119 = tpu.vector_load_idx %arg14[%get3A_110] : memref<10000xf32, #tpu.memory_space<vmem>>[vector<16xi32>], vector<16xf32>,
      %gather3A_120 = tpu.vector_load_idx %arg14[%get3A_112] : memref<10000xf32, #tpu.memory_space<vmem>>[vector<16xi32>], vector<16xf32>,
      %sub3A_121 = arith.subf %gather3A_119, %gather3A_120 : vector<16xf32>
      %add3A_122 = arith.constant 1 : i32
      %add3A_123 = vector.broadcast %add3A_122 : i32 to vector<16xi32>
      %add3A_124 = arith.addi %broadcast_in_dim3A_8, %add3A_123 : vector<16xi32>
      tpu.vector_store_idx %arg18[%add3A_115, %add3A_124], %sub3A_121 : memref<80x16xf32, #tpu.memory_space<vmem>>[vector<16xi32>, vector<16xi32>], vector<16xf32>,
      %gather3A_125 = tpu.vector_load_idx %arg15[%get3A_110] : memref<10000xf32, #tpu.memory_space<vmem>>[vector<16xi32>], vector<16xf32>,
      %gather3A_126 = tpu.vector_load_idx %arg15[%get3A_112] : memref<10000xf32, #tpu.memory_space<vmem>>[vector<16xi32>], vector<16xf32>,
      %sub3A_127 = arith.subf %gather3A_125, %gather3A_126 : vector<16xf32>
      %add3A_128 = arith.constant 2 : i32
      %add3A_129 = vector.broadcast %add3A_128 : i32 to vector<16xi32>
      %add3A_130 = arith.addi %broadcast_in_dim3A_8, %add3A_129 : vector<16xi32>
      tpu.vector_store_idx %arg18[%add3A_115, %add3A_130], %sub3A_127 : memref<80x16xf32, #tpu.memory_space<vmem>>[vector<16xi32>, vector<16xi32>], vector<16xf32>,
      %dma_wait3A = arith.constant 0 : i32
      %dma_wait3A_131 = arith.constant 0 : i32
      %dma_wait3A_132 = tpu.memref_slice %arg2[%dma_wait3A, %dma_wait3A_131] : memref<10000x128xf32, #tpu.memory_space<hbm>> -> memref<10000x128xf32, #tpu.memory_space<hbm>>
      tpu.wait_indirect_dma semaphore(%arg19 : memref<!tpu.dma_semaphore, #tpu.memory_space<semaphore_mem>>) src(%dma_wait3A_132 : memref<10000x128xf32, #tpu.memory_space<hbm>>) dst(%arg16 : memref<80x128xf32, #tpu.memory_space<vmem>>)
      %dma_wait3A_133 = arith.constant 0 : i32
      %dma_wait3A_134 = arith.constant 0 : i32
      %dma_wait3A_135 = tpu.memref_slice %arg3[%dma_wait3A_133, %dma_wait3A_134] : memref<10000x128xf32, #tpu.memory_space<hbm>> -> memref<10000x128xf32, #tpu.memory_space<hbm>>
      tpu.wait_indirect_dma semaphore(%arg20 : memref<!tpu.dma_semaphore, #tpu.memory_space<semaphore_mem>>) src(%dma_wait3A_135 : memref<10000x128xf32, #tpu.memory_space<hbm>>) dst(%arg17 : memref<80x128xf32, #tpu.memory_space<vmem>>)
      %scan3A_136 = arith.constant 0 : i32
      %scan3A_137 = arith.constant 0 : i32
      %scan3A_138 = arith.constant 80 : i32
      %scan3A_139 = arith.addi %scan3A_137, %scan3A_138 : i32
      %scan3A_140 = arith.constant 1 : i32
      scf.for %scan3A_142 = %scan3A_137 to %scan3A_139 step %scan3A_140  : i32 {
        %get3A_143 = arith.index_cast %scan3A_142 : i32 to index
        %get3A_144 = arith.constant 0 : index
        %get3A_145 = tpu.vector_load %arg16[%get3A_143, %get3A_144] {strides = array<i32>} : memref<80x128xf32, #tpu.memory_space<vmem>>, vector<16xf32>,
        %get3A_146 = arith.index_cast %scan3A_142 : i32 to index
        %get3A_147 = arith.constant 0 : index
        %get3A_148 = tpu.vector_load %arg17[%get3A_146, %get3A_147] {strides = array<i32>} : memref<80x128xf32, #tpu.memory_space<vmem>>, vector<16xf32>,
        %add3A_149 = arith.addf %get3A_145, %get3A_148 : vector<16xf32>
        %swap3A = arith.index_cast %scan3A_142 : i32 to index
        %swap3A_150 = arith.constant 0 : index
        %swap3A_151 = tpu.vector_load %arg16[%swap3A, %swap3A_150] {strides = array<i32>} : memref<80x128xf32, #tpu.memory_space<vmem>>, vector<16xf32>,
        tpu.vector_store %arg16[%swap3A, %swap3A_150], %add3A_149 {strides = array<i32>} : memref<80x128xf32, #tpu.memory_space<vmem>>, vector<16xf32>,
        %get3A_152 = arith.index_cast %scan3A_142 : i32 to index
        %get3A_153 = arith.constant 16 : index
        %get3A_154 = tpu.vector_load %arg16[%get3A_152, %get3A_153] {strides = array<i32>} : memref<80x128xf32, #tpu.memory_space<vmem>>, vector<16xf32>,
        %get3A_155 = arith.index_cast %scan3A_142 : i32 to index
        %get3A_156 = arith.constant 16 : index
        %get3A_157 = tpu.vector_load %arg17[%get3A_155, %get3A_156] {strides = array<i32>} : memref<80x128xf32, #tpu.memory_space<vmem>>, vector<16xf32>,
        %add3A_158 = arith.addf %get3A_154, %get3A_157 : vector<16xf32>
        %swap3A_159 = arith.index_cast %scan3A_142 : i32 to index
        %swap3A_160 = arith.constant 16 : index
        %swap3A_161 = tpu.vector_load %arg16[%swap3A_159, %swap3A_160] {strides = array<i32>} : memref<80x128xf32, #tpu.memory_space<vmem>>, vector<16xf32>,
        tpu.vector_store %arg16[%swap3A_159, %swap3A_160], %add3A_158 {strides = array<i32>} : memref<80x128xf32, #tpu.memory_space<vmem>>, vector<16xf32>,
        %get3A_162 = arith.index_cast %scan3A_142 : i32 to index
        %get3A_163 = arith.constant 32 : index
        %get3A_164 = tpu.vector_load %arg16[%get3A_162, %get3A_163] {strides = array<i32>} : memref<80x128xf32, #tpu.memory_space<vmem>>, vector<16xf32>,
        %get3A_165 = arith.index_cast %scan3A_142 : i32 to index
        %get3A_166 = arith.constant 32 : index
        %get3A_167 = tpu.vector_load %arg17[%get3A_165, %get3A_166] {strides = array<i32>} : memref<80x128xf32, #tpu.memory_space<vmem>>, vector<16xf32>,
        %add3A_168 = arith.addf %get3A_164, %get3A_167 : vector<16xf32>
        %swap3A_169 = arith.index_cast %scan3A_142 : i32 to index
        %swap3A_170 = arith.constant 32 : index
        %swap3A_171 = tpu.vector_load %arg16[%swap3A_169, %swap3A_170] {strides = array<i32>} : memref<80x128xf32, #tpu.memory_space<vmem>>, vector<16xf32>,
        tpu.vector_store %arg16[%swap3A_169, %swap3A_170], %add3A_168 {strides = array<i32>} : memref<80x128xf32, #tpu.memory_space<vmem>>, vector<16xf32>,
        %get3A_172 = arith.index_cast %scan3A_142 : i32 to index
        %get3A_173 = arith.constant 48 : index
        %get3A_174 = tpu.vector_load %arg16[%get3A_172, %get3A_173] {strides = array<i32>} : memref<80x128xf32, #tpu.memory_space<vmem>>, vector<16xf32>,
        %get3A_175 = arith.index_cast %scan3A_142 : i32 to index
        %get3A_176 = arith.constant 48 : index
        %get3A_177 = tpu.vector_load %arg17[%get3A_175, %get3A_176] {strides = array<i32>} : memref<80x128xf32, #tpu.memory_space<vmem>>, vector<16xf32>,
        %add3A_178 = arith.addf %get3A_174, %get3A_177 : vector<16xf32>
        %swap3A_179 = arith.index_cast %scan3A_142 : i32 to index
        %swap3A_180 = arith.constant 48 : index
        %swap3A_181 = tpu.vector_load %arg16[%swap3A_179, %swap3A_180] {strides = array<i32>} : memref<80x128xf32, #tpu.memory_space<vmem>>, vector<16xf32>,
        tpu.vector_store %arg16[%swap3A_179, %swap3A_180], %add3A_178 {strides = array<i32>} : memref<80x128xf32, #tpu.memory_space<vmem>>, vector<16xf32>,
        %get3A_182 = arith.index_cast %scan3A_142 : i32 to index
        %get3A_183 = arith.constant 64 : index
        %get3A_184 = tpu.vector_load %arg16[%get3A_182, %get3A_183] {strides = array<i32>} : memref<80x128xf32, #tpu.memory_space<vmem>>, vector<16xf32>,
        %get3A_185 = arith.index_cast %scan3A_142 : i32 to index
        %get3A_186 = arith.constant 64 : index
        %get3A_187 = tpu.vector_load %arg17[%get3A_185, %get3A_186] {strides = array<i32>} : memref<80x128xf32, #tpu.memory_space<vmem>>, vector<16xf32>,
        %add3A_188 = arith.addf %get3A_184, %get3A_187 : vector<16xf32>
        %swap3A_189 = arith.index_cast %scan3A_142 : i32 to index
        %swap3A_190 = arith.constant 64 : index
        %swap3A_191 = tpu.vector_load %arg16[%swap3A_189, %swap3A_190] {strides = array<i32>} : memref<80x128xf32, #tpu.memory_space<vmem>>, vector<16xf32>,
        tpu.vector_store %arg16[%swap3A_189, %swap3A_190], %add3A_188 {strides = array<i32>} : memref<80x128xf32, #tpu.memory_space<vmem>>, vector<16xf32>,
        %get3A_192 = arith.index_cast %scan3A_142 : i32 to index
        %get3A_193 = arith.constant 80 : index
        %get3A_194 = tpu.vector_load %arg16[%get3A_192, %get3A_193] {strides = array<i32>} : memref<80x128xf32, #tpu.memory_space<vmem>>, vector<16xf32>,
        %get3A_195 = arith.index_cast %scan3A_142 : i32 to index
        %get3A_196 = arith.constant 80 : index
        %get3A_197 = tpu.vector_load %arg17[%get3A_195, %get3A_196] {strides = array<i32>} : memref<80x128xf32, #tpu.memory_space<vmem>>, vector<16xf32>,
        %add3A_198 = arith.addf %get3A_194, %get3A_197 : vector<16xf32>
        %swap3A_199 = arith.index_cast %scan3A_142 : i32 to index
        %swap3A_200 = arith.constant 80 : index
        %swap3A_201 = tpu.vector_load %arg16[%swap3A_199, %swap3A_200] {strides = array<i32>} : memref<80x128xf32, #tpu.memory_space<vmem>>, vector<16xf32>,
        tpu.vector_store %arg16[%swap3A_199, %swap3A_200], %add3A_198 {strides = array<i32>} : memref<80x128xf32, #tpu.memory_space<vmem>>, vector<16xf32>,
        %get3A_202 = arith.index_cast %scan3A_142 : i32 to index
        %get3A_203 = arith.constant 96 : index
        %get3A_204 = tpu.vector_load %arg16[%get3A_202, %get3A_203] {strides = array<i32>} : memref<80x128xf32, #tpu.memory_space<vmem>>, vector<16xf32>,
        %get3A_205 = arith.index_cast %scan3A_142 : i32 to index
        %get3A_206 = arith.constant 96 : index
        %get3A_207 = tpu.vector_load %arg17[%get3A_205, %get3A_206] {strides = array<i32>} : memref<80x128xf32, #tpu.memory_space<vmem>>, vector<16xf32>,
        %add3A_208 = arith.addf %get3A_204, %get3A_207 : vector<16xf32>
        %swap3A_209 = arith.index_cast %scan3A_142 : i32 to index
        %swap3A_210 = arith.constant 96 : index
        %swap3A_211 = tpu.vector_load %arg16[%swap3A_209, %swap3A_210] {strides = array<i32>} : memref<80x128xf32, #tpu.memory_space<vmem>>, vector<16xf32>,
        tpu.vector_store %arg16[%swap3A_209, %swap3A_210], %add3A_208 {strides = array<i32>} : memref<80x128xf32, #tpu.memory_space<vmem>>, vector<16xf32>,
        %get3A_212 = arith.index_cast %scan3A_142 : i32 to index
        %get3A_213 = arith.constant 112 : index
        %get3A_214 = tpu.vector_load %arg16[%get3A_212, %get3A_213] {strides = array<i32>} : memref<80x128xf32, #tpu.memory_space<vmem>>, vector<16xf32>,
        %get3A_215 = arith.index_cast %scan3A_142 : i32 to index
        %get3A_216 = arith.constant 112 : index
        %get3A_217 = tpu.vector_load %arg17[%get3A_215, %get3A_216] {strides = array<i32>} : memref<80x128xf32, #tpu.memory_space<vmem>>, vector<16xf32>,
        %add3A_218 = arith.addf %get3A_214, %get3A_217 : vector<16xf32>
        %swap3A_219 = arith.index_cast %scan3A_142 : i32 to index
        %swap3A_220 = arith.constant 112 : index
        %swap3A_221 = tpu.vector_load %arg16[%swap3A_219, %swap3A_220] {strides = array<i32>} : memref<80x128xf32, #tpu.memory_space<vmem>>, vector<16xf32>,
        tpu.vector_store %arg16[%swap3A_219, %swap3A_220], %add3A_218 {strides = array<i32>} : memref<80x128xf32, #tpu.memory_space<vmem>>, vector<16xf32>,
      }
      %scan3A_141 = arith.constant 80 : i32
      "tpu.region"() ({
        %run_scoped3A = tpu.sem_alloc : memref<!tpu.dma_semaphore, #tpu.memory_space<semaphore_mem>>
        %dma_start3A_142 = arith.constant 0 : i32
        %dma_start3A_143 = tpu.memref_slice %arg9[%add3A_18, %dma_start3A_142] : memref<320000x128xf32, #tpu.memory_space<hbm>> -> memref<80x128xf32, #tpu.memory_space<hbm>>
        %dma_start3A_144 = arith.constant 0 : i32
        %dma_start3A_145 = tpu.memref_slice %arg9[%add3A_18, %dma_start3A_144] : memref<320000x128xf32, #tpu.memory_space<hbm>> -> memref<80x128xf32, #tpu.memory_space<hbm>>
        tpu.enqueue_dma source(%arg16 : memref<80x128xf32, #tpu.memory_space<vmem>>) target(%dma_start3A_145 : memref<80x128xf32, #tpu.memory_space<hbm>>) target_semaphore(%run_scoped3A : memref<!tpu.dma_semaphore, #tpu.memory_space<semaphore_mem>>)
        %dma_wait3A_146 = arith.constant 0 : i32
        %dma_wait3A_147 = tpu.memref_slice %arg9[%add3A_18, %dma_wait3A_146] : memref<320000x128xf32, #tpu.memory_space<hbm>> -> memref<80x128xf32, #tpu.memory_space<hbm>>
        %dma_wait3A_148 = arith.constant 0 : i32
        %dma_wait3A_149 = tpu.memref_slice %arg9[%add3A_18, %dma_wait3A_148] : memref<320000x128xf32, #tpu.memory_space<hbm>> -> memref<80x128xf32, #tpu.memory_space<hbm>>
        tpu.wait_dma2 semaphore(%run_scoped3A : memref<!tpu.dma_semaphore, #tpu.memory_space<semaphore_mem>>) src(%arg16 : memref<80x128xf32, #tpu.memory_space<vmem>>) dst(%dma_wait3A_149 : memref<80x128xf32, #tpu.memory_space<hbm>>)
        tpu.yield
      }) : () -> ()
      "tpu.region"() ({
        %run_scoped3A = tpu.sem_alloc : memref<!tpu.dma_semaphore, #tpu.memory_space<semaphore_mem>>
        %dma_start3A_142 = arith.constant 0 : i32
        %dma_start3A_143 = tpu.memref_slice %arg10[%add3A_18, %dma_start3A_142] : memref<320000x16xf32, #tpu.memory_space<hbm>> -> memref<80x16xf32, #tpu.memory_space<hbm>>
        %dma_start3A_144 = arith.constant 0 : i32
        %dma_start3A_145 = tpu.memref_slice %arg10[%add3A_18, %dma_start3A_144] : memref<320000x16xf32, #tpu.memory_space<hbm>> -> memref<80x16xf32, #tpu.memory_space<hbm>>
        tpu.enqueue_dma source(%arg18 : memref<80x16xf32, #tpu.memory_space<vmem>>) target(%dma_start3A_145 : memref<80x16xf32, #tpu.memory_space<hbm>>) target_semaphore(%run_scoped3A : memref<!tpu.dma_semaphore, #tpu.memory_space<semaphore_mem>>)
        %dma_wait3A_146 = arith.constant 0 : i32
        %dma_wait3A_147 = tpu.memref_slice %arg10[%add3A_18, %dma_wait3A_146] : memref<320000x16xf32, #tpu.memory_space<hbm>> -> memref<80x16xf32, #tpu.memory_space<hbm>>
        %dma_wait3A_148 = arith.constant 0 : i32
        %dma_wait3A_149 = tpu.memref_slice %arg10[%add3A_18, %dma_wait3A_148] : memref<320000x16xf32, #tpu.memory_space<hbm>> -> memref<80x16xf32, #tpu.memory_space<hbm>>
        tpu.wait_dma2 semaphore(%run_scoped3A : memref<!tpu.dma_semaphore, #tpu.memory_space<semaphore_mem>>) src(%arg18 : memref<80x16xf32, #tpu.memory_space<vmem>>) dst(%dma_wait3A_149 : memref<80x16xf32, #tpu.memory_space<hbm>>)
        tpu.yield
      }) : () -> ()
    }
    %scan3A_14 = arith.constant 125 : i32
    return
  }
}

module attributes {stable_mosaic.version = 14 : i64} {
  func.func @body(%arg0: i32, %arg1: memref<2000x128xf32, #tpu.memory_space<vmem>>, %arg2: memref<2000x16xf32, #tpu.memory_space<vmem>>, %arg3: memref<2000x16xf32, #tpu.memory_space<vmem>>, %arg4: memref<1x128xf32, #tpu.memory_space<vmem>>, %arg5: memref<16x128xf32, #tpu.memory_space<vmem>>, %arg6: memref<1x128xf32, #tpu.memory_space<vmem>>, %arg7: memref<128x128xf32, #tpu.memory_space<vmem>>, %arg8: memref<1x128xf32, #tpu.memory_space<vmem>>, %arg9: memref<128x128xf32, #tpu.memory_space<vmem>>, %arg10: memref<1x128xf32, #tpu.memory_space<vmem>>, %arg11: memref<1x128xf32, #tpu.memory_space<vmem>>, %arg12: memref<2000x128xf32, #tpu.memory_space<vmem>>, %arg13: memref<2000x16xf32, #tpu.memory_space<vmem>>) attributes {dimension_semantics = [#tpu.dimension_semantics<arbitrary>], iteration_bounds = array<i64: 160>, scalar_prefetch = 0 : i64, scratch_operands = 0 : i64, tpu.core_type = #tpu.core_type<tc>, window_params = [{transform_indices = @transform_0, window_bounds = array<i64: 2000, 128>}, {transform_indices = @transform_1, window_bounds = array<i64: 2000, 16>}, {transform_indices = @transform_2, window_bounds = array<i64: 2000, 16>}, {pipeline_mode = #tpu.pipeline_mode<synchronous>, transform_indices = @transform_3, window_bounds = array<i64: 1, 128>}, {pipeline_mode = #tpu.pipeline_mode<synchronous>, transform_indices = @transform_4, window_bounds = array<i64: 16, 128>}, {pipeline_mode = #tpu.pipeline_mode<synchronous>, transform_indices = @transform_5, window_bounds = array<i64: 1, 128>}, {pipeline_mode = #tpu.pipeline_mode<synchronous>, transform_indices = @transform_6, window_bounds = array<i64: 128, 128>}, {pipeline_mode = #tpu.pipeline_mode<synchronous>, transform_indices = @transform_7, window_bounds = array<i64: 1, 128>}, {pipeline_mode = #tpu.pipeline_mode<synchronous>, transform_indices = @transform_8, window_bounds = array<i64: 128, 128>}, {pipeline_mode = #tpu.pipeline_mode<synchronous>, transform_indices = @transform_9, window_bounds = array<i64: 1, 128>}, {pipeline_mode = #tpu.pipeline_mode<synchronous>, transform_indices = @transform_10, window_bounds = array<i64: 1, 128>}, {transform_indices = @transform_11, window_bounds = array<i64: 2000, 128>}, {transform_indices = @transform_12, window_bounds = array<i64: 2000, 16>}]} {
    %get3A = arith.constant 0 : index
    %get3A_0 = arith.constant 0 : index
    %get3A_1 = vector.load %arg2[%get3A, %get3A_0] : memref<2000x16xf32, #tpu.memory_space<vmem>>, vector<2000x16xf32>
    %mul3A = arith.mulf %get3A_1, %get3A_1 : vector<2000x16xf32>
    %reduce_sum3A = arith.constant dense<0.000000e+00> : vector<2000xf32>
    %reduce_sum3A_2 = vector.multi_reduction <add>, %mul3A, %reduce_sum3A [1] : vector<2000x16xf32> to vector<2000xf32>
    %broadcast_in_dim3A = vector.shape_cast %reduce_sum3A_2 : vector<2000xf32> to vector<2000x1xf32>
    %get3A_3 = arith.constant 0 : index
    %get3A_4 = arith.constant 0 : index
    %get3A_5 = vector.load %arg1[%get3A_3, %get3A_4] : memref<2000x128xf32, #tpu.memory_space<vmem>>, vector<2000x128xf32>
    %get3A_6 = arith.constant 0 : index
    %get3A_7 = arith.constant 0 : index
    %get3A_8 = vector.load %arg4[%get3A_6, %get3A_7] : memref<1x128xf32, #tpu.memory_space<vmem>>, vector<1x128xf32>
    %mul3A_9 = vector.broadcast %broadcast_in_dim3A : vector<2000x1xf32> to vector<2000x128xf32>
    %mul3A_10 = vector.broadcast %get3A_8 : vector<1x128xf32> to vector<2000x128xf32>
    %mul3A_11 = arith.mulf %mul3A_9, %mul3A_10 : vector<2000x128xf32>
    %add3A = arith.addf %get3A_5, %mul3A_11 : vector<2000x128xf32>
    %get3A_12 = arith.constant 0 : index
    %get3A_13 = arith.constant 0 : index
    %get3A_14 = vector.load %arg3[%get3A_12, %get3A_13] : memref<2000x16xf32, #tpu.memory_space<vmem>>, vector<2000x16xf32>
    %get3A_15 = arith.constant 0 : index
    %get3A_16 = arith.constant 0 : index
    %get3A_17 = vector.load %arg5[%get3A_15, %get3A_16] : memref<16x128xf32, #tpu.memory_space<vmem>>, vector<16x128xf32>
    %dot_general3A = arith.constant dense<0.000000e+00> : vector<2000x128xf32>
    %dot_general3A_18 = tpu.matmul %get3A_14, %get3A_17, %dot_general3A {dimension_numbers = #tpu.dot_dimension_numbers<[1], [0], [0], [1], [0, 0, 1, 1], [], []>, transpose_lhs_hint = false} : vector<2000x16xf32>, vector<16x128xf32>, vector<2000x128xf32> -> vector<2000x128xf32>
    %add3A_19 = arith.addf %add3A, %dot_general3A_18 : vector<2000x128xf32>
    %get3A_20 = arith.constant 0 : index
    %get3A_21 = arith.constant 0 : index
    %get3A_22 = vector.load %arg6[%get3A_20, %get3A_21] : memref<1x128xf32, #tpu.memory_space<vmem>>, vector<1x128xf32>
    %add3A_23 = vector.broadcast %get3A_22 : vector<1x128xf32> to vector<2000x128xf32>
    %add3A_24 = arith.addf %add3A_19, %add3A_23 : vector<2000x128xf32>
    %neg3A = arith.constant 0.000000e+00 : f32
    %neg3A_25 = vector.broadcast %neg3A : f32 to vector<2000x128xf32>
    %neg3A_26 = arith.subf %neg3A_25, %add3A_24 : vector<2000x128xf32>
    %exp3A = math.exp %neg3A_26 : vector<2000x128xf32>
    %add3A_27 = arith.constant 1.000000e+00 : f32
    %add3A_28 = vector.broadcast %add3A_27 : f32 to vector<2000x128xf32>
    %add3A_29 = arith.addf %add3A_28, %exp3A : vector<2000x128xf32>
    %div3A = arith.constant 1.000000e+00 : f32
    %div3A_30 = vector.broadcast %div3A : f32 to vector<2000x128xf32>
    %div3A_31 = arith.divf %div3A_30, %add3A_29 : vector<2000x128xf32>
    %mul3A_32 = arith.mulf %add3A_24, %div3A_31 : vector<2000x128xf32>
    %get3A_33 = arith.constant 0 : index
    %get3A_34 = arith.constant 0 : index
    %get3A_35 = vector.load %arg7[%get3A_33, %get3A_34] : memref<128x128xf32, #tpu.memory_space<vmem>>, vector<128x128xf32>
    %dot_general3A_36 = arith.constant dense<0.000000e+00> : vector<2000x128xf32>
    %dot_general3A_37 = tpu.matmul %mul3A_32, %get3A_35, %dot_general3A_36 {dimension_numbers = #tpu.dot_dimension_numbers<[1], [0], [0], [1], [0, 0, 1, 1], [], []>, transpose_lhs_hint = false} : vector<2000x128xf32>, vector<128x128xf32>, vector<2000x128xf32> -> vector<2000x128xf32>
    %get3A_38 = arith.constant 0 : index
    %get3A_39 = arith.constant 0 : index
    %get3A_40 = vector.load %arg8[%get3A_38, %get3A_39] : memref<1x128xf32, #tpu.memory_space<vmem>>, vector<1x128xf32>
    %add3A_41 = vector.broadcast %get3A_40 : vector<1x128xf32> to vector<2000x128xf32>
    %add3A_42 = arith.addf %dot_general3A_37, %add3A_41 : vector<2000x128xf32>
    %neg3A_43 = arith.constant 0.000000e+00 : f32
    %neg3A_44 = vector.broadcast %neg3A_43 : f32 to vector<2000x128xf32>
    %neg3A_45 = arith.subf %neg3A_44, %add3A_42 : vector<2000x128xf32>
    %exp3A_46 = math.exp %neg3A_45 : vector<2000x128xf32>
    %add3A_47 = arith.constant 1.000000e+00 : f32
    %add3A_48 = vector.broadcast %add3A_47 : f32 to vector<2000x128xf32>
    %add3A_49 = arith.addf %add3A_48, %exp3A_46 : vector<2000x128xf32>
    %div3A_50 = arith.constant 1.000000e+00 : f32
    %div3A_51 = vector.broadcast %div3A_50 : f32 to vector<2000x128xf32>
    %div3A_52 = arith.divf %div3A_51, %add3A_49 : vector<2000x128xf32>
    %mul3A_53 = arith.mulf %add3A_42, %div3A_52 : vector<2000x128xf32>
    %get3A_54 = arith.constant 0 : index
    %get3A_55 = arith.constant 0 : index
    %get3A_56 = vector.load %arg9[%get3A_54, %get3A_55] : memref<128x128xf32, #tpu.memory_space<vmem>>, vector<128x128xf32>
    %dot_general3A_57 = arith.constant dense<0.000000e+00> : vector<2000x128xf32>
    %dot_general3A_58 = tpu.matmul %mul3A_53, %get3A_56, %dot_general3A_57 {dimension_numbers = #tpu.dot_dimension_numbers<[1], [0], [0], [1], [0, 0, 1, 1], [], []>, transpose_lhs_hint = false} : vector<2000x128xf32>, vector<128x128xf32>, vector<2000x128xf32> -> vector<2000x128xf32>
    %get3A_59 = arith.constant 0 : index
    %get3A_60 = arith.constant 0 : index
    %get3A_61 = vector.load %arg10[%get3A_59, %get3A_60] : memref<1x128xf32, #tpu.memory_space<vmem>>, vector<1x128xf32>
    %add3A_62 = vector.broadcast %get3A_61 : vector<1x128xf32> to vector<2000x128xf32>
    %add3A_63 = arith.addf %dot_general3A_58, %add3A_62 : vector<2000x128xf32>
    %neg3A_64 = arith.constant 0.000000e+00 : f32
    %neg3A_65 = vector.broadcast %neg3A_64 : f32 to vector<2000x128xf32>
    %neg3A_66 = arith.subf %neg3A_65, %add3A_63 : vector<2000x128xf32>
    %exp3A_67 = math.exp %neg3A_66 : vector<2000x128xf32>
    %add3A_68 = arith.constant 1.000000e+00 : f32
    %add3A_69 = vector.broadcast %add3A_68 : f32 to vector<2000x128xf32>
    %add3A_70 = arith.addf %add3A_69, %exp3A_67 : vector<2000x128xf32>
    %div3A_71 = arith.constant 1.000000e+00 : f32
    %div3A_72 = vector.broadcast %div3A_71 : f32 to vector<2000x128xf32>
    %div3A_73 = arith.divf %div3A_72, %add3A_70 : vector<2000x128xf32>
    %mul3A_74 = arith.mulf %add3A_63, %div3A_73 : vector<2000x128xf32>
    %get3A_75 = arith.constant 0 : index
    %get3A_76 = arith.constant 0 : index
    %get3A_77 = vector.load %arg11[%get3A_75, %get3A_76] : memref<1x128xf32, #tpu.memory_space<vmem>>, vector<1x128xf32>
    %mul3A_78 = vector.broadcast %get3A_77 : vector<1x128xf32> to vector<2000x128xf32>
    %mul3A_79 = arith.mulf %mul3A_74, %mul3A_78 : vector<2000x128xf32>
    %reduce_sum3A_80 = arith.constant dense<0.000000e+00> : vector<2000xf32>
    %reduce_sum3A_81 = vector.multi_reduction <add>, %mul3A_79, %reduce_sum3A_80 [1] : vector<2000x128xf32> to vector<2000xf32>
    %broadcast_in_dim3A_82 = vector.shape_cast %reduce_sum3A_81 : vector<2000xf32> to vector<2000x1xf32>
    %iota3A = tpu.iota {dimensions = array<i32: 1>} : vector<2000x16xi32>
    %mul3A_83 = vector.broadcast %broadcast_in_dim3A_82 : vector<2000x1xf32> to vector<2000x16xf32>
    %mul3A_84 = arith.mulf %get3A_1, %mul3A_83 : vector<2000x16xf32>
    %eq3A = arith.constant 3 : i32
    %eq3A_85 = vector.broadcast %eq3A : i32 to vector<2000x16xi32>
    %eq3A_86 = arith.cmpi eq, %iota3A, %eq3A_85 : vector<2000x16xi32>
    %jit3A = arith.constant 1.000000e+00 : f32
    %jit3A_87 = arith.constant 0.000000e+00 : f32
    %broadcast_in_dim3A_88 = vector.broadcast %jit3A : f32 to vector<2000x16xf32>
    %broadcast_in_dim3A_89 = vector.broadcast %jit3A_87 : f32 to vector<2000x16xf32>
    %select_n3A = arith.select %eq3A_86, %broadcast_in_dim3A_88, %broadcast_in_dim3A_89 : vector<2000x16xi1>, vector<2000x16xf32>
    %add3A_90 = arith.addf %mul3A_84, %select_n3A : vector<2000x16xf32>
    %swap3A = arith.constant 0 : index
    %swap3A_91 = arith.constant 0 : index
    %swap3A_92 = vector.load %arg13[%swap3A, %swap3A_91] : memref<2000x16xf32, #tpu.memory_space<vmem>>, vector<2000x16xf32>
    tpu.vector_store %arg13[%swap3A, %swap3A_91], %add3A_90 {strides = array<i32>} : memref<2000x16xf32, #tpu.memory_space<vmem>>, vector<2000x16xf32>,
    %swap3A_93 = arith.constant 0 : index
    %swap3A_94 = arith.constant 0 : index
    %swap3A_95 = vector.load %arg12[%swap3A_93, %swap3A_94] : memref<2000x128xf32, #tpu.memory_space<vmem>>, vector<2000x128xf32>
    tpu.vector_store %arg12[%swap3A_93, %swap3A_94], %mul3A_53 {strides = array<i32>} : memref<2000x128xf32, #tpu.memory_space<vmem>>, vector<2000x128xf32>,
    return
  }
  func.func @transform_0(%arg0: i32) -> (i32, i32) {
    %c0_i32 = arith.constant 0 : i32
    %c0_i32_0 = arith.constant 0 : i32
    return %arg0, %c0_i32 : i32, i32
  }
  func.func @transform_1(%arg0: i32) -> (i32, i32) {
    %c0_i32 = arith.constant 0 : i32
    %c0_i32_0 = arith.constant 0 : i32
    return %arg0, %c0_i32 : i32, i32
  }
  func.func @transform_2(%arg0: i32) -> (i32, i32) {
    %c0_i32 = arith.constant 0 : i32
    %c0_i32_0 = arith.constant 0 : i32
    return %arg0, %c0_i32 : i32, i32
  }
  func.func @transform_3(%arg0: i32) -> (i32, i32) {
    %c0_i32 = arith.constant 0 : i32
    %c0_i32_0 = arith.constant 0 : i32
    %c0_i32_1 = arith.constant 0 : i32
    return %c0_i32, %c0_i32_0 : i32, i32
  }
  func.func @transform_4(%arg0: i32) -> (i32, i32) {
    %c0_i32 = arith.constant 0 : i32
    %c0_i32_0 = arith.constant 0 : i32
    %c0_i32_1 = arith.constant 0 : i32
    return %c0_i32, %c0_i32_0 : i32, i32
  }
  func.func @transform_5(%arg0: i32) -> (i32, i32) {
    %c0_i32 = arith.constant 0 : i32
    %c0_i32_0 = arith.constant 0 : i32
    %c0_i32_1 = arith.constant 0 : i32
    return %c0_i32, %c0_i32_0 : i32, i32
  }
  func.func @transform_6(%arg0: i32) -> (i32, i32) {
    %c0_i32 = arith.constant 0 : i32
    %c0_i32_0 = arith.constant 0 : i32
    %c0_i32_1 = arith.constant 0 : i32
    return %c0_i32, %c0_i32_0 : i32, i32
  }
  func.func @transform_7(%arg0: i32) -> (i32, i32) {
    %c0_i32 = arith.constant 0 : i32
    %c0_i32_0 = arith.constant 0 : i32
    %c0_i32_1 = arith.constant 0 : i32
    return %c0_i32, %c0_i32_0 : i32, i32
  }
  func.func @transform_8(%arg0: i32) -> (i32, i32) {
    %c0_i32 = arith.constant 0 : i32
    %c0_i32_0 = arith.constant 0 : i32
    %c0_i32_1 = arith.constant 0 : i32
    return %c0_i32, %c0_i32_0 : i32, i32
  }
  func.func @transform_9(%arg0: i32) -> (i32, i32) {
    %c0_i32 = arith.constant 0 : i32
    %c0_i32_0 = arith.constant 0 : i32
    %c0_i32_1 = arith.constant 0 : i32
    return %c0_i32, %c0_i32_0 : i32, i32
  }
  func.func @transform_10(%arg0: i32) -> (i32, i32) {
    %c0_i32 = arith.constant 0 : i32
    %c0_i32_0 = arith.constant 0 : i32
    %c0_i32_1 = arith.constant 0 : i32
    return %c0_i32, %c0_i32_0 : i32, i32
  }
  func.func @transform_11(%arg0: i32) -> (i32, i32) {
    %c0_i32 = arith.constant 0 : i32
    %c0_i32_0 = arith.constant 0 : i32
    return %arg0, %c0_i32 : i32, i32
  }
  func.func @transform_12(%arg0: i32) -> (i32, i32) {
    %c0_i32 = arith.constant 0 : i32
    %c0_i32_0 = arith.constant 0 : i32
    return %arg0, %c0_i32 : i32, i32
  }
}

module attributes {stable_mosaic.version = 14 : i64} {
  func.func @body(%arg0: i32, %arg1: memref<2000x128xf32, #tpu.memory_space<vmem>>, %arg2: memref<128x128xf32, #tpu.memory_space<vmem>>, %arg3: memref<128x128xf32, #tpu.memory_space<vmem>>, %arg4: memref<2000x128xf32, #tpu.memory_space<vmem>>, %arg5: memref<2000x128xf32, #tpu.memory_space<vmem>>) attributes {dimension_semantics = [#tpu.dimension_semantics<arbitrary>], iteration_bounds = array<i64: 5>, scalar_prefetch = 0 : i64, scratch_operands = 0 : i64, tpu.core_type = #tpu.core_type<tc>, window_params = [{transform_indices = @transform_0, window_bounds = array<i64: 2000, 128>}, {pipeline_mode = #tpu.pipeline_mode<synchronous>, transform_indices = @transform_1, window_bounds = array<i64: 128, 128>}, {pipeline_mode = #tpu.pipeline_mode<synchronous>, transform_indices = @transform_2, window_bounds = array<i64: 128, 128>}, {transform_indices = @transform_3, window_bounds = array<i64: 2000, 128>}, {transform_indices = @transform_4, window_bounds = array<i64: 2000, 128>}]} {
    %get3A = arith.constant 0 : index
    %get3A_0 = arith.constant 0 : index
    %get3A_1 = vector.load %arg1[%get3A, %get3A_0] : memref<2000x128xf32, #tpu.memory_space<vmem>>, vector<2000x128xf32>
    %get3A_2 = arith.constant 0 : index
    %get3A_3 = arith.constant 0 : index
    %get3A_4 = vector.load %arg2[%get3A_2, %get3A_3] : memref<128x128xf32, #tpu.memory_space<vmem>>, vector<128x128xf32>
    %dot_general3A = arith.constant dense<0.000000e+00> : vector<2000x128xf32>
    %dot_general3A_5 = tpu.matmul %get3A_1, %get3A_4, %dot_general3A {dimension_numbers = #tpu.dot_dimension_numbers<[1], [0], [0], [1], [0, 0, 1, 1], [], []>, transpose_lhs_hint = false} : vector<2000x128xf32>, vector<128x128xf32>, vector<2000x128xf32> -> vector<2000x128xf32>
    %swap3A = arith.constant 0 : index
    %swap3A_6 = arith.constant 0 : index
    %swap3A_7 = vector.load %arg4[%swap3A, %swap3A_6] : memref<2000x128xf32, #tpu.memory_space<vmem>>, vector<2000x128xf32>
    tpu.vector_store %arg4[%swap3A, %swap3A_6], %dot_general3A_5 {strides = array<i32>} : memref<2000x128xf32, #tpu.memory_space<vmem>>, vector<2000x128xf32>,
    %get3A_8 = arith.constant 0 : index
    %get3A_9 = arith.constant 0 : index
    %get3A_10 = vector.load %arg3[%get3A_8, %get3A_9] : memref<128x128xf32, #tpu.memory_space<vmem>>, vector<128x128xf32>
    %dot_general3A_11 = arith.constant dense<0.000000e+00> : vector<2000x128xf32>
    %dot_general3A_12 = tpu.matmul %get3A_1, %get3A_10, %dot_general3A_11 {dimension_numbers = #tpu.dot_dimension_numbers<[1], [0], [0], [1], [0, 0, 1, 1], [], []>, transpose_lhs_hint = false} : vector<2000x128xf32>, vector<128x128xf32>, vector<2000x128xf32> -> vector<2000x128xf32>
    %swap3A_13 = arith.constant 0 : index
    %swap3A_14 = arith.constant 0 : index
    %swap3A_15 = vector.load %arg5[%swap3A_13, %swap3A_14] : memref<2000x128xf32, #tpu.memory_space<vmem>>, vector<2000x128xf32>
    tpu.vector_store %arg5[%swap3A_13, %swap3A_14], %dot_general3A_12 {strides = array<i32>} : memref<2000x128xf32, #tpu.memory_space<vmem>>, vector<2000x128xf32>,
    return
  }
  func.func @transform_0(%arg0: i32) -> (i32, i32) {
    %c0_i32 = arith.constant 0 : i32
    %c0_i32_0 = arith.constant 0 : i32
    return %arg0, %c0_i32 : i32, i32
  }
  func.func @transform_1(%arg0: i32) -> (i32, i32) {
    %c0_i32 = arith.constant 0 : i32
    %c0_i32_0 = arith.constant 0 : i32
    %c0_i32_1 = arith.constant 0 : i32
    return %c0_i32, %c0_i32_0 : i32, i32
  }
  func.func @transform_2(%arg0: i32) -> (i32, i32) {
    %c0_i32 = arith.constant 0 : i32
    %c0_i32_0 = arith.constant 0 : i32
    %c0_i32_1 = arith.constant 0 : i32
    return %c0_i32, %c0_i32_0 : i32, i32
  }
  func.func @transform_3(%arg0: i32) -> (i32, i32) {
    %c0_i32 = arith.constant 0 : i32
    %c0_i32_0 = arith.constant 0 : i32
    return %arg0, %c0_i32 : i32, i32
  }
  func.func @transform_4(%arg0: i32) -> (i32, i32) {
    %c0_i32 = arith.constant 0 : i32
    %c0_i32_0 = arith.constant 0 : i32
    return %arg0, %c0_i32 : i32, i32
  }
}

module attributes {stable_mosaic.version = 14 : i64} {
  func.func @body(%arg0: i32, %arg1: memref<2000x128xf32, #tpu.memory_space<vmem>>, %arg2: memref<2000x128xf32, #tpu.memory_space<vmem>>, %arg3: memref<2000x128xf32, #tpu.memory_space<vmem>>, %arg4: memref<2000x16xf32, #tpu.memory_space<vmem>>, %arg5: memref<2000x16xf32, #tpu.memory_space<vmem>>, %arg6: memref<2000x16xf32, #tpu.memory_space<vmem>>, %arg7: memref<128x128xf32, #tpu.memory_space<vmem>>, %arg8: memref<128x128xf32, #tpu.memory_space<vmem>>, %arg9: memref<1x128xf32, #tpu.memory_space<vmem>>, %arg10: memref<128x128xf32, #tpu.memory_space<vmem>>, %arg11: memref<1x128xf32, #tpu.memory_space<vmem>>, %arg12: memref<2000x128xf32, #tpu.memory_space<vmem>>, %arg13: memref<2000x16xf32, #tpu.memory_space<vmem>>) attributes {dimension_semantics = [#tpu.dimension_semantics<arbitrary>], iteration_bounds = array<i64: 5>, scalar_prefetch = 0 : i64, scratch_operands = 0 : i64, tpu.core_type = #tpu.core_type<tc>, window_params = [{transform_indices = @transform_0, window_bounds = array<i64: 2000, 128>}, {transform_indices = @transform_1, window_bounds = array<i64: 2000, 128>}, {transform_indices = @transform_2, window_bounds = array<i64: 2000, 128>}, {transform_indices = @transform_3, window_bounds = array<i64: 2000, 16>}, {transform_indices = @transform_4, window_bounds = array<i64: 2000, 16>}, {transform_indices = @transform_5, window_bounds = array<i64: 2000, 16>}, {pipeline_mode = #tpu.pipeline_mode<synchronous>, transform_indices = @transform_6, window_bounds = array<i64: 128, 128>}, {pipeline_mode = #tpu.pipeline_mode<synchronous>, transform_indices = @transform_7, window_bounds = array<i64: 128, 128>}, {pipeline_mode = #tpu.pipeline_mode<synchronous>, transform_indices = @transform_8, window_bounds = array<i64: 1, 128>}, {pipeline_mode = #tpu.pipeline_mode<synchronous>, transform_indices = @transform_9, window_bounds = array<i64: 128, 128>}, {pipeline_mode = #tpu.pipeline_mode<synchronous>, transform_indices = @transform_10, window_bounds = array<i64: 1, 128>}, {transform_indices = @transform_11, window_bounds = array<i64: 2000, 128>}, {transform_indices = @transform_12, window_bounds = array<i64: 2000, 16>}]} {
    %get3A = arith.constant 0 : index
    %get3A_0 = arith.constant 0 : index
    %get3A_1 = vector.load %arg1[%get3A, %get3A_0] : memref<2000x128xf32, #tpu.memory_space<vmem>>, vector<2000x128xf32>
    %get3A_2 = arith.constant 0 : index
    %get3A_3 = arith.constant 0 : index
    %get3A_4 = vector.load %arg2[%get3A_2, %get3A_3] : memref<2000x128xf32, #tpu.memory_space<vmem>>, vector<2000x128xf32>
    %get3A_5 = arith.constant 0 : index
    %get3A_6 = arith.constant 0 : index
    %get3A_7 = vector.load %arg3[%get3A_5, %get3A_6] : memref<2000x128xf32, #tpu.memory_space<vmem>>, vector<2000x128xf32>
    %add3A = arith.addf %get3A_4, %get3A_7 : vector<2000x128xf32>
    %get3A_8 = arith.constant 0 : index
    %get3A_9 = arith.constant 0 : index
    %get3A_10 = vector.load %arg4[%get3A_8, %get3A_9] : memref<2000x16xf32, #tpu.memory_space<vmem>>, vector<2000x16xf32>
    %get3A_11 = arith.constant 0 : index
    %get3A_12 = arith.constant 0 : index
    %get3A_13 = vector.load %arg5[%get3A_11, %get3A_12] : memref<2000x16xf32, #tpu.memory_space<vmem>>, vector<2000x16xf32>
    %add3A_14 = arith.addf %get3A_10, %get3A_13 : vector<2000x16xf32>
    %get3A_15 = arith.constant 0 : index
    %get3A_16 = arith.constant 0 : index
    %get3A_17 = vector.load %arg7[%get3A_15, %get3A_16] : memref<128x128xf32, #tpu.memory_space<vmem>>, vector<128x128xf32>
    %dot_general3A = arith.constant dense<0.000000e+00> : vector<2000x128xf32>
    %dot_general3A_18 = tpu.matmul %get3A_1, %get3A_17, %dot_general3A {dimension_numbers = #tpu.dot_dimension_numbers<[1], [0], [0], [1], [0, 0, 1, 1], [], []>, transpose_lhs_hint = false} : vector<2000x128xf32>, vector<128x128xf32>, vector<2000x128xf32> -> vector<2000x128xf32>
    %get3A_19 = arith.constant 0 : index
    %get3A_20 = arith.constant 0 : index
    %get3A_21 = vector.load %arg8[%get3A_19, %get3A_20] : memref<128x128xf32, #tpu.memory_space<vmem>>, vector<128x128xf32>
    %dot_general3A_22 = arith.constant dense<0.000000e+00> : vector<2000x128xf32>
    %dot_general3A_23 = tpu.matmul %add3A, %get3A_21, %dot_general3A_22 {dimension_numbers = #tpu.dot_dimension_numbers<[1], [0], [0], [1], [0, 0, 1, 1], [], []>, transpose_lhs_hint = false} : vector<2000x128xf32>, vector<128x128xf32>, vector<2000x128xf32> -> vector<2000x128xf32>
    %add3A_24 = arith.addf %dot_general3A_18, %dot_general3A_23 : vector<2000x128xf32>
    %get3A_25 = arith.constant 0 : index
    %get3A_26 = arith.constant 0 : index
    %get3A_27 = vector.load %arg9[%get3A_25, %get3A_26] : memref<1x128xf32, #tpu.memory_space<vmem>>, vector<1x128xf32>
    %add3A_28 = vector.broadcast %get3A_27 : vector<1x128xf32> to vector<2000x128xf32>
    %add3A_29 = arith.addf %add3A_24, %add3A_28 : vector<2000x128xf32>
    %neg3A = arith.constant 0.000000e+00 : f32
    %neg3A_30 = vector.broadcast %neg3A : f32 to vector<2000x128xf32>
    %neg3A_31 = arith.subf %neg3A_30, %add3A_29 : vector<2000x128xf32>
    %exp3A = math.exp %neg3A_31 : vector<2000x128xf32>
    %add3A_32 = arith.constant 1.000000e+00 : f32
    %add3A_33 = vector.broadcast %add3A_32 : f32 to vector<2000x128xf32>
    %add3A_34 = arith.addf %add3A_33, %exp3A : vector<2000x128xf32>
    %div3A = arith.constant 1.000000e+00 : f32
    %div3A_35 = vector.broadcast %div3A : f32 to vector<2000x128xf32>
    %div3A_36 = arith.divf %div3A_35, %add3A_34 : vector<2000x128xf32>
    %mul3A = arith.mulf %add3A_29, %div3A_36 : vector<2000x128xf32>
    %get3A_37 = arith.constant 0 : index
    %get3A_38 = arith.constant 0 : index
    %get3A_39 = vector.load %arg10[%get3A_37, %get3A_38] : memref<128x128xf32, #tpu.memory_space<vmem>>, vector<128x128xf32>
    %dot_general3A_40 = arith.constant dense<0.000000e+00> : vector<2000x128xf32>
    %dot_general3A_41 = tpu.matmul %mul3A, %get3A_39, %dot_general3A_40 {dimension_numbers = #tpu.dot_dimension_numbers<[1], [0], [0], [1], [0, 0, 1, 1], [], []>, transpose_lhs_hint = false} : vector<2000x128xf32>, vector<128x128xf32>, vector<2000x128xf32> -> vector<2000x128xf32>
    %add3A_42 = arith.addf %get3A_1, %dot_general3A_41 : vector<2000x128xf32>
    %get3A_43 = arith.constant 0 : index
    %get3A_44 = arith.constant 0 : index
    %get3A_45 = vector.load %arg11[%get3A_43, %get3A_44] : memref<1x128xf32, #tpu.memory_space<vmem>>, vector<1x128xf32>
    %add3A_46 = vector.broadcast %get3A_45 : vector<1x128xf32> to vector<2000x128xf32>
    %add3A_47 = arith.addf %add3A_42, %add3A_46 : vector<2000x128xf32>
    %swap3A = arith.constant 0 : index
    %swap3A_48 = arith.constant 0 : index
    %swap3A_49 = vector.load %arg12[%swap3A, %swap3A_48] : memref<2000x128xf32, #tpu.memory_space<vmem>>, vector<2000x128xf32>
    tpu.vector_store %arg12[%swap3A, %swap3A_48], %add3A_47 {strides = array<i32>} : memref<2000x128xf32, #tpu.memory_space<vmem>>, vector<2000x128xf32>,
    %iota3A = tpu.iota {dimensions = array<i32: 1>} : vector<2000x16xi32>
    %eq3A = arith.constant 3 : i32
    %eq3A_50 = vector.broadcast %eq3A : i32 to vector<2000x16xi32>
    %eq3A_51 = arith.cmpi eq, %iota3A, %eq3A_50 : vector<2000x16xi32>
    %jit3A = arith.constant 0.000000e+00 : f32
    %broadcast_in_dim3A = vector.broadcast %jit3A : f32 to vector<2000x16xf32>
    %select_n3A = arith.select %eq3A_51, %add3A_14, %broadcast_in_dim3A : vector<2000x16xi1>, vector<2000x16xf32>
    %reduce_sum3A = arith.constant dense<0.000000e+00> : vector<2000xf32>
    %reduce_sum3A_52 = vector.multi_reduction <add>, %select_n3A, %reduce_sum3A [1] : vector<2000x16xf32> to vector<2000xf32>
    %broadcast_in_dim3A_53 = vector.shape_cast %reduce_sum3A_52 : vector<2000xf32> to vector<2000x1xf32>
    %get3A_54 = arith.constant 0 : index
    %get3A_55 = arith.constant 0 : index
    %get3A_56 = vector.load %arg6[%get3A_54, %get3A_55] : memref<2000x16xf32, #tpu.memory_space<vmem>>, vector<2000x16xf32>
    %max3A = arith.constant 1.000000e+00 : f32
    %max3A_57 = vector.broadcast %max3A : f32 to vector<2000x1xf32>
    %max3A_58 = arith.maximumf %broadcast_in_dim3A_53, %max3A_57 : vector<2000x1xf32>
    %div3A_59 = vector.broadcast %max3A_58 : vector<2000x1xf32> to vector<2000x16xf32>
    %div3A_60 = arith.divf %add3A_14, %div3A_59 : vector<2000x16xf32>
    %add3A_61 = arith.addf %get3A_56, %div3A_60 : vector<2000x16xf32>
    %swap3A_62 = arith.constant 0 : index
    %swap3A_63 = arith.constant 0 : index
    %swap3A_64 = vector.load %arg13[%swap3A_62, %swap3A_63] : memref<2000x16xf32, #tpu.memory_space<vmem>>, vector<2000x16xf32>
    tpu.vector_store %arg13[%swap3A_62, %swap3A_63], %add3A_61 {strides = array<i32>} : memref<2000x16xf32, #tpu.memory_space<vmem>>, vector<2000x16xf32>,
    return
  }
  func.func @transform_0(%arg0: i32) -> (i32, i32) {
    %c0_i32 = arith.constant 0 : i32
    %c0_i32_0 = arith.constant 0 : i32
    return %arg0, %c0_i32 : i32, i32
  }
  func.func @transform_1(%arg0: i32) -> (i32, i32) {
    %c0_i32 = arith.constant 0 : i32
    %c0_i32_0 = arith.constant 0 : i32
    return %arg0, %c0_i32 : i32, i32
  }
  func.func @transform_2(%arg0: i32) -> (i32, i32) {
    %c0_i32 = arith.constant 0 : i32
    %c0_i32_0 = arith.constant 0 : i32
    return %arg0, %c0_i32 : i32, i32
  }
  func.func @transform_3(%arg0: i32) -> (i32, i32) {
    %c0_i32 = arith.constant 0 : i32
    %c0_i32_0 = arith.constant 0 : i32
    return %arg0, %c0_i32 : i32, i32
  }
  func.func @transform_4(%arg0: i32) -> (i32, i32) {
    %c0_i32 = arith.constant 0 : i32
    %c0_i32_0 = arith.constant 0 : i32
    return %arg0, %c0_i32 : i32, i32
  }
  func.func @transform_5(%arg0: i32) -> (i32, i32) {
    %c0_i32 = arith.constant 0 : i32
    %c0_i32_0 = arith.constant 0 : i32
    return %arg0, %c0_i32 : i32, i32
  }
  func.func @transform_6(%arg0: i32) -> (i32, i32) {
    %c0_i32 = arith.constant 0 : i32
    %c0_i32_0 = arith.constant 0 : i32
    %c0_i32_1 = arith.constant 0 : i32
    return %c0_i32, %c0_i32_0 : i32, i32
  }
  func.func @transform_7(%arg0: i32) -> (i32, i32) {
    %c0_i32 = arith.constant 0 : i32
    %c0_i32_0 = arith.constant 0 : i32
    %c0_i32_1 = arith.constant 0 : i32
    return %c0_i32, %c0_i32_0 : i32, i32
  }
  func.func @transform_8(%arg0: i32) -> (i32, i32) {
    %c0_i32 = arith.constant 0 : i32
    %c0_i32_0 = arith.constant 0 : i32
    %c0_i32_1 = arith.constant 0 : i32
    return %c0_i32, %c0_i32_0 : i32, i32
  }
  func.func @transform_9(%arg0: i32) -> (i32, i32) {
    %c0_i32 = arith.constant 0 : i32
    %c0_i32_0 = arith.constant 0 : i32
    %c0_i32_1 = arith.constant 0 : i32
    return %c0_i32, %c0_i32_0 : i32, i32
  }
  func.func @transform_10(%arg0: i32) -> (i32, i32) {
    %c0_i32 = arith.constant 0 : i32
    %c0_i32_0 = arith.constant 0 : i32
    %c0_i32_1 = arith.constant 0 : i32
    return %c0_i32, %c0_i32_0 : i32, i32
  }
  func.func @transform_11(%arg0: i32) -> (i32, i32) {
    %c0_i32 = arith.constant 0 : i32
    %c0_i32_0 = arith.constant 0 : i32
    return %arg0, %c0_i32 : i32, i32
  }
  func.func @transform_12(%arg0: i32) -> (i32, i32) {
    %c0_i32 = arith.constant 0 : i32
    %c0_i32_0 = arith.constant 0 : i32
    return %arg0, %c0_i32 : i32, i32
  }
}

</mosaic_0001>

<sc_bundles>
// kernel: kernel.10.cloned.1.call-start
scs
__scs_entry_jumppad:
0x0: {  	(pc) =	sbr.rel $0x88, $3  }
0x1: {  	(tag) =	ssettag $0x0;
	lr =	simm.s32 $0x1  }
0x2: {  	[smem:$0x3F92] =	sst lr;
	_ =	strace $0xD0000000  }
0x3: {  	_ = 	snop  }
0x4: {  	_ = 	snop  }
0x5: {  	_ = 	snop  }
0x6: {  	_ = 	snop  }
0x7: {  	_ = 	snop  }
__scs_overlays_trampoline_lowered:
0x8: {  	[smem:$0x3FA1] =	sst s0  }
0x9: {  	[smem:$0x3FA2] =	sst s1  }
0xa: {  	[smem:$0x3FA3] =	sst s2  }
0xb: {  	[smem:$0x3FA4] =	sst s3  }
0xc: {  	[smem:$0x3FA5] =	sst s4  }
0xd: {  	[smem:$0x3FA6] =	sst s5  }
0xe: {  	[smem:$0x3FA7] =	sst s6  }
0xf: {  	[smem:$0x3FA8] =	sst s7  }
0x10: {  	[smem:$0x3FA9] =	sst s8  }
0x11: {  	[smem:$0x3FAA] =	sst s9;
	s0 =	simm.s32 @!p0 $0x0  }
0x12: {  	s1 =	sld [smem:$0x3F90];
	s0 =	simm.s32 @p0 $0x1  }
0x13: {  	[smem:$0x3FAB] =	sst s0;
	s0 =	simm.s32 @!p1 $0x0  }
0x14: {  	s2 =	sld [smem:$0x3F8F];
	s0 =	simm.s32 @p1 $0x1  }
0x15: {  	[smem:$0x3FAC] =	sst s0;
	s0 =	simm.s32 @!p2 $0x0  }
0x16: {  	s3 =	sld [smem:$0x3FDB];
	s0 =	simm.s32 @p2 $0x1  }
0x17: {  	s4 =	simm.s32 $0x1BF5;
	[smem:$0x3FAE] =	sst s0  }
0x18: {  	s0 =	sld [smem:$0x3F91];
	_ =	swait.ge [sflag:s4], $0x0  }
0x19: {  	s7 =	sld [smem:$0x3F92]  }
0x1a: {  	s8 =	sadd.s32 $0xFFFFE003, lr  }
0x1b: {  	s9 =	sadd.s32 $0xFFFFFEF7, lr;
	s5 =	simm.s32 $0xFFFFFFFF;
	p2 =	slt.u32 s8, $0xFFFFF086  }
0x1c: {  	p1 =	slt.u32 s9, $0xF7A;
	s5 =	simm.s32 @!p2 $0x0  }
0x1d: {  	s5 =	simm.s32 @p1 $0x1;
	p0 =	seq.s32 s7, s2  }
0x1e: {  	s7 =	smul.u32 @!p0 $0xF7A, s2;
	p2 =	seq.s32 @!p0 s5, $0x0  }
0x1f: {  	s9 =	smul.u32 $0xF7A, s1;
	s8 =	simm.s32 @!p0 $0x1BF5;
	p2 =	por !p2, p0  }
0x20: {  	[sflag:s8] =	ssyncset.s32 @!p0 $0xFFFFF086;
	s6 =	sadd.s32 @!p0 s3, s7;
	s7 =	simm.s32 @!p0 $0x108  }
0x21: {  	s3 =	sadd.s32 s3, s9;
	s6 =	sadd.s32 @!p0 $0x88, s6;
	s7 =	simm.s32 @p2 $0x1082  }
0x22: {  	[simem:s7], [sflag:s8] =	dma.local @!p0 [hbm:s6], $0xF7A  }
0x23: {  	s9 =	sor.u32 $0xD0000000, s2;
	s6 =	simm.s32 $0x108;
	_ =	swait.ge @!p0 [sflag:s8], $0x0  }
0x24: {  	s3 =	sadd.s32 $0x88, s3;
	s6 =	simm.s32 @!p1 $0x1082;
	[sflag:s4] =	ssyncset.s32 $0xFFFFF086  }
0x25: {  	[simem:s6], [sflag:s4] =	dma.local [hbm:s3], $0xF7A  }
0x26: {  	[smem:$0x3F92] =	sst s1;
	(tag) =	ssettag s2;
	_ =	strace s9  }
0x27: {  	s1 =	sld [smem:$0x3FA2]  }
0x28: {  	s2 =	sld [smem:$0x3FA3]  }
0x29: {  	s4 =	sld [smem:$0x3FA5]  }
0x2a: {  	p0 =	seq.s32 s5, $0x0;
	s5 =	sld [smem:$0x3FA6]  }
0x2b: {  	s6 =	sld [smem:$0x3FA7]  }
0x2c: {  	s7 =	sld [smem:$0x3FA8]  }
0x2d: {  	s3 =	simm.s32 $0x108;
	s8 =	sld [smem:$0x3FA9]  }
0x2e: {  	s3 =	simm.s32 @!p0 $0x1082;
	s9 =	sld [smem:$0x3FAA]  }
0x2f: {  	lr =	sadd.s32 s0, s3;
	s0 =	sld [smem:$0x3FA1]  }
0x30: {  	s3 =	sld [smem:$0x3FA4]  }
0x31: {  	[smem:$0x3FAD] =	sst s10  }
0x32: {  	s10 =	sld [smem:$0x3FAB];
	_ =	sdelay $0x3  }
0x33: {  	p0 =	seq.s32 s10, $0x1;
	s10 =	sld [smem:$0x3FAD];
	_ =	sdelay $0x3  }
0x34: {  	[smem:$0x3FAD] =	sst s10  }
0x35: {  	s10 =	sld [smem:$0x3FAC];
	_ =	sdelay $0x3  }
0x36: {  	p1 =	seq.s32 s10, $0x1;
	s10 =	sld [smem:$0x3FAD];
	_ =	sdelay $0x3  }
0x37: {  	[smem:$0x3FAD] =	sst s10  }
0x38: {  	s10 =	sld [smem:$0x3FAE]  }
0x39: {  	_ = 	snop;
	(pc) =	sbr.ind lr, $3  }
0x3a: {  	_ = 	snop  }
0x3b: {  	_ = 	snop  }
0x3c: {  	p2 =	seq.s32 s10, $0x1;
	s10 =	sld [smem:$0x3FAD]  }
0x3d: {  	_ =	shalt  }
0x3e: {  	_ =	shalt  }
0x3f: {  	_ =	shalt  }
0x40: {  	_ =	shalt  }
0x41: {  	_ =	shalt  }
0x42: {  	_ =	shalt  }
0x43: {  	_ =	shalt  }
0x44: {  	_ =	shalt  }
0x45: {  	_ =	shalt  }
0x46: {  	_ =	shalt  }
0x47: {  	_ =	shalt  }
0x48: {  	_ =	shalt  }
0x49: {  	_ =	shalt  }
0x4a: {  	_ =	shalt  }
0x4b: {  	_ =	shalt  }
0x4c: {  	_ =	shalt  }
0x4d: {  	_ =	shalt  }
0x4e: {  	_ =	shalt  }
0x4f: {  	_ =	shalt  }
0x50: {  	_ =	shalt  }
0x51: {  	_ =	shalt  }
0x52: {  	_ =	shalt  }
0x53: {  	_ =	shalt  }
0x54: {  	_ =	shalt  }
0x55: {  	_ =	shalt  }
0x56: {  	_ =	shalt  }
0x57: {  	_ =	shalt  }
0x58: {  	_ =	shalt  }
0x59: {  	_ =	shalt  }
0x5a: {  	_ =	shalt  }
0x5b: {  	_ =	shalt  }
0x5c: {  	_ =	shalt  }
0x5d: {  	_ =	shalt  }
0x5e: {  	_ =	shalt  }
0x5f: {  	_ =	shalt  }
0x60: {  	_ =	shalt  }
0x61: {  	_ =	shalt  }
0x62: {  	_ =	shalt  }
0x63: {  	_ =	shalt  }
0x64: {  	_ =	shalt  }
0x65: {  	_ =	shalt  }
0x66: {  	_ =	shalt  }
0x67: {  	_ =	shalt  }
0x68: {  	_ =	shalt  }
0x69: {  	_ =	shalt  }
0x6a: {  	_ =	shalt  }
0x6b: {  	_ =	shalt  }
0x6c: {  	_ =	shalt  }
0x6d: {  	_ =	shalt  }
0x6e: {  	_ =	shalt  }
0x6f: {  	_ =	shalt  }
0x70: {  	_ =	shalt  }
0x71: {  	_ =	shalt  }
0x72: {  	_ =	shalt  }
0x73: {  	_ =	shalt  }
0x74: {  	_ =	shalt  }
0x75: {  	_ =	shalt  }
0x76: {  	_ =	shalt  }
0x77: {  	_ =	shalt  }
0x78: {  	_ =	shalt  }
0x79: {  	_ =	shalt  }
0x7a: {  	_ =	shalt  }
0x7b: {  	_ =	shalt  }
0x7c: {  	_ =	shalt  }
0x7d: {  	_ =	shalt  }
0x7e: {  	_ =	shalt  }
0x7f: {  	_ =	shalt  }
0x80: {  	_ =	shalt  }
0x81: {  	_ =	shalt  }
0x82: {  	_ =	shalt  }
0x83: {  	_ =	shalt  }
0x84: {  	_ =	shalt  }
0x85: {  	_ =	shalt  }
0x86: {  	_ =	shalt  }
0x87: {  	_ =	shalt  }
.Lfunc_end0:
.L_simem_size_0:
called_computation.1_lowered:
.L_overlay_start_0:
0x88: {  	s2 =	sld [smem:$0x3FD9]  }
0x89: {  	s3 =	sld [smem:$0x3FFE];
	_ =	sdelay $0x1  }
0x8a: {  	s1 =	srdreg.scid  }
0x8b: {  	s0 =	sand.u32 $0x1, s1  }
0x8c: {  	s14 =	sshll.u32 s0, $0xA;
	s2 =	sadd.s32 s3, s2  }
0x8d: {  	s2 =	sadd.s32 s2, s14  }
0x8e: {  	[smem:$0x3FB9] =	sst s2  }
0x8f: {  	_ = 	snop  }
0x90: {  	s2 =	sld [smem:$0x3FD0];
	_ =	sdelay $0x2  }
0x91: {  	s15 =	simm.s32 $0xA;
	s4 =	simm.s32 $0x10  }
0x92: {  	[smem:s4], [sflag:s15] =	dma.local [hbm:s2], $0x1  }
0x93: {  	_ =	swait.eq [sflag:s15], $0x1  }
0x94: {  	[sflag:s15] =	ssyncset.done $0x0  }
0x95: {  	[sflag:s15] =	ssyncadd.s32 $0xFFFFFFFF  }
0x96: {  	s16 =	sld [smem:$0x12];
	(tm) =	ssettm $0x1  }
0x97: {  	s17 =	sld [smem:$0x3FFB];
	_ =	sdelay $0x3  }
0x98: {  	_ =	strace s17  }
0x99: {  	s3 =	sld [smem:$0x3FFC];
	_ =	sdelay $0x3  }
0x9a: {  	_ =	strace s3  }
0x9b: {  	s3 =	sld [smem:$0x3FFD];
	_ =	sdelay $0x3  }
0x9c: {  	_ =	strace s3  }
0x9d: {  	_ =	strace $0x8FFFFFFF  }
0x9e: {  	s18 =	sld [smem:$0x3FDB];
	_ =	sdelay $0x1  }
0x9f: {  	s19 =	simm.s32 $_scs_section_size  }
0xa0: {  	s5 =	simm.s32 $_size__tile_overlayer_lowered;
	s6 =	simm.s32 $_tile_overlayer_lowered  }
0xa1: {  	s22 =	simm.s32 $0x1BFF;
	s21 =	sshll.u32 s6, $0x1;
	s3 =	sadd.s32 s19, s18  }
0xa2: {  	s7 =	simm.s32 $0x0;
	s20 =	sshll.u32 s5, $0x1;
	s5 =	sadd.s32 s21, s3  }
0xa3: {  	[timem:s7], [sflag:s22] =	dma.local [hbm:s5], s20  }
0xa4: {  	_ =	swait.ge [sflag:s22], s20  }
0xa5: {  	s4 =	ssub.s32 $0x0, s20;
	[sflag:s22] =	ssyncset.done $0x0  }
0xa6: {  	[sflag:s22] =	ssyncadd.s32 s4;
	_ =	sdelay $0x1  }
0xa7: {  	s23 =	simm.s32 $0x1B8B  }
0xa8: {  	_ =	swait.ge [sflag:s23], $0x1  }
0xa9: {  	[sflag:s23] =	ssyncset.done $0x0  }
0xaa: {  	s25 =	simm.s32 $0x1B8E;
	s24 =	sld [smem:$0x3FFE];
	[sflag:s23] =	ssyncadd.s32 $0xFFFFFFFF  }
0xab: {  	s26 =	simm.s32 $execute0_lowered;
	[smem:$0x3FD2] =	sst s25  }
0xac: {  	s5 =	sshll.u32 s26, $0x1;
	_ =	strace $0x80000049;
	[dreg:$0x1] =	wrdreg $0xFFFFFFFF  }
0xad: {  	s28 =	simm.s32 $_size_execute0_lowered;
	s3 =	sadd.s32 s3, s5;
	[dreg:$0x0] =	wrdreg $0x0  }
0xae: {  	s5 =	sshll.u32 s28, $0x1;
	[dreg:$0x2] =	wrdreg s3  }
0xaf: {  	[dreg:$0x3] =	wrdreg s5  }
0xb0: {  	[dreg:$0x4] =	wrdreg $0xC0  }
0xb1: {  	_ =	task [dreg:s7], $0x5FFFF  }
0xb2: {  	[dreg:$0x1] =	wrdreg $0xFFFFFFFF  }
0xb3: {  	[dreg:$0x0] =	wrdreg $0x60  }
0xb4: {  	[dreg:$0x2] =	wrdreg s24  }
0xb5: {  	[dreg:$0x3] =	wrdreg s16  }
0xb6: {  	[dreg:$0x4] =	wrdreg $0x7D000  }
0xb7: {  	[dreg:$0x5] =	wrdreg $0x9  }
0xb8: {  	_ =	task.clear_ibuf [dreg:s7], $0x6FFFF;
	_ =	strace $0x90000049  }
0xb9: {  	s29 =	simm.s32 $0x9;
	_ =	strace $0x8000004B  }
0xba: {  	_ =	swait.ge [sflag:s29], $0x1  }
0xbb: {  	[sflag:s29] =	ssyncadd.s32 $0xFFFFFFFF  }
0xbc: {  	_ =	strace $0x9000004B  }
0xbd: {  	_ =	sfence  }
0xbe: {  	s30 =	sld [smem:$0x0];
	_ =	sdelay $0x2  }
0xbf: {  	s31 =	sshll.u32 s1, $0xD;
	s1 =	sshrl.u32 s1, $0x2  }
0xc0: {  	s3 =	sand.u32 $0x4000, s31;
	s1 =	sadd.s32 s1, s30  }
0xc1: {  	s0 =	sor.u32 s3, s0;
	s1 =	sshll.u32 s1, $0x11  }
0xc2: {  	s0 =	sor.u32 s1, s0  }
0xc3: {  	s0 =	sadd.s32 $0x8F2B, s0  }
0xc4: {  	[sflag:s0] =	ssyncadd.remote.s32 $0x1  }
0xc5: {  	_ =	sfence.sel $0xFFFF  }
0xc6: {  	[dreg:$0x0] =	wrdreg $0xFFFFFFFF;
	(pc) =	sbr.abs _section_cstart, $3  }
0xc7: {  	[dreg:$0x1] =	wrdreg $0xFFFFFFFF  }
0xc8: {  	_ =	task.clear_ibuf [dreg:s7], $0x2FFFF;
	_ =	strace $0x9FFFFFFF  }
0xc9: {  	(tm) =	ssettm $0x7FFFFFFF  }
tec
execute0_lowered:
.L_overlay_start_1:
0x0: {  	(tag) =	ssettag $0x1  }
0x1: {  	s0 =	rddreg [dreg:$0x0]  }
0x2: {  	s2 =	rddreg [dreg:$0x1]  }
0x3: {  	s1 =	rddreg [dreg:$0x2];
	s3 =	simm.s32 $0x0;
	s4 =	srdreg.scid  }
0x4: {  	s18 =	stileid.u32;
	s20 =	simm.s32 $0x100;
	s21 =	simm.s32 $0x50  }
0x5: {  	s22 =	simm.s32 $0x80;
	s23 =	simm.s32 $0x2900;
	s24 =	simm.s32 $0x5100  }
0x6: {  	s25 =	simm.s32 $0x0;
	s12 =	sand.u32 $0x1, s4;
	s16 =	smul.u32 $0x4E200, s18  }
0x7: {  	s6 =	sshll.u32 s18, $0x1;
	s13 =	sshll.u32 s18, $0xA;
	s18 =	smul.u32 $0x4E20, s18  }
0x8: {  	[smem:$0x7FF] =	sst s3;
	s11 =	sadd.s32 $0xEBE800, s0;
	s15 =	smul.u32 $0x140000, s12  }
0x9: {  	s4 =	sadd.s32 $0x13A0800, s0;
	s5 =	sadd.s32 $0xDE00, s0;
	s17 =	smul.u32 $0x27100, s12  }
0xa: {  	s0 =	sadd.s32 $0x17C00, s0;
	s7 =	sor.u32 s12, s6;
	s19 =	smul.u32 $0x2710, s12  }
0xb: {  	_ =	strace $0x8000004A;
	s8 =	ssub.s32 $0x2, s12;
	s6 =	smul.u32 $0x2710, s7  }
0xc: {  	s9 =	sshrl.u32 s8, $0x1;
	s10 =	smul.u32 $0x138800, s7;
	s7 =	sadd.s32 s13, s1  }
0xd: {  	s16 =	sadd.s32 s16, s11;
	s14 =	ssub.s32 s8, s9;
	s15 =	sor.u32 s13, s15  }
0xe: {  	s12 =	sadd.s32 s17, s16;
	s13 =	sadd.s32 s19, s18;
	s18 =	simm.s32 $0x7900  }
0xf: {  	s19 =	simm.s32 $0x1;
	s26 =	sshrl.u32 s6, $0x3;
	s28 =	sshrl.u32 s10, $0x3  }
0x10: {  	s29 =	sadd.s32 $0xA0000, s15;
	s30 =	sshrl.u32 s15, $0x3;
	s8 =	sadd.s32 s5, s26  }
0x11: {  	s10 =	sadd.s32 $0x26C00, s28;
	s31 =	sshrl.u32 s29, $0x3;
	s16 =	sadd.s32 s30, s0  }
0x12: {  	s9 =	sadd.s32 s11, s10;
	s10 =	sadd.s32 s4, s10;
	s11 =	smax.u32 s14, $0x1  }
0x13: {  	v0 =	vimm.f32 $0.0e+00;
	s14 =	sadd.s32 s30, s2;
	s15 =	sadd.s32 s31, s2;
	s17 =	sadd.s32 s31, s0  }
.LBB2_1:
0x14: {  	[tilespmem:$0x7900] =	vst v0  }
0x15: {  	[tilespmem:$0x7910] =	vst v0  }
0x16: {  	[tilespmem:$0x7920] =	vst v0  }
0x17: {  	[tilespmem:$0x7930] =	vst v0  }
0x18: {  	[tilespmem:$0x7940] =	vst v0  }
0x19: {  	[tilespmem:$0x7950] =	vst v0  }
0x1a: {  	[tilespmem:$0x7960] =	vst v0  }
0x1b: {  	[tilespmem:$0x7970] =	vst v0  }
0x1c: {  	[tilespmem:$0x7980] =	vst v0  }
0x1d: {  	[tilespmem:$0x7990] =	vst v0  }
0x1e: {  	[tilespmem:$0x79A0] =	vst v0  }
0x1f: {  	[tilespmem:$0x79B0] =	vst v0  }
0x20: {  	[tilespmem:$0x79C0] =	vst v0  }
0x21: {  	[tilespmem:$0x79D0] =	vst v0  }
0x22: {  	[tilespmem:$0x79E0] =	vst v0  }
0x23: {  	[tilespmem:$0x79F0] =	vst v0  }
0x24: {  	[tilespmem:$0x7A00] =	vst v0  }
0x25: {  	[tilespmem:$0x7A10] =	vst v0  }
0x26: {  	[tilespmem:$0x7A20] =	vst v0  }
0x27: {  	[tilespmem:$0x7A30] =	vst v0  }
0x28: {  	[tilespmem:$0x7A40] =	vst v0  }
0x29: {  	[tilespmem:$0x7A50] =	vst v0  }
0x2a: {  	[tilespmem:$0x7A60] =	vst v0  }
0x2b: {  	[tilespmem:$0x7A70] =	vst v0  }
0x2c: {  	[tilespmem:$0x7A80] =	vst v0  }
0x2d: {  	[tilespmem:$0x7A90] =	vst v0  }
0x2e: {  	[tilespmem:$0x7AA0] =	vst v0  }
0x2f: {  	[tilespmem:$0x7AB0] =	vst v0  }
0x30: {  	[tilespmem:$0x7AC0] =	vst v0  }
0x31: {  	[tilespmem:$0x7AD0] =	vst v0  }
0x32: {  	[tilespmem:$0x7AE0] =	vst v0  }
0x33: {  	[tilespmem:$0x7AF0] =	vst v0  }
0x34: {  	[tilespmem:$0x7B00] =	vst v0  }
0x35: {  	[tilespmem:$0x7B10] =	vst v0  }
0x36: {  	[tilespmem:$0x7B20] =	vst v0  }
0x37: {  	[tilespmem:$0x7B30] =	vst v0  }
0x38: {  	[tilespmem:$0x7B40] =	vst v0  }
0x39: {  	[tilespmem:$0x7B50] =	vst v0  }
0x3a: {  	[tilespmem:$0x7B60] =	vst v0  }
0x3b: {  	[tilespmem:$0x7B70] =	vst v0  }
0x3c: {  	[tilespmem:$0x7B80] =	vst v0  }
0x3d: {  	[tilespmem:$0x7B90] =	vst v0  }
0x3e: {  	[tilespmem:$0x7BA0] =	vst v0  }
0x3f: {  	[tilespmem:$0x7BB0] =	vst v0  }
0x40: {  	[tilespmem:$0x7BC0] =	vst v0  }
0x41: {  	[tilespmem:$0x7BD0] =	vst v0  }
0x42: {  	[tilespmem:$0x7BE0] =	vst v0  }
0x43: {  	[tilespmem:$0x7BF0] =	vst v0  }
0x44: {  	[tilespmem:$0x7C00] =	vst v0  }
0x45: {  	[tilespmem:$0x7C10] =	vst v0  }
0x46: {  	[tilespmem:$0x7C20] =	vst v0  }
0x47: {  	[tilespmem:$0x7C30] =	vst v0  }
0x48: {  	[tilespmem:$0x7C40] =	vst v0  }
0x49: {  	[tilespmem:$0x7C50] =	vst v0  }
0x4a: {  	[tilespmem:$0x7C60] =	vst v0  }
0x4b: {  	[tilespmem:$0x7C70] =	vst v0  }
0x4c: {  	[tilespmem:$0x7C80] =	vst v0  }
0x4d: {  	[tilespmem:$0x7C90] =	vst v0  }
0x4e: {  	[tilespmem:$0x7CA0] =	vst v0  }
0x4f: {  	[tilespmem:$0x7CB0] =	vst v0  }
0x50: {  	[tilespmem:$0x7CC0] =	vst v0  }
0x51: {  	[tilespmem:$0x7CD0] =	vst v0  }
0x52: {  	[tilespmem:$0x7CE0] =	vst v0  }
0x53: {  	[tilespmem:$0x7CF0] =	vst v0;
	s26 =	simm.s32 $0x0;
	s28 =	simm.s32 $0x200  }
.LBB2_2:
0x54: {  	p0 =	sne.s32 s28, $0x9E00;
	[tilespmem:s26+$0x5170] =	vst v0  }
0x55: {  	[tilespmem:s26+$0x5100] =	vst v0  }
0x56: {  	[tilespmem:s26+$0x5110] =	vst v0  }
.Ltmp0:
0x57: {  	[tilespmem:s26+$0x5120] =	vst v0;
	(pc) =	sbr.rel @p0 .LBB2_2-.Ltmp0, $4  }
0x58: {  	[tilespmem:s26+$0x5130] =	vst v0  }
0x59: {  	[tilespmem:s26+$0x5140] =	vst v0  }
0x5a: {  	[tilespmem:s26+$0x5150] =	vst v0  }
0x5b: {  	[tilespmem:s26+$0x5160] =	vst v0;
	s26 =	sshra.s32 s28, $0x2;
	s28 =	sadd.s32 $0x200, s28  }
0x5c: {  	[tilespmem:s26+$0x5170] =	vst v0  }
0x5d: {  	[tilespmem:s26+$0x5100] =	vst v0  }
0x5e: {  	[tilespmem:s26+$0x5110] =	vst v0  }
0x5f: {  	[tilespmem:s26+$0x5120] =	vst v0  }
0x60: {  	[tilespmem:s26+$0x5130] =	vst v0  }
0x61: {  	[tilespmem:s26+$0x5140] =	vst v0  }
0x62: {  	[tilespmem:s26+$0x5150] =	vst v0  }
0x63: {  	[tilespmem:s26+$0x5160] =	vst v0;
	s0 =	sadd.s32 $0x0, s7  }
0x64: {  	[spmem:s0] =	stream.linear.scatter [tilespmem:s18], [sflag:$0x1], $0x400, $0x38;
	[tilespmem:$0x11D00] =	vst v63  }
0x65: {  	s26 =	simm.s32 $0x10000;
	_ =	swait.ge [sflag:s19], $0x400  }
.LBB2_4:
0x66: {  	s0 =	sshra.s32 s26, $0x2;
	[sflag:s19] =	ssyncset.done $0x0;
	p0 =	sne.s32 s26, $0x270000  }
.Ltmp1:
0x67: {  	s0 =	sadd.s32 s0, s7;
	[sflag:s19] =	ssyncadd.s32 $0xFFFFFC00;
	(pc) =	sbr.rel @p0 .LBB2_4-.Ltmp1, $3  }
0x68: {  	[spmem:s0] =	stream.linear.scatter [tilespmem:s18], [sflag:$0x1], $0x400, $0x38;
	[tilespmem:$0x11D00] =	vst v63  }
0x69: {  	s26 =	sadd.s32 $0x10000, s26;
	_ =	sdelay $0x1  }
0x6a: {  	_ =	swait.ge [sflag:s19], $0x400  }
0x6b: {  	[sflag:s19] =	ssyncset.done $0x0  }
0x6c: {  	[sflag:s19] =	ssyncadd.s32 $0xFFFFFC00  }
0x6d: {  	[bflag:$0x0] =	sbarrier.arrive $0xFFFF  }
0x6e: {  	[tilespmem:s3], [sflag:$0x1] =	stream.linear.gather [hbm4b:s8+s3], $0x50, $0x38;
	[tilespmem:$0x11D00] =	vst v63  }
0x6f: {  	_ =	swait.ge [sflag:s19], $0x50  }
0x70: {  	[sflag:s19] =	ssyncset.done $0x0  }
0x71: {  	[sflag:s19] =	ssyncadd.s32 $0xFFFFFFB0  }
0x72: {  	v1 =	vld [tilespmem:$0x0]  }
0x73: {  	v2 =	vld [tilespmem:$0x10]  }
0x74: {  	v3 =	vld [tilespmem:$0x20]  }
0x75: {  	v4 =	vld [tilespmem:$0x30]  }
0x76: {  	v5 =	vld [tilespmem:$0x40]  }
0x77: {  	v1 =	vmin.u32 v1, $0x13C0  }
0x78: {  	[tilespmem:$0x80] =	vst v1;
	v1 =	vmin.u32 v2, $0x13C0  }
0x79: {  	[tilespmem:$0x90] =	vst v1;
	v1 =	vmin.u32 v3, $0x13C0  }
0x7a: {  	[tilespmem:$0xA0] =	vst v1;
	v1 =	vmin.u32 v4, $0x13C0  }
0x7b: {  	[tilespmem:$0xB0] =	vst v1;
	v1 =	vmin.u32 v5, $0x13C0  }
0x7c: {  	[tilespmem:$0xC0] =	vst v1  }
0x7d: {  	[tilespmem:s20], [sflag:$0x1] =	stream.linear.gather [hbm4b:s12+s3], $0x2800, $0x38;
	[tilespmem:$0x11D00] =	vst v63  }
0x7e: {  	_ =	swait.ge [sflag:s19], $0x2800  }
0x7f: {  	[sflag:s19] =	ssyncset.done $0x0  }
0x80: {  	[sflag:s19] =	ssyncadd.s32 $0xFFFFD800  }
0x81: {  	[spmem:s1] =	stream.indirect.scatter.add.f32 [tilespmem:s20], [sflag:$0x1], $0x80, s22, s21, $0xb8;
	[tilespmem:$0x11D00] =	vst v63  }
0x82: {  	s0 =	sadd.s32 $0x50, s13;
	_ =	swait.ge [sflag:s19], $0x2800  }
0x83: {  	s0 =	sshrl.u32 s0, $0x3;
	[sflag:s19] =	ssyncset.done $0x0  }
0x84: {  	s0 =	sadd.s32 s5, s0;
	[sflag:s19] =	ssyncadd.s32 $0xFFFFD800  }
0x85: {  	[tilespmem:s3], [sflag:$0x1] =	stream.linear.gather [hbm4b:s0+s3], $0x50, $0x38;
	[tilespmem:$0x11D00] =	vst v63  }
0x86: {  	_ =	swait.ge [sflag:s19], $0x50  }
0x87: {  	[sflag:s19] =	ssyncset.done $0x0  }
0x88: {  	[sflag:s19] =	ssyncadd.s32 $0xFFFFFFB0  }
0x89: {  	v3 =	vld [tilespmem:$0x40]  }
0x8a: {  	v4 =	vld [tilespmem:$0x20]  }
0x8b: {  	v2 =	vld [tilespmem:$0x0]  }
0x8c: {  	s26 =	simm.s32 $0xA0;
	s28 =	smov.u32 s12;
	v1 =	vld [tilespmem:$0x10]  }
.LBB2_6:
0x8d: {  	p0 =	sne.s32 s26, $0x26C0  }
0x8e: {  	v5 =	vld [tilespmem:$0x30];
	s28 =	sadd.s32 $0x500, s28;
	s0 =	smov.u32 s26;
	s26 =	sadd.s32 $0x50, s26  }
0x8f: {  	v3 =	vmin.u32 v3, $0x13C0  }
0x90: {  	v4 =	vmin.u32 v4, $0x13C0;
	[tilespmem:$0xC0] =	vst v3  }
0x91: {  	v2 =	vmin.u32 v2, $0x13C0;
	[tilespmem:$0xA0] =	vst v4  }
0x92: {  	[tilespmem:$0x80] =	vst v2;
	v1 =	vmin.u32 v1, $0x13C0  }
0x93: {  	[tilespmem:$0x90] =	vst v1;
	v1 =	vmin.u32 v5, $0x13C0  }
0x94: {  	[tilespmem:$0xB0] =	vst v1  }
0x95: {  	[tilespmem:s20], [sflag:$0x1] =	stream.linear.gather [hbm4b:s28+s3], $0x2800, $0x38;
	[tilespmem:$0x11D00] =	vst v63  }
0x96: {  	_ =	swait.ge [sflag:s19], $0x2800  }
0x97: {  	[sflag:s19] =	ssyncset.done $0x0  }
0x98: {  	[sflag:s19] =	ssyncadd.s32 $0xFFFFD800  }
0x99: {  	[spmem:s1] =	stream.indirect.scatter.add.f32 [tilespmem:s20], [sflag:$0x1], $0x80, s22, s21, $0xb8;
	[tilespmem:$0x11D00] =	vst v63  }
0x9a: {  	s0 =	sadd.s32 s0, s13;
	_ =	swait.ge [sflag:s19], $0x2800  }
0x9b: {  	s0 =	sshrl.u32 s0, $0x3;
	[sflag:s19] =	ssyncset.done $0x0  }
0x9c: {  	s0 =	sadd.s32 s5, s0;
	[sflag:s19] =	ssyncadd.s32 $0xFFFFD800  }
0x9d: {  	[tilespmem:s3], [sflag:$0x1] =	stream.linear.gather [hbm4b:s0+s3], $0x50, $0x38;
	[tilespmem:$0x11D00] =	vst v63  }
0x9e: {  	_ =	swait.ge [sflag:s19], $0x50  }
0x9f: {  	[sflag:s19] =	ssyncset.done $0x0  }
.Ltmp2:
0xa0: {  	[sflag:s19] =	ssyncadd.s32 $0xFFFFFFB0;
	(pc) =	sbr.rel @p0 .LBB2_6-.Ltmp2, $4  }
0xa1: {  	v3 =	vld [tilespmem:$0x40]  }
0xa2: {  	v4 =	vld [tilespmem:$0x20]  }
0xa3: {  	v2 =	vld [tilespmem:$0x0]  }
0xa4: {  	v1 =	vld [tilespmem:$0x10]  }
0xa5: {  	v5 =	vld [tilespmem:$0x30]  }
0xa6: {  	v3 =	vmin.u32 v3, $0x13C0  }
0xa7: {  	v4 =	vmin.u32 v4, $0x13C0;
	[tilespmem:$0xC0] =	vst v3  }
0xa8: {  	v2 =	vmin.u32 v2, $0x13C0;
	[tilespmem:$0xA0] =	vst v4  }
0xa9: {  	[tilespmem:$0x80] =	vst v2;
	v1 =	vmin.u32 v1, $0x13C0  }
0xaa: {  	[tilespmem:$0x90] =	vst v1;
	v1 =	vmin.u32 v5, $0x13C0  }
0xab: {  	s0 =	simm.s32 $0x0;
	[tilespmem:$0xB0] =	vst v1  }
0xac: {  	[tilespmem:s20], [sflag:$0x1] =	stream.linear.gather [hbm4b:s9+s0], $0x2800, $0x38;
	[tilespmem:$0x11D00] =	vst v63  }
0xad: {  	_ =	swait.ge [sflag:s19], $0x2800  }
0xae: {  	[sflag:s19] =	ssyncset.done $0x0  }
0xaf: {  	[sflag:s19] =	ssyncadd.s32 $0xFFFFD800  }
0xb0: {  	[spmem:s1] =	stream.indirect.scatter.add.f32 [tilespmem:s20], [sflag:$0x1], $0x80, s22, s21, $0xb8;
	[tilespmem:$0x11D00] =	vst v63  }
0xb1: {  	_ =	swait.ge [sflag:s19], $0x2800  }
0xb2: {  	s31 =	stileid.u32;
	[sflag:s19] =	ssyncset.done $0x0  }
0xb3: {  	s2 =	sadd.s32 $0x0, s14;
	s0 =	sshll.u32 s31, $0x6;
	[sflag:s19] =	ssyncadd.s32 $0xFFFFD800  }
0xb4: {  	s28 =	sshrl.u32 s7, $0x3;
	s26 =	sor.u32 $0x1C01, s0;
	[bflag:$0x0] =	sbarrier.arrive $0xFFFF  }
0xb5: {  	[hbm:s2], [sflag:s26] =	dma.local [spmem:s28], $0x80  }
0xb6: {  	s29 =	simm.s32 $0x800;
	s30 =	sadd.s32 $0x4000, s7;
	_ =	swait.ge [sflag:s19], $0x80  }
.LBB2_8:
0xb7: {  	s0 =	sadd.s32 s29, s14;
	[sflag:s19] =	ssyncset.done $0x0;
	p0 =	sne.s32 s29, $0x13800  }
.Ltmp3:
0xb8: {  	s2 =	sshrl.u32 s30, $0x3;
	[sflag:s19] =	ssyncadd.s32 $0xFFFFFF80;
	(pc) =	sbr.rel @p0 .LBB2_8-.Ltmp3, $3  }
0xb9: {  	[hbm:s0], [sflag:s26] =	dma.local [spmem:s2], $0x80  }
0xba: {  	s29 =	sadd.s32 $0x800, s29;
	_ =	sdelay $0x1  }
0xbb: {  	s30 =	sadd.s32 $0x4000, s30;
	_ =	swait.ge [sflag:s19], $0x80  }
0xbc: {  	[sflag:s19] =	ssyncset.done $0x0  }
0xbd: {  	[sflag:s19] =	ssyncadd.s32 $0xFFFFFF80  }
0xbe: {  	s0 =	sadd.s32 $0x0, s7;
	[bflag:$0x0] =	sbarrier.arrive $0xFFFF  }
0xbf: {  	[spmem:s0] =	stream.linear.scatter [tilespmem:s18], [sflag:$0x1], $0x400, $0x38;
	[tilespmem:$0x11D00] =	vst v63  }
0xc0: {  	s29 =	simm.s32 $0x10000;
	_ =	swait.ge [sflag:s19], $0x400  }
.LBB2_10:
0xc1: {  	s0 =	sshra.s32 s29, $0x2;
	[sflag:s19] =	ssyncset.done $0x0;
	p0 =	sne.s32 s29, $0x270000  }
.Ltmp4:
0xc2: {  	s0 =	sadd.s32 s0, s7;
	[sflag:s19] =	ssyncadd.s32 $0xFFFFFC00;
	(pc) =	sbr.rel @p0 .LBB2_10-.Ltmp4, $3  }
0xc3: {  	[spmem:s0] =	stream.linear.scatter [tilespmem:s18], [sflag:$0x1], $0x400, $0x38;
	[tilespmem:$0x11D00] =	vst v63  }
0xc4: {  	s29 =	sadd.s32 $0x10000, s29;
	_ =	sdelay $0x1  }
0xc5: {  	_ =	swait.ge [sflag:s19], $0x400  }
0xc6: {  	[sflag:s19] =	ssyncset.done $0x0  }
0xc7: {  	[sflag:s19] =	ssyncadd.s32 $0xFFFFFC00  }
0xc8: {  	[bflag:$0x0] =	sbarrier.arrive $0xFFFF  }
0xc9: {  	[tilespmem:s3], [sflag:$0x1] =	stream.linear.gather [hbm4b:s8+s3], $0x50, $0x38;
	[tilespmem:$0x11D00] =	vst v63  }
0xca: {  	_ =	swait.ge [sflag:s19], $0x50  }
0xcb: {  	[sflag:s19] =	ssyncset.done $0x0  }
0xcc: {  	[sflag:s19] =	ssyncadd.s32 $0xFFFFFFB0  }
0xcd: {  	v1 =	vld [tilespmem:$0x0]  }
0xce: {  	v2 =	vld [tilespmem:$0x10]  }
0xcf: {  	v3 =	vld [tilespmem:$0x20]  }
0xd0: {  	v4 =	vld [tilespmem:$0x30]  }
0xd1: {  	v5 =	vld [tilespmem:$0x40]  }
0xd2: {  	v1 =	vadd.s32 $0xFFFFEC40, v1  }
0xd3: {  	v2 =	vadd.s32 $0xFFFFEC40, v2;
	v1 =	vmin.u32 v1, $0x13C0  }
0xd4: {  	[tilespmem:$0x80] =	vst v1;
	v1 =	vmin.u32 v2, $0x13C0;
	v2 =	vadd.s32 $0xFFFFEC40, v3  }
0xd5: {  	[tilespmem:$0x90] =	vst v1;
	v1 =	vmin.u32 v2, $0x13C0;
	v2 =	vadd.s32 $0xFFFFEC40, v4  }
0xd6: {  	[tilespmem:$0xA0] =	vst v1;
	v1 =	vmin.u32 v2, $0x13C0;
	v2 =	vadd.s32 $0xFFFFEC40, v5  }
0xd7: {  	[tilespmem:$0xB0] =	vst v1;
	v1 =	vmin.u32 v2, $0x13C0  }
0xd8: {  	[tilespmem:$0xC0] =	vst v1  }
0xd9: {  	[tilespmem:s20], [sflag:$0x1] =	stream.linear.gather [hbm4b:s12+s3], $0x2800, $0x38;
	[tilespmem:$0x11D00] =	vst v63  }
0xda: {  	_ =	swait.ge [sflag:s19], $0x2800  }
0xdb: {  	[sflag:s19] =	ssyncset.done $0x0  }
0xdc: {  	[sflag:s19] =	ssyncadd.s32 $0xFFFFD800  }
0xdd: {  	[spmem:s1] =	stream.indirect.scatter.add.f32 [tilespmem:s20], [sflag:$0x1], $0x80, s22, s21, $0xb8;
	[tilespmem:$0x11D00] =	vst v63  }
0xde: {  	s0 =	sadd.s32 $0x50, s13;
	_ =	swait.ge [sflag:s19], $0x2800  }
0xdf: {  	s0 =	sshrl.u32 s0, $0x3;
	[sflag:s19] =	ssyncset.done $0x0  }
0xe0: {  	s0 =	sadd.s32 s5, s0;
	[sflag:s19] =	ssyncadd.s32 $0xFFFFD800  }
0xe1: {  	[tilespmem:s3], [sflag:$0x1] =	stream.linear.gather [hbm4b:s0+s3], $0x50, $0x38;
	[tilespmem:$0x11D00] =	vst v63  }
0xe2: {  	_ =	swait.ge [sflag:s19], $0x50  }
0xe3: {  	[sflag:s19] =	ssyncset.done $0x0  }
0xe4: {  	[sflag:s19] =	ssyncadd.s32 $0xFFFFFFB0  }
0xe5: {  	v3 =	vld [tilespmem:$0x40]  }
0xe6: {  	v4 =	vld [tilespmem:$0x30]  }
0xe7: {  	v2 =	vld [tilespmem:$0x20]  }
0xe8: {  	s29 =	simm.s32 $0xA0;
	s30 =	smov.u32 s12;
	v1 =	vld [tilespmem:$0x0]  }
.LBB2_12:
0xe9: {  	p0 =	sne.s32 s29, $0x26C0  }
0xea: {  	v5 =	vld [tilespmem:$0x10];
	s30 =	sadd.s32 $0x500, s30;
	s0 =	smov.u32 s29;
	s29 =	sadd.s32 $0x50, s29  }
0xeb: {  	v3 =	vadd.s32 $0xFFFFEC40, v3  }
0xec: {  	v4 =	vadd.s32 $0xFFFFEC40, v4;
	v3 =	vmin.u32 v3, $0x13C0  }
0xed: {  	v2 =	vadd.s32 $0xFFFFEC40, v2;
	v4 =	vmin.u32 v4, $0x13C0;
	[tilespmem:$0xC0] =	vst v3  }
0xee: {  	v1 =	vadd.s32 $0xFFFFEC40, v1;
	v2 =	vmin.u32 v2, $0x13C0;
	[tilespmem:$0xB0] =	vst v4  }
0xef: {  	v1 =	vmin.u32 v1, $0x13C0;
	v3 =	vadd.s32 $0xFFFFEC40, v5;
	[tilespmem:$0xA0] =	vst v2  }
0xf0: {  	[tilespmem:$0x80] =	vst v1;
	v1 =	vmin.u32 v3, $0x13C0  }
0xf1: {  	[tilespmem:$0x90] =	vst v1  }
0xf2: {  	[tilespmem:s20], [sflag:$0x1] =	stream.linear.gather [hbm4b:s30+s3], $0x2800, $0x38;
	[tilespmem:$0x11D00] =	vst v63  }
0xf3: {  	_ =	swait.ge [sflag:s19], $0x2800  }
0xf4: {  	[sflag:s19] =	ssyncset.done $0x0  }
0xf5: {  	[sflag:s19] =	ssyncadd.s32 $0xFFFFD800  }
0xf6: {  	[spmem:s1] =	stream.indirect.scatter.add.f32 [tilespmem:s20], [sflag:$0x1], $0x80, s22, s21, $0xb8;
	[tilespmem:$0x11D00] =	vst v63  }
0xf7: {  	s0 =	sadd.s32 s0, s13;
	_ =	swait.ge [sflag:s19], $0x2800  }
0xf8: {  	s0 =	sshrl.u32 s0, $0x3;
	[sflag:s19] =	ssyncset.done $0x0  }
0xf9: {  	s0 =	sadd.s32 s5, s0;
	[sflag:s19] =	ssyncadd.s32 $0xFFFFD800  }
0xfa: {  	[tilespmem:s3], [sflag:$0x1] =	stream.linear.gather [hbm4b:s0+s3], $0x50, $0x38;
	[tilespmem:$0x11D00] =	vst v63  }
0xfb: {  	_ =	swait.ge [sflag:s19], $0x50  }
0xfc: {  	[sflag:s19] =	ssyncset.done $0x0  }
.Ltmp5:
0xfd: {  	[sflag:s19] =	ssyncadd.s32 $0xFFFFFFB0;
	(pc) =	sbr.rel @p0 .LBB2_12-.Ltmp5, $4  }
0xfe: {  	v3 =	vld [tilespmem:$0x40]  }
0xff: {  	v4 =	vld [tilespmem:$0x30]  }
0x100: {  	v2 =	vld [tilespmem:$0x20]  }
0x101: {  	v1 =	vld [tilespmem:$0x0]  }
0x102: {  	v5 =	vld [tilespmem:$0x10]  }
0x103: {  	v3 =	vadd.s32 $0xFFFFEC40, v3  }
0x104: {  	v4 =	vadd.s32 $0xFFFFEC40, v4;
	v3 =	vmin.u32 v3, $0x13C0  }
0x105: {  	v2 =	vadd.s32 $0xFFFFEC40, v2;
	v4 =	vmin.u32 v4, $0x13C0;
	[tilespmem:$0xC0] =	vst v3  }
0x106: {  	v1 =	vadd.s32 $0xFFFFEC40, v1;
	v2 =	vmin.u32 v2, $0x13C0;
	[tilespmem:$0xB0] =	vst v4  }
0x107: {  	v1 =	vmin.u32 v1, $0x13C0;
	v3 =	vadd.s32 $0xFFFFEC40, v5;
	[tilespmem:$0xA0] =	vst v2  }
0x108: {  	[tilespmem:$0x80] =	vst v1;
	v1 =	vmin.u32 v3, $0x13C0  }
0x109: {  	s0 =	simm.s32 $0x0;
	[tilespmem:$0x90] =	vst v1  }
0x10a: {  	[tilespmem:s20], [sflag:$0x1] =	stream.linear.gather [hbm4b:s9+s0], $0x2800, $0x38;
	[tilespmem:$0x11D00] =	vst v63  }
0x10b: {  	_ =	swait.ge [sflag:s19], $0x2800  }
0x10c: {  	[sflag:s19] =	ssyncset.done $0x0  }
0x10d: {  	[sflag:s19] =	ssyncadd.s32 $0xFFFFD800  }
0x10e: {  	[spmem:s1] =	stream.indirect.scatter.add.f32 [tilespmem:s20], [sflag:$0x1], $0x80, s22, s21, $0xb8;
	[tilespmem:$0x11D00] =	vst v63  }
0x10f: {  	_ =	swait.ge [sflag:s19], $0x2800  }
0x110: {  	[sflag:s19] =	ssyncset.done $0x0  }
0x111: {  	[sflag:s19] =	ssyncadd.s32 $0xFFFFD800  }
0x112: {  	s31 =	sadd.s32 $0x0, s15;
	[bflag:$0x0] =	sbarrier.arrive $0xFFFF  }
0x113: {  	[hbm:s31], [sflag:s26] =	dma.local [spmem:s28], $0x80  }
0x114: {  	_ =	swait.ge [sflag:s19], $0x80  }
0x115: {  	s29 =	simm.s32 $0x800;
	s30 =	sadd.s32 $0x4000, s7;
	[sflag:s19] =	ssyncset.done $0x0  }
.LBB2_14:
0x116: {  	s0 =	sadd.s32 s29, s15  }
0x117: {  	s2 =	sshrl.u32 s30, $0x3;
	[sflag:s19] =	ssyncadd.s32 $0xFFFFFF80;
	p0 =	sne.s32 s29, $0x13800  }
0x118: {  	[hbm:s0], [sflag:s26] =	dma.local [spmem:s2], $0x80  }
.Ltmp6:
0x119: {  	_ = 	snop;
	(pc) =	sbr.rel @p0 .LBB2_14-.Ltmp6, $4  }
0x11a: {  	_ = 	snop  }
0x11b: {  	s29 =	sadd.s32 $0x800, s29  }
0x11c: {  	_ =	swait.ge [sflag:s19], $0x80  }
0x11d: {  	s30 =	sadd.s32 $0x4000, s30;
	[sflag:s19] =	ssyncset.done $0x0  }
0x11e: {  	[sflag:s19] =	ssyncadd.s32 $0xFFFFFF80  }
0x11f: {  	s0 =	sadd.s32 $0x0, s7;
	[bflag:$0x0] =	sbarrier.arrive $0xFFFF  }
0x120: {  	[spmem:s0] =	stream.linear.scatter [tilespmem:s18], [sflag:$0x1], $0x400, $0x38;
	[tilespmem:$0x11D00] =	vst v63  }
0x121: {  	s29 =	simm.s32 $0x10000;
	_ =	swait.ge [sflag:s19], $0x400  }
.LBB2_16:
0x122: {  	s0 =	sshra.s32 s29, $0x2;
	[sflag:s19] =	ssyncset.done $0x0;
	p0 =	sne.s32 s29, $0x270000  }
.Ltmp7:
0x123: {  	s0 =	sadd.s32 s0, s7;
	[sflag:s19] =	ssyncadd.s32 $0xFFFFFC00;
	(pc) =	sbr.rel @p0 .LBB2_16-.Ltmp7, $3  }
0x124: {  	[spmem:s0] =	stream.linear.scatter [tilespmem:s18], [sflag:$0x1], $0x400, $0x38;
	[tilespmem:$0x11D00] =	vst v63  }
0x125: {  	s29 =	sadd.s32 $0x10000, s29;
	_ =	sdelay $0x1  }
0x126: {  	_ =	swait.ge [sflag:s19], $0x400  }
0x127: {  	[sflag:s19] =	ssyncset.done $0x0  }
0x128: {  	[sflag:s19] =	ssyncadd.s32 $0xFFFFFC00  }
0x129: {  	s29 =	simm.s32 $0x0;
	[bflag:$0x0] =	sbarrier.arrive $0xFFFF  }
0x12a: {  	[tilespmem:s29], [sflag:$0x1] =	stream.linear.gather [hbm4b:s8+s29], $0x50, $0x38;
	[tilespmem:$0x11D00] =	vst v63  }
0x12b: {  	_ =	swait.ge [sflag:s19], $0x50  }
0x12c: {  	[sflag:s19] =	ssyncset.done $0x0  }
0x12d: {  	[sflag:s19] =	ssyncadd.s32 $0xFFFFFFB0  }
0x12e: {  	v1 =	vld [tilespmem:$0x0]  }
0x12f: {  	v2 =	vld [tilespmem:$0x10]  }
0x130: {  	v3 =	vld [tilespmem:$0x20]  }
0x131: {  	v4 =	vld [tilespmem:$0x30]  }
0x132: {  	v5 =	vld [tilespmem:$0x40]  }
0x133: {  	v1 =	vmin.u32 v1, $0x13C0  }
0x134: {  	[tilespmem:$0x80] =	vst v1;
	v1 =	vmin.u32 v2, $0x13C0  }
0x135: {  	[tilespmem:$0x90] =	vst v1;
	v1 =	vmin.u32 v3, $0x13C0  }
0x136: {  	[tilespmem:$0xA0] =	vst v1;
	v1 =	vmin.u32 v4, $0x13C0  }
0x137: {  	[tilespmem:$0xB0] =	vst v1;
	v1 =	vmin.u32 v5, $0x13C0  }
0x138: {  	s30 =	simm.s32 $0x0;
	[tilespmem:$0xC0] =	vst v1  }
.LBB2_18:
0x139: {  	s0 =	smul.u32 $0x50, s30;
	_ =	sdelay $0x1  }
0x13a: {  	s31 =	sadd.s32 s6, s0  }
0x13b: {  	s0 =	sshll.u32 s31, $0x4  }
0x13c: {  	s0 =	sadd.s32 s4, s0  }
0x13d: {  	[tilespmem:s23], [sflag:$0x1] =	stream.linear.gather [hbm4b:s0+s29], $0x2800, $0x38;
	[tilespmem:$0x11D00] =	vst v63  }
0x13e: {  	_ =	swait.ge [sflag:s19], $0x2800  }
0x13f: {  	[sflag:s19] =	ssyncset.done $0x0  }
0x140: {  	s0 =	simm.s32 $0x0;
	[sflag:s19] =	ssyncadd.s32 $0xFFFFD800  }
0x141: {  	s2 =	simm.s32 $0x200;
	v1 =	vld [tilespmem:s0+$0x2900]  }
.LBB2_19:
0x142: {  	p0 =	sne.s32 s2, $0x9E00  }
.Ltmp8:
0x143: {  	_ = 	snop;
	(pc) =	sbr.rel @p0 .LBB2_19-.Ltmp8, $3  }
0x144: {  	_ =	sdelay $0x1  }
0x145: {  	[tilespmem:s0+$0x5100] =	vst v1;
	s0 =	sshra.s32 s2, $0x2;
	s2 =	sadd.s32 $0x200, s2  }
0x146: {  	v1 =	vld [tilespmem:s0+$0x2900]  }
0x147: {  	_ =	sdelay $0x3  }
0x148: {  	[tilespmem:s0+$0x5100] =	vst v1  }
0x149: {  	[spmem:s1] =	stream.indirect.scatter.add.f32 [tilespmem:s24], [sflag:$0x1], $0x80, s22, s21, $0xb8;
	[tilespmem:$0x11D00] =	vst v63  }
0x14a: {  	s31 =	sshrl.u32 s31, $0x3;
	_ =	swait.ge [sflag:s19], $0x2800  }
0x14b: {  	s0 =	sadd.s32 s5, s31;
	[sflag:s19] =	ssyncset.done $0x0  }
0x14c: {  	s0 =	sadd.s32 $0xA, s0;
	[sflag:s19] =	ssyncadd.s32 $0xFFFFD800  }
0x14d: {  	[tilespmem:s3], [sflag:$0x1] =	stream.linear.gather [hbm4b:s0+s3], $0x50, $0x38;
	[tilespmem:$0x11D00] =	vst v63  }
0x14e: {  	_ =	swait.ge [sflag:s19], $0x50  }
0x14f: {  	[sflag:s19] =	ssyncset.done $0x0  }
0x150: {  	[sflag:s19] =	ssyncadd.s32 $0xFFFFFFB0  }
0x151: {  	v1 =	vld [tilespmem:$0x0]  }
0x152: {  	v2 =	vld [tilespmem:$0x10]  }
0x153: {  	v3 =	vld [tilespmem:$0x20]  }
0x154: {  	v4 =	vld [tilespmem:$0x30]  }
0x155: {  	s30 =	sadd.s32 $0x1, s30;
	v5 =	vld [tilespmem:$0x40]  }
0x156: {  	p0 =	sne.s32 s30, $0x7C;
	v1 =	vmin.u32 v1, $0x13C0  }
.Ltmp9:
0x157: {  	[tilespmem:$0x80] =	vst v1;
	v1 =	vmin.u32 v2, $0x13C0;
	(pc) =	sbr.rel @p0 .LBB2_18-.Ltmp9, $4  }
0x158: {  	[tilespmem:$0x90] =	vst v1;
	v1 =	vmin.u32 v3, $0x13C0  }
0x159: {  	[tilespmem:$0xA0] =	vst v1;
	v1 =	vmin.u32 v4, $0x13C0  }
0x15a: {  	[tilespmem:$0xB0] =	vst v1;
	v1 =	vmin.u32 v5, $0x13C0  }
0x15b: {  	[tilespmem:$0xC0] =	vst v1  }
0x15c: {  	s0 =	simm.s32 $0x0  }
0x15d: {  	[tilespmem:s23], [sflag:$0x1] =	stream.linear.gather [hbm4b:s10+s0], $0x2800, $0x38;
	[tilespmem:$0x11D00] =	vst v63  }
0x15e: {  	_ =	swait.ge [sflag:s19], $0x2800  }
0x15f: {  	[sflag:s19] =	ssyncset.done $0x0  }
0x160: {  	s0 =	simm.s32 $0x0;
	[sflag:s19] =	ssyncadd.s32 $0xFFFFD800  }
0x161: {  	s2 =	simm.s32 $0x200;
	v1 =	vld [tilespmem:s0+$0x2900]  }
.LBB2_22:
0x162: {  	p0 =	sne.s32 s2, $0x9E00  }
.Ltmp10:
0x163: {  	_ = 	snop;
	(pc) =	sbr.rel @p0 .LBB2_22-.Ltmp10, $3  }
0x164: {  	_ =	sdelay $0x1  }
0x165: {  	[tilespmem:s0+$0x5100] =	vst v1;
	s0 =	sshra.s32 s2, $0x2;
	s2 =	sadd.s32 $0x200, s2  }
0x166: {  	v1 =	vld [tilespmem:s0+$0x2900]  }
0x167: {  	_ =	sdelay $0x3  }
0x168: {  	[tilespmem:s0+$0x5100] =	vst v1  }
0x169: {  	[spmem:s1] =	stream.indirect.scatter.add.f32 [tilespmem:s24], [sflag:$0x1], $0x80, s22, s21, $0xb8;
	[tilespmem:$0x11D00] =	vst v63  }
0x16a: {  	_ =	swait.ge [sflag:s19], $0x2800  }
0x16b: {  	[sflag:s19] =	ssyncset.done $0x0  }
0x16c: {  	[sflag:s19] =	ssyncadd.s32 $0xFFFFD800  }
0x16d: {  	s31 =	sadd.s32 $0x0, s16;
	[bflag:$0x0] =	sbarrier.arrive $0xFFFF  }
0x16e: {  	[hbm:s31], [sflag:s26] =	dma.local [spmem:s28], $0x80  }
0x16f: {  	_ =	swait.ge [sflag:s19], $0x80  }
0x170: {  	s29 =	simm.s32 $0x800;
	s30 =	sadd.s32 $0x4000, s7;
	[sflag:s19] =	ssyncset.done $0x0  }
.LBB2_24:
0x171: {  	s0 =	sadd.s32 s29, s16  }
0x172: {  	s2 =	sshrl.u32 s30, $0x3;
	[sflag:s19] =	ssyncadd.s32 $0xFFFFFF80;
	p0 =	sne.s32 s29, $0x13800  }
0x173: {  	[hbm:s0], [sflag:s26] =	dma.local [spmem:s2], $0x80  }
.Ltmp11:
0x174: {  	_ = 	snop;
	(pc) =	sbr.rel @p0 .LBB2_24-.Ltmp11, $4  }
0x175: {  	_ = 	snop  }
0x176: {  	s29 =	sadd.s32 $0x800, s29  }
0x177: {  	_ =	swait.ge [sflag:s19], $0x80  }
0x178: {  	s30 =	sadd.s32 $0x4000, s30;
	[sflag:s19] =	ssyncset.done $0x0  }
0x179: {  	[sflag:s19] =	ssyncadd.s32 $0xFFFFFF80  }
0x17a: {  	s0 =	sadd.s32 $0x0, s7;
	[bflag:$0x0] =	sbarrier.arrive $0xFFFF  }
0x17b: {  	[spmem:s0] =	stream.linear.scatter [tilespmem:s18], [sflag:$0x1], $0x400, $0x38;
	[tilespmem:$0x11D00] =	vst v63  }
0x17c: {  	s29 =	simm.s32 $0x10000;
	_ =	swait.ge [sflag:s19], $0x400  }
.LBB2_26:
0x17d: {  	s0 =	sshra.s32 s29, $0x2;
	[sflag:s19] =	ssyncset.done $0x0;
	p0 =	sne.s32 s29, $0x270000  }
.Ltmp12:
0x17e: {  	s0 =	sadd.s32 s0, s7;
	[sflag:s19] =	ssyncadd.s32 $0xFFFFFC00;
	(pc) =	sbr.rel @p0 .LBB2_26-.Ltmp12, $3  }
0x17f: {  	[spmem:s0] =	stream.linear.scatter [tilespmem:s18], [sflag:$0x1], $0x400, $0x38;
	[tilespmem:$0x11D00] =	vst v63  }
0x180: {  	s29 =	sadd.s32 $0x10000, s29;
	_ =	sdelay $0x1  }
0x181: {  	_ =	swait.ge [sflag:s19], $0x400  }
0x182: {  	[sflag:s19] =	ssyncset.done $0x0  }
0x183: {  	[sflag:s19] =	ssyncadd.s32 $0xFFFFFC00  }
0x184: {  	s29 =	simm.s32 $0x0;
	[bflag:$0x0] =	sbarrier.arrive $0xFFFF  }
0x185: {  	[tilespmem:s29], [sflag:$0x1] =	stream.linear.gather [hbm4b:s8+s29], $0x50, $0x38;
	[tilespmem:$0x11D00] =	vst v63  }
0x186: {  	_ =	swait.ge [sflag:s19], $0x50  }
0x187: {  	[sflag:s19] =	ssyncset.done $0x0  }
0x188: {  	[sflag:s19] =	ssyncadd.s32 $0xFFFFFFB0  }
0x189: {  	v1 =	vld [tilespmem:$0x0]  }
0x18a: {  	v2 =	vld [tilespmem:$0x10]  }
0x18b: {  	v3 =	vld [tilespmem:$0x20]  }
0x18c: {  	v4 =	vld [tilespmem:$0x30]  }
0x18d: {  	v5 =	vld [tilespmem:$0x40]  }
0x18e: {  	v1 =	vadd.s32 $0xFFFFEC40, v1  }
0x18f: {  	v2 =	vadd.s32 $0xFFFFEC40, v2;
	v1 =	vmin.u32 v1, $0x13C0  }
0x190: {  	[tilespmem:$0x80] =	vst v1;
	v1 =	vmin.u32 v2, $0x13C0;
	v2 =	vadd.s32 $0xFFFFEC40, v3  }
0x191: {  	[tilespmem:$0x90] =	vst v1;
	v1 =	vmin.u32 v2, $0x13C0;
	v2 =	vadd.s32 $0xFFFFEC40, v4  }
0x192: {  	[tilespmem:$0xA0] =	vst v1;
	v1 =	vmin.u32 v2, $0x13C0;
	v2 =	vadd.s32 $0xFFFFEC40, v5  }
0x193: {  	[tilespmem:$0xB0] =	vst v1;
	v1 =	vmin.u32 v2, $0x13C0  }
0x194: {  	s30 =	simm.s32 $0x0;
	[tilespmem:$0xC0] =	vst v1  }
.LBB2_28:
0x195: {  	s0 =	smul.u32 $0x50, s30;
	_ =	sdelay $0x1  }
0x196: {  	s31 =	sadd.s32 s6, s0  }
0x197: {  	s0 =	sshll.u32 s31, $0x4  }
0x198: {  	s0 =	sadd.s32 s4, s0  }
0x199: {  	[tilespmem:s23], [sflag:$0x1] =	stream.linear.gather [hbm4b:s0+s29], $0x2800, $0x38;
	[tilespmem:$0x11D00] =	vst v63  }
0x19a: {  	_ =	swait.ge [sflag:s19], $0x2800  }
0x19b: {  	[sflag:s19] =	ssyncset.done $0x0  }
0x19c: {  	s0 =	simm.s32 $0x0;
	[sflag:s19] =	ssyncadd.s32 $0xFFFFD800  }
0x19d: {  	s2 =	simm.s32 $0x200;
	v1 =	vld [tilespmem:s0+$0x2900]  }
.LBB2_29:
0x19e: {  	p0 =	sne.s32 s2, $0x9E00  }
.Ltmp13:
0x19f: {  	_ = 	snop;
	(pc) =	sbr.rel @p0 .LBB2_29-.Ltmp13, $3  }
0x1a0: {  	_ =	sdelay $0x1  }
0x1a1: {  	[tilespmem:s0+$0x5100] =	vst v1;
	s0 =	sshra.s32 s2, $0x2;
	s2 =	sadd.s32 $0x200, s2  }
0x1a2: {  	v1 =	vld [tilespmem:s0+$0x2900]  }
0x1a3: {  	_ =	sdelay $0x3  }
0x1a4: {  	[tilespmem:s0+$0x5100] =	vst v1  }
0x1a5: {  	[spmem:s1] =	stream.indirect.scatter.add.f32 [tilespmem:s24], [sflag:$0x1], $0x80, s22, s21, $0xb8;
	[tilespmem:$0x11D00] =	vst v63  }
0x1a6: {  	s31 =	sshrl.u32 s31, $0x3;
	_ =	swait.ge [sflag:s19], $0x2800  }
0x1a7: {  	s0 =	sadd.s32 s5, s31;
	[sflag:s19] =	ssyncset.done $0x0  }
0x1a8: {  	s0 =	sadd.s32 $0xA, s0;
	[sflag:s19] =	ssyncadd.s32 $0xFFFFD800  }
0x1a9: {  	[tilespmem:s3], [sflag:$0x1] =	stream.linear.gather [hbm4b:s0+s3], $0x50, $0x38;
	[tilespmem:$0x11D00] =	vst v63  }
0x1aa: {  	_ =	swait.ge [sflag:s19], $0x50  }
0x1ab: {  	[sflag:s19] =	ssyncset.done $0x0  }
0x1ac: {  	[sflag:s19] =	ssyncadd.s32 $0xFFFFFFB0  }
0x1ad: {  	v1 =	vld [tilespmem:$0x0]  }
0x1ae: {  	v2 =	vld [tilespmem:$0x10]  }
0x1af: {  	v3 =	vld [tilespmem:$0x20]  }
0x1b0: {  	v4 =	vld [tilespmem:$0x30]  }
0x1b1: {  	v5 =	vld [tilespmem:$0x40]  }
0x1b2: {  	s30 =	sadd.s32 $0x1, s30;
	v1 =	vadd.s32 $0xFFFFEC40, v1  }
0x1b3: {  	p0 =	sne.s32 s30, $0x7C;
	v2 =	vadd.s32 $0xFFFFEC40, v2;
	v1 =	vmin.u32 v1, $0x13C0  }
.Ltmp14:
0x1b4: {  	[tilespmem:$0x80] =	vst v1;
	v1 =	vmin.u32 v2, $0x13C0;
	v2 =	vadd.s32 $0xFFFFEC40, v3;
	(pc) =	sbr.rel @p0 .LBB2_28-.Ltmp14, $4  }
0x1b5: {  	[tilespmem:$0x90] =	vst v1;
	v1 =	vmin.u32 v2, $0x13C0;
	v2 =	vadd.s32 $0xFFFFEC40, v4  }
0x1b6: {  	[tilespmem:$0xA0] =	vst v1;
	v1 =	vmin.u32 v2, $0x13C0;
	v2 =	vadd.s32 $0xFFFFEC40, v5  }
0x1b7: {  	[tilespmem:$0xB0] =	vst v1;
	v1 =	vmin.u32 v2, $0x13C0  }
0x1b8: {  	[tilespmem:$0xC0] =	vst v1  }
0x1b9: {  	s0 =	simm.s32 $0x0  }
0x1ba: {  	[tilespmem:s23], [sflag:$0x1] =	stream.linear.gather [hbm4b:s10+s0], $0x2800, $0x38;
	[tilespmem:$0x11D00] =	vst v63  }
0x1bb: {  	_ =	swait.ge [sflag:s19], $0x2800  }
0x1bc: {  	[sflag:s19] =	ssyncset.done $0x0  }
0x1bd: {  	s0 =	simm.s32 $0x0;
	[sflag:s19] =	ssyncadd.s32 $0xFFFFD800  }
0x1be: {  	s2 =	simm.s32 $0x200;
	v1 =	vld [tilespmem:s0+$0x2900]  }
.LBB2_32:
0x1bf: {  	p0 =	sne.s32 s2, $0x9E00  }
.Ltmp15:
0x1c0: {  	_ = 	snop;
	(pc) =	sbr.rel @p0 .LBB2_32-.Ltmp15, $3  }
0x1c1: {  	_ =	sdelay $0x1  }
0x1c2: {  	[tilespmem:s0+$0x5100] =	vst v1;
	s0 =	sshra.s32 s2, $0x2;
	s2 =	sadd.s32 $0x200, s2  }
0x1c3: {  	v1 =	vld [tilespmem:s0+$0x2900]  }
0x1c4: {  	_ =	sdelay $0x3  }
0x1c5: {  	[tilespmem:s0+$0x5100] =	vst v1  }
0x1c6: {  	[spmem:s1] =	stream.indirect.scatter.add.f32 [tilespmem:s24], [sflag:$0x1], $0x80, s22, s21, $0xb8;
	[tilespmem:$0x11D00] =	vst v63  }
0x1c7: {  	_ =	swait.ge [sflag:s19], $0x2800  }
0x1c8: {  	[sflag:s19] =	ssyncset.done $0x0  }
0x1c9: {  	[sflag:s19] =	ssyncadd.s32 $0xFFFFD800  }
0x1ca: {  	s31 =	sadd.s32 $0x0, s17;
	[bflag:$0x0] =	sbarrier.arrive $0xFFFF  }
0x1cb: {  	[hbm:s31], [sflag:s26] =	dma.local [spmem:s28], $0x80  }
0x1cc: {  	_ =	swait.ge [sflag:s19], $0x80  }
0x1cd: {  	s29 =	sadd.s32 $0x4000, s7;
	s28 =	simm.s32 $0x800;
	[sflag:s19] =	ssyncset.done $0x0  }
.LBB2_34:
0x1ce: {  	s0 =	sadd.s32 s28, s17  }
0x1cf: {  	s2 =	sshrl.u32 s29, $0x3;
	[sflag:s19] =	ssyncadd.s32 $0xFFFFFF80;
	p0 =	sne.s32 s28, $0x13800  }
0x1d0: {  	[hbm:s0], [sflag:s26] =	dma.local [spmem:s2], $0x80  }
.Ltmp16:
0x1d1: {  	_ = 	snop;
	(pc) =	sbr.rel @p0 .LBB2_34-.Ltmp16, $4  }
0x1d2: {  	_ = 	snop  }
0x1d3: {  	s28 =	sadd.s32 $0x800, s28  }
0x1d4: {  	_ =	swait.ge [sflag:s19], $0x80  }
0x1d5: {  	s29 =	sadd.s32 $0x4000, s29;
	[sflag:s19] =	ssyncset.done $0x0  }
0x1d6: {  	s25 =	sadd.s32 $0x1, s25  }
0x1d7: {  	p0 =	sne.s32 s25, s11  }
.Ltmp17:
0x1d8: {  	_ = 	snop;
	(pc) =	sbr.rel @p0 .LBB2_1-.Ltmp17, $3  }
0x1d9: {  	_ = 	snop  }
0x1da: {  	[sflag:s19] =	ssyncadd.s32 $0xFFFFFF80  }
0x1db: {  	[bflag:$0x0] =	sbarrier.arrive $0xFFFF;
	_ =	sdelay $0x1  }
0x1dc: {  	_ =	sfence.sel $0x180000  }
0x1dd: {  	[bflag:$0x0] =	sbarrier.arrive $0xFFFF  }
0x1de: {  	_ =	strace $0x9000004A  }
0x1df: {  	s0 =	stileid.u32;
	[bflag:$0x2] =	sbarrier.arrive $0xFFFF  }
0x1e0: {  	p0 =	sne.s32 s0, $0x0;
	s0 =	rddreg [dreg:$0x3]  }
0x1e1: {  	s0 =	sadd.s32 @!p0 $0x100000, s0  }
0x1e2: {  	[sflag:s0] =	ssyncadd.tile.s32 @!p0 $0x1;
	_ =	shalt  }
.Lfunc_end2:
_tile_overlayer_lowered:
.L_overlay_start_2:
0x1e3: {  	(tag) =	ssettag $0x2  }
0x1e4: {  	s0 =	rddreg [dreg:$0x0];
	s2 =	stileid.u32  }
0x1e5: {  	s1 =	rddreg [dreg:$0x1];
	p0 =	sne.s32 s2, $0x0  }
0x1e6: {  	s3 =	rddreg [dreg:$0x2];
	[bflag:$0x3] =	sbarrier.arrive $0xFFFF;
	s2 =	simm.s32 @!p0 $0x1C01  }
0x1e7: {  	[timem:s3], [sflag:s2] =	dma.local @!p0 [hbm:s0], s1  }
0x1e8: {  	s0 =	simm.s32 @!p0 $0x1  }
0x1e9: {  	_ =	swait.ge @!p0 [sflag:s0], s1  }
0x1ea: {  	s1 =	ssub.s32 @!p0 $0x0, s1;
	[sflag:s0] =	ssyncset.done @!p0 $0x0  }
0x1eb: {  	[sflag:s0] =	ssyncadd.s32 @!p0 s1  }
0x1ec: {  	[bflag:$0x3] =	sbarrier.arrive $0xFFFF  }
0x1ed: {  	_ =	shalt  }

// kernel: kernel.7.cloned.1.call-start
scs
__scs_entry_jumppad:
0x0: {  	(pc) =	sbr.rel $0x88, $3  }
0x1: {  	(tag) =	ssettag $0x0;
	lr =	simm.s32 $0x1  }
0x2: {  	[smem:$0x3F92] =	sst lr;
	_ =	strace $0xD0000000  }
0x3: {  	_ = 	snop  }
0x4: {  	_ = 	snop  }
0x5: {  	_ = 	snop  }
0x6: {  	_ = 	snop  }
0x7: {  	_ = 	snop  }
__scs_overlays_trampoline_lowered:
0x8: {  	[smem:$0x3FA1] =	sst s0  }
0x9: {  	[smem:$0x3FA2] =	sst s1  }
0xa: {  	[smem:$0x3FA3] =	sst s2  }
0xb: {  	[smem:$0x3FA4] =	sst s3  }
0xc: {  	[smem:$0x3FA5] =	sst s4  }
0xd: {  	[smem:$0x3FA6] =	sst s5  }
0xe: {  	[smem:$0x3FA7] =	sst s6  }
0xf: {  	[smem:$0x3FA8] =	sst s7  }
0x10: {  	[smem:$0x3FA9] =	sst s8  }
0x11: {  	[smem:$0x3FAA] =	sst s9;
	s0 =	simm.s32 @!p0 $0x0  }
0x12: {  	s1 =	sld [smem:$0x3F90];
	s0 =	simm.s32 @p0 $0x1  }
0x13: {  	[smem:$0x3FAB] =	sst s0;
	s0 =	simm.s32 @!p1 $0x0  }
0x14: {  	s2 =	sld [smem:$0x3F8F];
	s0 =	simm.s32 @p1 $0x1  }
0x15: {  	[smem:$0x3FAC] =	sst s0;
	s0 =	simm.s32 @!p2 $0x0  }
0x16: {  	s3 =	sld [smem:$0x3FDB];
	s0 =	simm.s32 @p2 $0x1  }
0x17: {  	s4 =	simm.s32 $0x1BF5;
	[smem:$0x3FAE] =	sst s0  }
0x18: {  	s0 =	sld [smem:$0x3F91];
	_ =	swait.ge [sflag:s4], $0x0  }
0x19: {  	s7 =	sld [smem:$0x3F92]  }
0x1a: {  	s8 =	sadd.s32 $0xFFFFE003, lr  }
0x1b: {  	s9 =	sadd.s32 $0xFFFFFEF7, lr;
	s5 =	simm.s32 $0xFFFFFFFF;
	p2 =	slt.u32 s8, $0xFFFFF086  }
0x1c: {  	p1 =	slt.u32 s9, $0xF7A;
	s5 =	simm.s32 @!p2 $0x0  }
0x1d: {  	s5 =	simm.s32 @p1 $0x1;
	p0 =	seq.s32 s7, s2  }
0x1e: {  	s7 =	smul.u32 @!p0 $0xF7A, s2;
	p2 =	seq.s32 @!p0 s5, $0x0  }
0x1f: {  	s9 =	smul.u32 $0xF7A, s1;
	s8 =	simm.s32 @!p0 $0x1BF5;
	p2 =	por !p2, p0  }
0x20: {  	[sflag:s8] =	ssyncset.s32 @!p0 $0xFFFFF086;
	s6 =	sadd.s32 @!p0 s3, s7;
	s7 =	simm.s32 @!p0 $0x108  }
0x21: {  	s3 =	sadd.s32 s3, s9;
	s6 =	sadd.s32 @!p0 $0x88, s6;
	s7 =	simm.s32 @p2 $0x1082  }
0x22: {  	[simem:s7], [sflag:s8] =	dma.local @!p0 [hbm:s6], $0xF7A  }
0x23: {  	s9 =	sor.u32 $0xD0000000, s2;
	s6 =	simm.s32 $0x108;
	_ =	swait.ge @!p0 [sflag:s8], $0x0  }
0x24: {  	s3 =	sadd.s32 $0x88, s3;
	s6 =	simm.s32 @!p1 $0x1082;
	[sflag:s4] =	ssyncset.s32 $0xFFFFF086  }
0x25: {  	[simem:s6], [sflag:s4] =	dma.local [hbm:s3], $0xF7A  }
0x26: {  	[smem:$0x3F92] =	sst s1;
	(tag) =	ssettag s2;
	_ =	strace s9  }
0x27: {  	s1 =	sld [smem:$0x3FA2]  }
0x28: {  	s2 =	sld [smem:$0x3FA3]  }
0x29: {  	s4 =	sld [smem:$0x3FA5]  }
0x2a: {  	p0 =	seq.s32 s5, $0x0;
	s5 =	sld [smem:$0x3FA6]  }
0x2b: {  	s6 =	sld [smem:$0x3FA7]  }
0x2c: {  	s7 =	sld [smem:$0x3FA8]  }
0x2d: {  	s3 =	simm.s32 $0x108;
	s8 =	sld [smem:$0x3FA9]  }
0x2e: {  	s3 =	simm.s32 @!p0 $0x1082;
	s9 =	sld [smem:$0x3FAA]  }
0x2f: {  	lr =	sadd.s32 s0, s3;
	s0 =	sld [smem:$0x3FA1]  }
0x30: {  	s3 =	sld [smem:$0x3FA4]  }
0x31: {  	[smem:$0x3FAD] =	sst s10  }
0x32: {  	s10 =	sld [smem:$0x3FAB];
	_ =	sdelay $0x3  }
0x33: {  	p0 =	seq.s32 s10, $0x1;
	s10 =	sld [smem:$0x3FAD];
	_ =	sdelay $0x3  }
0x34: {  	[smem:$0x3FAD] =	sst s10  }
0x35: {  	s10 =	sld [smem:$0x3FAC];
	_ =	sdelay $0x3  }
0x36: {  	p1 =	seq.s32 s10, $0x1;
	s10 =	sld [smem:$0x3FAD];
	_ =	sdelay $0x3  }
0x37: {  	[smem:$0x3FAD] =	sst s10  }
0x38: {  	s10 =	sld [smem:$0x3FAE]  }
0x39: {  	_ = 	snop;
	(pc) =	sbr.ind lr, $3  }
0x3a: {  	_ = 	snop  }
0x3b: {  	_ = 	snop  }
0x3c: {  	p2 =	seq.s32 s10, $0x1;
	s10 =	sld [smem:$0x3FAD]  }
0x3d: {  	_ =	shalt  }
0x3e: {  	_ =	shalt  }
0x3f: {  	_ =	shalt  }
0x40: {  	_ =	shalt  }
0x41: {  	_ =	shalt  }
0x42: {  	_ =	shalt  }
0x43: {  	_ =	shalt  }
0x44: {  	_ =	shalt  }
0x45: {  	_ =	shalt  }
0x46: {  	_ =	shalt  }
0x47: {  	_ =	shalt  }
0x48: {  	_ =	shalt  }
0x49: {  	_ =	shalt  }
0x4a: {  	_ =	shalt  }
0x4b: {  	_ =	shalt  }
0x4c: {  	_ =	shalt  }
0x4d: {  	_ =	shalt  }
0x4e: {  	_ =	shalt  }
0x4f: {  	_ =	shalt  }
0x50: {  	_ =	shalt  }
0x51: {  	_ =	shalt  }
0x52: {  	_ =	shalt  }
0x53: {  	_ =	shalt  }
0x54: {  	_ =	shalt  }
0x55: {  	_ =	shalt  }
0x56: {  	_ =	shalt  }
0x57: {  	_ =	shalt  }
0x58: {  	_ =	shalt  }
0x59: {  	_ =	shalt  }
0x5a: {  	_ =	shalt  }
0x5b: {  	_ =	shalt  }
0x5c: {  	_ =	shalt  }
0x5d: {  	_ =	shalt  }
0x5e: {  	_ =	shalt  }
0x5f: {  	_ =	shalt  }
0x60: {  	_ =	shalt  }
0x61: {  	_ =	shalt  }
0x62: {  	_ =	shalt  }
0x63: {  	_ =	shalt  }
0x64: {  	_ =	shalt  }
0x65: {  	_ =	shalt  }
0x66: {  	_ =	shalt  }
0x67: {  	_ =	shalt  }
0x68: {  	_ =	shalt  }
0x69: {  	_ =	shalt  }
0x6a: {  	_ =	shalt  }
0x6b: {  	_ =	shalt  }
0x6c: {  	_ =	shalt  }
0x6d: {  	_ =	shalt  }
0x6e: {  	_ =	shalt  }
0x6f: {  	_ =	shalt  }
0x70: {  	_ =	shalt  }
0x71: {  	_ =	shalt  }
0x72: {  	_ =	shalt  }
0x73: {  	_ =	shalt  }
0x74: {  	_ =	shalt  }
0x75: {  	_ =	shalt  }
0x76: {  	_ =	shalt  }
0x77: {  	_ =	shalt  }
0x78: {  	_ =	shalt  }
0x79: {  	_ =	shalt  }
0x7a: {  	_ =	shalt  }
0x7b: {  	_ =	shalt  }
0x7c: {  	_ =	shalt  }
0x7d: {  	_ =	shalt  }
0x7e: {  	_ =	shalt  }
0x7f: {  	_ =	shalt  }
0x80: {  	_ =	shalt  }
0x81: {  	_ =	shalt  }
0x82: {  	_ =	shalt  }
0x83: {  	_ =	shalt  }
0x84: {  	_ =	shalt  }
0x85: {  	_ =	shalt  }
0x86: {  	_ =	shalt  }
0x87: {  	_ =	shalt  }
.Lfunc_end0:
.L_simem_size_0:
called_computation_lowered:
.L_overlay_start_0:
0x88: {  	s2 =	sld [smem:$0x3FD9]  }
0x89: {  	s3 =	sld [smem:$0x3FFE];
	_ =	sdelay $0x1  }
0x8a: {  	s1 =	srdreg.scid  }
0x8b: {  	s0 =	sand.u32 $0x1, s1  }
0x8c: {  	s14 =	sshll.u32 s0, $0xA;
	s2 =	sadd.s32 s3, s2  }
0x8d: {  	s2 =	sadd.s32 s2, s14  }
0x8e: {  	[smem:$0x3FB9] =	sst s2  }
0x8f: {  	_ = 	snop  }
0x90: {  	s2 =	sld [smem:$0x3FD0];
	_ =	sdelay $0x2  }
0x91: {  	s15 =	simm.s32 $0xA;
	s4 =	simm.s32 $0x10  }
0x92: {  	[smem:s4], [sflag:s15] =	dma.local [hbm:s2], $0x1  }
0x93: {  	_ =	swait.eq [sflag:s15], $0x1  }
0x94: {  	s16 =	sld [smem:$0x10];
	[sflag:s15] =	ssyncset.done $0x0  }
0x95: {  	s17 =	sld [smem:$0x11];
	[sflag:s15] =	ssyncadd.s32 $0xFFFFFFFF  }
0x96: {  	s18 =	sld [smem:$0x12];
	(tm) =	ssettm $0x1  }
0x97: {  	s5 =	sld [smem:$0x3FFB];
	_ =	sdelay $0x3  }
0x98: {  	_ =	strace s5  }
0x99: {  	s5 =	sld [smem:$0x3FFC];
	_ =	sdelay $0x3  }
0x9a: {  	_ =	strace s5  }
0x9b: {  	s5 =	sld [smem:$0x3FFD];
	_ =	sdelay $0x3  }
0x9c: {  	_ =	strace s5  }
0x9d: {  	_ =	strace $0x8FFFFFFF  }
0x9e: {  	s19 =	sld [smem:$0x3FDB];
	_ =	sdelay $0x1  }
0x9f: {  	s6 =	simm.s32 $_scs_section_size  }
0xa0: {  	s7 =	simm.s32 $_size__tile_overlayer_lowered;
	s8 =	simm.s32 $_tile_overlayer_lowered  }
0xa1: {  	s22 =	simm.s32 $0x1BFF;
	s21 =	sshll.u32 s8, $0x1;
	s5 =	sadd.s32 s6, s19  }
0xa2: {  	s9 =	simm.s32 $0x0;
	s20 =	sshll.u32 s7, $0x1;
	s7 =	sadd.s32 s21, s5  }
0xa3: {  	[timem:s9], [sflag:s22] =	dma.local [hbm:s7], s20  }
0xa4: {  	_ =	swait.ge [sflag:s22], s20  }
0xa5: {  	s6 =	ssub.s32 $0x0, s20;
	[sflag:s22] =	ssyncset.done $0x0  }
0xa6: {  	[sflag:s22] =	ssyncadd.s32 s6;
	_ =	sdelay $0x1  }
0xa7: {  	s23 =	simm.s32 $0x1B8B  }
0xa8: {  	_ =	swait.ge [sflag:s23], $0x1  }
0xa9: {  	[sflag:s23] =	ssyncset.done $0x0  }
0xaa: {  	s25 =	simm.s32 $0x1B8E;
	s24 =	sld [smem:$0x3FFE];
	[sflag:s23] =	ssyncadd.s32 $0xFFFFFFFF  }
0xab: {  	s26 =	simm.s32 $execute0_lowered;
	[smem:$0x3FD2] =	sst s25  }
0xac: {  	s7 =	sshll.u32 s26, $0x1;
	_ =	strace $0x80000046;
	[dreg:$0x1] =	wrdreg $0xFFFFFFFF  }
0xad: {  	s28 =	simm.s32 $_size_execute0_lowered;
	s5 =	sadd.s32 s5, s7;
	[dreg:$0x0] =	wrdreg $0x0  }
0xae: {  	s7 =	sshll.u32 s28, $0x1;
	[dreg:$0x2] =	wrdreg s5  }
0xaf: {  	[dreg:$0x3] =	wrdreg s7  }
0xb0: {  	[dreg:$0x4] =	wrdreg $0xC0  }
0xb1: {  	_ =	task [dreg:s9], $0x5FFFF  }
0xb2: {  	[dreg:$0x1] =	wrdreg $0xFFFFFFFF  }
0xb3: {  	[dreg:$0x0] =	wrdreg $0x60  }
0xb4: {  	[dreg:$0x2] =	wrdreg s16  }
0xb5: {  	[dreg:$0x3] =	wrdreg s18  }
0xb6: {  	[dreg:$0x4] =	wrdreg s24  }
0xb7: {  	[dreg:$0x5] =	wrdreg s17  }
0xb8: {  	[dreg:$0x6] =	wrdreg $0x9  }
0xb9: {  	_ =	task.clear_ibuf [dreg:s9], $0x7FFFF;
	_ =	strace $0x90000046  }
0xba: {  	s29 =	simm.s32 $0x9;
	_ =	strace $0x80000048  }
0xbb: {  	_ =	swait.ge [sflag:s29], $0x1  }
0xbc: {  	[sflag:s29] =	ssyncadd.s32 $0xFFFFFFFF  }
0xbd: {  	_ =	strace $0x90000048  }
0xbe: {  	_ =	sfence  }
0xbf: {  	s30 =	sld [smem:$0x0];
	_ =	sdelay $0x2  }
0xc0: {  	s31 =	sshll.u32 s1, $0xD;
	s1 =	sshrl.u32 s1, $0x2  }
0xc1: {  	s3 =	sand.u32 $0x4000, s31;
	s1 =	sadd.s32 s1, s30  }
0xc2: {  	s0 =	sor.u32 s3, s0;
	s1 =	sshll.u32 s1, $0x11  }
0xc3: {  	s0 =	sor.u32 s1, s0  }
0xc4: {  	s0 =	sadd.s32 $0x8F2B, s0  }
0xc5: {  	[sflag:s0] =	ssyncadd.remote.s32 $0x1  }
0xc6: {  	_ =	sfence.sel $0xFFFF  }
0xc7: {  	[dreg:$0x0] =	wrdreg $0xFFFFFFFF;
	(pc) =	sbr.abs _section_cstart, $3  }
0xc8: {  	[dreg:$0x1] =	wrdreg $0xFFFFFFFF  }
0xc9: {  	_ =	task.clear_ibuf [dreg:s9], $0x2FFFF;
	_ =	strace $0x9FFFFFFF  }
0xca: {  	(tm) =	ssettm $0x7FFFFFFF  }
0xcb: {  	_ =	shalt  }
tec
execute0_lowered:
.L_overlay_start_1:
0x0: {  	(tag) =	ssettag $0x1  }
0x1: {  	s1 =	rddreg [dreg:$0x0]  }
0x2: {  	s2 =	rddreg [dreg:$0x1]  }
0x3: {  	s11 =	rddreg [dreg:$0x2]  }
0x4: {  	s3 =	rddreg [dreg:$0x3];
	s4 =	simm.s32 $0x0  }
0x5: {  	s5 =	srdreg.scid;
	s16 =	simm.s32 $0x2880;
	s17 =	simm.s32 $0x5000  }
0x6: {  	s18 =	simm.s32 $0x80;
	s19 =	simm.s32 $0x50;
	s20 =	simm.s32 $0x7780  }
0x7: {  	v0 =	vlaneseq.u32;
	s21 =	simm.s32 $0x9F80;
	s22 =	simm.s32 $0xC780;
	s23 =	simm.s32 $0x1  }
0x8: {  	s24 =	simm.s32 $0x2;
	s25 =	simm.s32 $0x0;
	[smem:$0x7FF] =	sst s4;
	v0 =	vmul.u32 $0x80, v0  }
0x9: {  	s6 =	sadd.s32 $0x18200, s11;
	s7 =	sadd.s32 $0x17C00, s11;
	s12 =	sand.u32 $0x1, s5  }
0xa: {  	v1 =	vimm.f32 $0.0e+00;
	s8 =	sadd.s32 $0xDE00, s11;
	s5 =	stileid.u32;
	s9 =	sadd.s32 $0x4000, s11;
	v2 =	vor.u32 $0x1, v0;
	v3 =	vor.u32 $0x2, v0  }
0xb: {  	s10 =	sadd.s32 $0x18800, s11;
	s11 =	sadd.s32 $0x4FA800, s11;
	s13 =	ssub.s32 $0x2, s12;
	v4 =	vor.u32 $0x800, v0;
	v5 =	vor.u32 $0x801, v0;
	v6 =	vor.u32 $0x802, v0  }
0xc: {  	_ =	strace $0x80000047;
	s15 =	sshll.u32 s5, $0x1;
	s14 =	sshrl.u32 s13, $0x1;
	v7 =	vor.u32 $0x1000, v0;
	v8 =	vor.u32 $0x1001, v0;
	v9 =	vor.u32 $0x1002, v0  }
0xd: {  	s12 =	sor.u32 s12, s15;
	s15 =	simm.s32 $0x3;
	v10 =	vor.u32 $0x1800, v0;
	v11 =	vor.u32 $0x1801, v0;
	v12 =	vor.u32 $0x1802, v0;
	s13 =	ssub.s32 s13, s14  }
0xe: {  	v13 =	vor.u32 $0x2000, v0;
	v14 =	vor.u32 $0x2001, v0;
	v15 =	vor.u32 $0x2002, v0;
	s12 =	smul.u32 $0x2710, s12;
	s14 =	simm.s32 $0x100;
	s13 =	smax.u32 s13, $0x1  }
.LBB2_1:
0xf: {  	[tilespmem:s14], [sflag:$0x3] =	stream.linear.gather [hbm4b:s6+s4], $0x2780, $0x38;
	[tilespmem:$0xEF80] =	vst v63  }
0x10: {  	_ =	swait.ge [sflag:s15], $0x2780  }
0x11: {  	[sflag:s15] =	ssyncset.done $0x0  }
0x12: {  	[sflag:s15] =	ssyncadd.s32 $0xFFFFD880  }
0x13: {  	[tilespmem:s16], [sflag:$0x3] =	stream.linear.gather [hbm4b:s7+s4], $0x2780, $0x38;
	[tilespmem:$0xEF80] =	vst v63  }
0x14: {  	_ =	swait.ge [sflag:s15], $0x2780  }
0x15: {  	[sflag:s15] =	ssyncset.done $0x0  }
0x16: {  	[sflag:s15] =	ssyncadd.s32 $0xFFFFD880  }
0x17: {  	[tilespmem:s17], [sflag:$0x3] =	stream.linear.gather [hbm4b:s3+s4], $0x2780, $0x38;
	[tilespmem:$0xEF80] =	vst v63  }
0x18: {  	_ =	swait.ge [sflag:s15], $0x2780  }
0x19: {  	[sflag:s15] =	ssyncset.done $0x0  }
0x1a: {  	s26 =	simm.s32 $0x200;
	s28 =	simm.s32 $0x0;
	[sflag:s15] =	ssyncadd.s32 $0xFFFFD880  }
.LBB2_2:
0x1b: {  	p0 =	sne.s32 s26, $0x9E00;
	[tilespmem:s28+$0xC780] =	vst v1;
	s28 =	smov.u32 s26;
	s26 =	sadd.s32 $0x200, s26  }
.Ltmp0:
0x1c: {  	(pc) =	sbr.rel @p0 .LBB2_2-.Ltmp0, $2  }
0x1d: {  	_ =	sdelay $0x2  }
0x1e: {  	s28 =	sshra.s32 s28, $0x2  }
0x1f: {  	[tilespmem:s28+$0xC780] =	vst v1;
	s26 =	simm.s32 $0x0;
	s28 =	simm.s32 $0x0  }
.LBB2_4:
0x20: {  	s29 =	smul.u32 $0x50, s28;
	_ =	sdelay $0x1  }
0x21: {  	s29 =	sadd.s32 s12, s29  }
0x22: {  	s30 =	sshrl.u32 s29, $0x3  }
0x23: {  	s31 =	sadd.s32 s8, s30  }
0x24: {  	[tilespmem:s26], [sflag:$0x3] =	stream.linear.gather [hbm4b:s31+s26], $0x50, $0x38;
	[tilespmem:$0xEF80] =	vst v63  }
0x25: {  	_ =	swait.ge [sflag:s15], $0x50  }
0x26: {  	[sflag:s15] =	ssyncset.done $0x0  }
0x27: {  	s30 =	sadd.s32 s9, s30;
	[sflag:s15] =	ssyncadd.s32 $0xFFFFFFB0  }
0x28: {  	[tilespmem:s18], [sflag:$0x3] =	stream.linear.gather [hbm4b:s30+s26], $0x50, $0x38;
	[tilespmem:$0xEF80] =	vst v63  }
0x29: {  	_ =	swait.ge [sflag:s15], $0x50  }
0x2a: {  	[sflag:s15] =	ssyncset.done $0x0  }
0x2b: {  	[sflag:s15] =	ssyncadd.s32 $0xFFFFFFB0  }
0x2c: {  	[tilespmem:s20], [sflag:$0x1] =	stream.indirect.gather [hbm4b:s1+s19], $0x80, s26, s19, $0xb8;
	[tilespmem:$0xEF80] =	vst v63  }
0x2d: {  	_ = 	snop  }
0x2e: {  	[tilespmem:s21], [sflag:$0x2] =	stream.indirect.gather [hbm4b:s2+s19], $0x80, s18, s19, $0xb8;
	[tilespmem:$0xEF80] =	vst v63  }
0x2f: {  	v16 =	vld [tilespmem:$0x0]  }
0x30: {  	v17 =	vld [tilespmem:$0x80];
	_ =	sdelay $0x6  }
0x31: {  	v18 =	vld.idx.msk [tilespmem:v16+s14+$0x0], $0xffff  }
0x32: {  	v19 =	vld.idx.msk [tilespmem:v17+s14+$0x0], $0xffff;
	_ =	sdelay $0x4  }
0x33: {  	v18 =	vsub.f32 v18, v19;
	_ =	sdelay $0x1  }
0x34: {  	[tilespmem:v0+s22+$0x0] =	vst.idx.msk $0xffff, v18  }
0x35: {  	v18 =	vld.idx.msk [tilespmem:v16+s16+$0x0], $0xffff  }
0x36: {  	v19 =	vld.idx.msk [tilespmem:v17+s16+$0x0], $0xffff;
	_ =	sdelay $0x4  }
0x37: {  	v18 =	vsub.f32 v18, v19;
	_ =	sdelay $0x1  }
0x38: {  	[tilespmem:v2+s22+$0x0] =	vst.idx.msk $0xffff, v18  }
0x39: {  	v16 =	vld.idx.msk [tilespmem:v16+s17+$0x0], $0xffff  }
0x3a: {  	v17 =	vld.idx.msk [tilespmem:v17+s17+$0x0], $0xffff;
	_ =	sdelay $0x4  }
0x3b: {  	v16 =	vsub.f32 v16, v17;
	_ =	sdelay $0x1  }
0x3c: {  	[tilespmem:v3+s22+$0x0] =	vst.idx.msk $0xffff, v16  }
0x3d: {  	v16 =	vld [tilespmem:$0x10]  }
0x3e: {  	v17 =	vld [tilespmem:$0x90];
	_ =	sdelay $0x6  }
0x3f: {  	v18 =	vld.idx.msk [tilespmem:v16+s14+$0x0], $0xffff  }
0x40: {  	v19 =	vld.idx.msk [tilespmem:v17+s14+$0x0], $0xffff;
	_ =	sdelay $0x4  }
0x41: {  	v18 =	vsub.f32 v18, v19;
	_ =	sdelay $0x1  }
0x42: {  	[tilespmem:v4+s22+$0x0] =	vst.idx.msk $0xffff, v18  }
0x43: {  	v18 =	vld.idx.msk [tilespmem:v16+s16+$0x0], $0xffff  }
0x44: {  	v19 =	vld.idx.msk [tilespmem:v17+s16+$0x0], $0xffff;
	_ =	sdelay $0x4  }
0x45: {  	v18 =	vsub.f32 v18, v19;
	_ =	sdelay $0x1  }
0x46: {  	[tilespmem:v5+s22+$0x0] =	vst.idx.msk $0xffff, v18  }
0x47: {  	v16 =	vld.idx.msk [tilespmem:v16+s17+$0x0], $0xffff  }
0x48: {  	v17 =	vld.idx.msk [tilespmem:v17+s17+$0x0], $0xffff;
	_ =	sdelay $0x4  }
0x49: {  	v16 =	vsub.f32 v16, v17;
	_ =	sdelay $0x1  }
0x4a: {  	[tilespmem:v6+s22+$0x0] =	vst.idx.msk $0xffff, v16  }
0x4b: {  	v16 =	vld [tilespmem:$0x20]  }
0x4c: {  	v17 =	vld [tilespmem:$0xA0];
	_ =	sdelay $0x6  }
0x4d: {  	v18 =	vld.idx.msk [tilespmem:v16+s14+$0x0], $0xffff  }
0x4e: {  	v19 =	vld.idx.msk [tilespmem:v17+s14+$0x0], $0xffff;
	_ =	sdelay $0x4  }
0x4f: {  	v18 =	vsub.f32 v18, v19;
	_ =	sdelay $0x1  }
0x50: {  	[tilespmem:v7+s22+$0x0] =	vst.idx.msk $0xffff, v18  }
0x51: {  	v18 =	vld.idx.msk [tilespmem:v16+s16+$0x0], $0xffff  }
0x52: {  	v19 =	vld.idx.msk [tilespmem:v17+s16+$0x0], $0xffff;
	_ =	sdelay $0x4  }
0x53: {  	v18 =	vsub.f32 v18, v19;
	_ =	sdelay $0x1  }
0x54: {  	[tilespmem:v8+s22+$0x0] =	vst.idx.msk $0xffff, v18  }
0x55: {  	v16 =	vld.idx.msk [tilespmem:v16+s17+$0x0], $0xffff  }
0x56: {  	v17 =	vld.idx.msk [tilespmem:v17+s17+$0x0], $0xffff;
	_ =	sdelay $0x4  }
0x57: {  	v16 =	vsub.f32 v16, v17;
	_ =	sdelay $0x1  }
0x58: {  	[tilespmem:v9+s22+$0x0] =	vst.idx.msk $0xffff, v16  }
0x59: {  	v16 =	vld [tilespmem:$0x30]  }
0x5a: {  	v17 =	vld [tilespmem:$0xB0];
	_ =	sdelay $0x6  }
0x5b: {  	v18 =	vld.idx.msk [tilespmem:v16+s14+$0x0], $0xffff  }
0x5c: {  	v19 =	vld.idx.msk [tilespmem:v17+s14+$0x0], $0xffff;
	_ =	sdelay $0x4  }
0x5d: {  	v18 =	vsub.f32 v18, v19;
	_ =	sdelay $0x1  }
0x5e: {  	[tilespmem:v10+s22+$0x0] =	vst.idx.msk $0xffff, v18  }
0x5f: {  	v18 =	vld.idx.msk [tilespmem:v16+s16+$0x0], $0xffff  }
0x60: {  	v19 =	vld.idx.msk [tilespmem:v17+s16+$0x0], $0xffff;
	_ =	sdelay $0x4  }
0x61: {  	v18 =	vsub.f32 v18, v19;
	_ =	sdelay $0x1  }
0x62: {  	[tilespmem:v11+s22+$0x0] =	vst.idx.msk $0xffff, v18  }
0x63: {  	v16 =	vld.idx.msk [tilespmem:v16+s17+$0x0], $0xffff  }
0x64: {  	v17 =	vld.idx.msk [tilespmem:v17+s17+$0x0], $0xffff;
	_ =	sdelay $0x4  }
0x65: {  	v16 =	vsub.f32 v16, v17;
	_ =	sdelay $0x1  }
0x66: {  	[tilespmem:v12+s22+$0x0] =	vst.idx.msk $0xffff, v16  }
0x67: {  	v16 =	vld [tilespmem:$0x40]  }
0x68: {  	v17 =	vld [tilespmem:$0xC0];
	_ =	sdelay $0x6  }
0x69: {  	v18 =	vld.idx.msk [tilespmem:v16+s14+$0x0], $0xffff  }
0x6a: {  	v19 =	vld.idx.msk [tilespmem:v17+s14+$0x0], $0xffff;
	_ =	sdelay $0x4  }
0x6b: {  	v18 =	vsub.f32 v18, v19;
	_ =	sdelay $0x1  }
0x6c: {  	[tilespmem:v13+s22+$0x0] =	vst.idx.msk $0xffff, v18  }
0x6d: {  	v18 =	vld.idx.msk [tilespmem:v16+s16+$0x0], $0xffff  }
0x6e: {  	v19 =	vld.idx.msk [tilespmem:v17+s16+$0x0], $0xffff;
	_ =	sdelay $0x4  }
0x6f: {  	v18 =	vsub.f32 v18, v19;
	_ =	sdelay $0x1  }
0x70: {  	[tilespmem:v14+s22+$0x0] =	vst.idx.msk $0xffff, v18  }
0x71: {  	v16 =	vld.idx.msk [tilespmem:v16+s17+$0x0], $0xffff  }
0x72: {  	v17 =	vld.idx.msk [tilespmem:v17+s17+$0x0], $0xffff;
	_ =	sdelay $0x4  }
0x73: {  	v16 =	vsub.f32 v16, v17;
	_ =	sdelay $0x1  }
0x74: {  	[tilespmem:v15+s22+$0x0] =	vst.idx.msk $0xffff, v16  }
0x75: {  	_ =	swait.ge [sflag:s23], $0x2800  }
0x76: {  	[sflag:s23] =	ssyncset.done $0x0  }
0x77: {  	[sflag:s23] =	ssyncadd.s32 $0xFFFFD800  }
0x78: {  	_ =	swait.ge [sflag:s24], $0x2800  }
0x79: {  	[sflag:s24] =	ssyncset.done $0x0  }
0x7a: {  	s30 =	simm.s32 $0x0;
	[sflag:s24] =	ssyncadd.s32 $0xFFFFD800  }
0x7b: {  	v23 =	vld [tilespmem:s30+$0x9F80]  }
0x7c: {  	v27 =	vld [tilespmem:s30+$0x9F90]  }
0x7d: {  	v21 =	vld [tilespmem:s30+$0x9FA0]  }
0x7e: {  	v20 =	vld [tilespmem:s30+$0x9FB0]  }
0x7f: {  	v19 =	vld [tilespmem:s30+$0x9FC0]  }
0x80: {  	v18 =	vld [tilespmem:s30+$0x9FD0]  }
0x81: {  	v17 =	vld [tilespmem:s30+$0x9FE0]  }
0x82: {  	v16 =	vld [tilespmem:s30+$0x9FF0]  }
0x83: {  	v28 =	vld [tilespmem:s30+$0x7780]  }
0x84: {  	v29 =	vld [tilespmem:s30+$0x7790]  }
0x85: {  	v26 =	vld [tilespmem:s30+$0x77A0]  }
0x86: {  	v25 =	vld [tilespmem:s30+$0x77B0]  }
0x87: {  	v24 =	vld [tilespmem:s30+$0x77C0]  }
0x88: {  	v22 =	vld [tilespmem:s30+$0x77D0];
	v28 =	vadd.f32 v23, v28  }
0x89: {  	s31 =	simm.s32 $0x200;
	v27 =	vadd.f32 v27, v29;
	v23 =	vld [tilespmem:s30+$0x77E0]  }
.LBB2_5:
0x8a: {  	s0 =	sshra.s32 s31, $0x2;
	p0 =	sne.s32 s31, $0x9E00;
	[tilespmem:s30+$0x7780] =	vst v28;
	v21 =	vadd.f32 v21, v26;
	v26 =	vld [tilespmem:s30+$0x77F0]  }
0x8b: {  	v28 =	vld [tilespmem:s0+$0x9F80];
	[tilespmem:s30+$0x7790] =	vst v27;
	v20 =	vadd.f32 v20, v25  }
0x8c: {  	v27 =	vld [tilespmem:s0+$0x9F90];
	[tilespmem:s30+$0x77A0] =	vst v21;
	v19 =	vadd.f32 v19, v24  }
0x8d: {  	v21 =	vld [tilespmem:s0+$0x9FA0];
	[tilespmem:s30+$0x77B0] =	vst v20;
	v18 =	vadd.f32 v18, v22  }
0x8e: {  	v20 =	vld [tilespmem:s0+$0x9FB0];
	[tilespmem:s30+$0x77C0] =	vst v19;
	v17 =	vadd.f32 v17, v23  }
0x8f: {  	v19 =	vld [tilespmem:s0+$0x9FC0];
	[tilespmem:s30+$0x77D0] =	vst v18;
	v16 =	vadd.f32 v16, v26  }
0x90: {  	v18 =	vld [tilespmem:s0+$0x9FD0];
	[tilespmem:s30+$0x77E0] =	vst v17  }
0x91: {  	v17 =	vld [tilespmem:s0+$0x9FE0];
	[tilespmem:s30+$0x77F0] =	vst v16;
	s30 =	smov.u32 s0  }
0x92: {  	v16 =	vld [tilespmem:s30+$0x9FF0]  }
0x93: {  	v22 =	vld [tilespmem:s30+$0x7780]  }
0x94: {  	v23 =	vld [tilespmem:s30+$0x7790]  }
.Ltmp1:
0x95: {  	v26 =	vld [tilespmem:s30+$0x77A0];
	(pc) =	sbr.rel @p0 .LBB2_5-.Ltmp1, $4  }
0x96: {  	v25 =	vld [tilespmem:s30+$0x77B0]  }
0x97: {  	v24 =	vld [tilespmem:s30+$0x77C0]  }
0x98: {  	v28 =	vadd.f32 v28, v22;
	v22 =	vld [tilespmem:s30+$0x77D0]  }
0x99: {  	s31 =	sadd.s32 $0x200, s31;
	v27 =	vadd.f32 v27, v23;
	v23 =	vld [tilespmem:s30+$0x77E0]  }
0x9a: {  	[tilespmem:s30+$0x7780] =	vst v28;
	v21 =	vadd.f32 v21, v26;
	v63 =	vld [tilespmem:s30+$0x77F0]  }
0x9b: {  	[tilespmem:s30+$0x7790] =	vst v27;
	v20 =	vadd.f32 v20, v25  }
0x9c: {  	[tilespmem:s30+$0x77A0] =	vst v21;
	v19 =	vadd.f32 v19, v24  }
0x9d: {  	[tilespmem:s30+$0x77B0] =	vst v20;
	v18 =	vadd.f32 v18, v22  }
0x9e: {  	[tilespmem:s30+$0x77C0] =	vst v19;
	v17 =	vadd.f32 v17, v23  }
0x9f: {  	[tilespmem:s30+$0x77D0] =	vst v18;
	v16 =	vadd.f32 v16, v63  }
0xa0: {  	s0 =	sshll.u32 s29, $0x4;
	[tilespmem:s30+$0x77E0] =	vst v17  }
0xa1: {  	s29 =	sadd.s32 s10, s0;
	[tilespmem:s30+$0x77F0] =	vst v16  }
0xa2: {  	[hbm4b:s29+s4] =	stream.linear.scatter [tilespmem:s20], [sflag:$0x3], $0x2800, $0x38;
	[tilespmem:$0xEF80] =	vst v63  }
0xa3: {  	s28 =	sadd.s32 $0x1, s28;
	_ =	swait.ge [sflag:s15], $0x2800  }
0xa4: {  	p0 =	sne.s32 s28, $0x7D;
	[sflag:s15] =	ssyncset.done $0x0  }
.Ltmp2:
0xa5: {  	s0 =	sadd.s32 s11, s0;
	[sflag:s15] =	ssyncadd.s32 $0xFFFFD800;
	(pc) =	sbr.rel @p0 .LBB2_4-.Ltmp2, $4  }
0xa6: {  	[hbm4b:s0+s4] =	stream.linear.scatter [tilespmem:s22], [sflag:$0x3], $0x2800, $0x38;
	[tilespmem:$0xEF80] =	vst v63  }
0xa7: {  	_ =	swait.ge [sflag:s15], $0x2800  }
0xa8: {  	[sflag:s15] =	ssyncset.done $0x0  }
0xa9: {  	[sflag:s15] =	ssyncadd.s32 $0xFFFFD800  }
0xaa: {  	s25 =	sadd.s32 $0x1, s25  }
0xab: {  	p0 =	sne.s32 s25, s13  }
.Ltmp3:
0xac: {  	_ = 	snop;
	(pc) =	sbr.rel @p0 .LBB2_1-.Ltmp3, $1  }
0xad: {  	_ =	sdelay $0x3  }
0xae: {  	_ =	sfence.sel $0x180000  }
0xaf: {  	[bflag:$0x0] =	sbarrier.arrive $0xFFFF  }
0xb0: {  	_ =	strace $0x90000047  }
0xb1: {  	[bflag:$0x2] =	sbarrier.arrive $0xFFFF  }
0xb2: {  	p0 =	sne.s32 s5, $0x0;
	s0 =	rddreg [dreg:$0x4]  }
0xb3: {  	s0 =	sadd.s32 @!p0 $0x100000, s0  }
0xb4: {  	[sflag:s0] =	ssyncadd.tile.s32 @!p0 $0x1;
	_ =	shalt  }
.Lfunc_end2:
_tile_overlayer_lowered:
.L_overlay_start_2:
0xb5: {  	(tag) =	ssettag $0x2  }
0xb6: {  	s0 =	rddreg [dreg:$0x0];
	s2 =	stileid.u32  }
0xb7: {  	s1 =	rddreg [dreg:$0x1];
	p0 =	sne.s32 s2, $0x0  }
0xb8: {  	s3 =	rddreg [dreg:$0x2];
	[bflag:$0x3] =	sbarrier.arrive $0xFFFF;
	s2 =	simm.s32 @!p0 $0x1C03  }
0xb9: {  	[timem:s3], [sflag:s2] =	dma.local @!p0 [hbm:s0], s1  }
0xba: {  	s0 =	simm.s32 @!p0 $0x3  }
0xbb: {  	_ =	swait.ge @!p0 [sflag:s0], s1  }
0xbc: {  	s1 =	ssub.s32 @!p0 $0x0, s1;
	[sflag:s0] =	ssyncset.done @!p0 $0x0  }
0xbd: {  	[sflag:s0] =	ssyncadd.s32 @!p0 s1  }
0xbe: {  	[bflag:$0x3] =	sbarrier.arrive $0xFFFF  }
0xbf: {  	_ =	shalt  }

</sc_bundles>
